<compile_context>
chip_gen: v7x
topology: tpu7x:2x2x1
jax: 0.10.2.dev20260603
libtpu: 0.0.44.dev20260713+nightly
codegen_flags: <defaults>
</compile_context>

<pallas_src>
import functools

import jax
import jax.numpy as jnp
import numpy as np
from jax import lax
from jax.experimental import pallas as pl
from jax.experimental.pallas import tpu as pltpu
from jax.experimental.pallas import tpu_sc as plsc

L = 2048
D_MODEL = 768
D_CKV = 192
D_CQ = 256
N_HEAD = 8
D_HEAD = 64
D_ROPE = 32
HALF = D_ROPE // 2
K_TS = 32
WINDOW = 16
N_IDX = 2
ROPE_BASE = 10000.0
SCALE = (D_HEAD + D_ROPE) ** (-0.5)

D_TAB = 256

_F32 = jnp.float32
_NEG_SENTINEL = np.int32(-(2 ** 31))


def _softplus(x):
    return jnp.maximum(x, 0.0) + jnp.log1p(jnp.exp(-jnp.abs(x)))



def _precompute_body(x_ref, w_dkv_ref, w_kr_ref, w_dq_ref, w_uq_ref, w_qr_ref,
                     w_uk_ref, idx_wq_ref, idx_wk_ref, qcos_ref, qsin_ref,
                     ckvsp_ref, qabs_ref, qrope_ref, qi_ref, ki_ref):
    x = x_ref[...]
    ckvsp_ref[:, :D_CKV] = jnp.dot(x, w_dkv_ref[...], preferred_element_type=_F32)
    ckvsp_ref[:, D_CKV:D_CKV + D_ROPE] = _softplus(
        jnp.dot(x, w_kr_ref[...], preferred_element_type=_F32))
    ckvsp_ref[:, D_CKV + D_ROPE:] = jnp.zeros(
        (x.shape[0], D_TAB - D_CKV - D_ROPE), dtype=_F32)
    c_q = jnp.dot(x, w_dq_ref[...], preferred_element_type=_F32)
    q_c = jnp.dot(c_q, w_uq_ref[...], preferred_element_type=_F32)
    for h in range(N_HEAD):
        qc_h = q_c[:, h * D_HEAD:(h + 1) * D_HEAD]
        w_uk_h = w_uk_ref[:, h * D_HEAD:(h + 1) * D_HEAD]
        qabs_ref[:, h * D_CKV:(h + 1) * D_CKV] = lax.dot_general(
            qc_h, w_uk_h, (((1,), (1,)), ((), ())),
            preferred_element_type=_F32)
    sp_q = _softplus(jnp.dot(c_q, w_qr_ref[...], preferred_element_type=_F32))
    qcos = qcos_ref[...]
    qsin = qsin_ref[...]
    for h in range(N_HEAD):
        mu1 = sp_q[:, h * D_ROPE:h * D_ROPE + HALF]
        mu2 = sp_q[:, h * D_ROPE + HALF:(h + 1) * D_ROPE]
        qrope_ref[:, h * D_ROPE:h * D_ROPE + HALF] = mu1 * qcos - mu2 * qsin
        qrope_ref[:, h * D_ROPE + HALF:(h + 1) * D_ROPE] = mu1 * qsin + mu2 * qcos
    qi_ref[...] = jnp.dot(x, idx_wq_ref[...], preferred_element_type=_F32)
    ki_ref[...] = jnp.dot(x, idx_wk_ref[...], preferred_element_type=_F32)


def _precompute(x2, w_dkv, w_kr, w_dq, w_uq, w_qr, w_uk, idx_wq, idx_wk,
                qcos, qsin):
    B = 256
    grid = (L // B,)
    full = lambda shape: pl.BlockSpec(shape, lambda i: (0, 0))
    blk = lambda cols: pl.BlockSpec((B, cols), lambda i: (i, 0))
    return pl.pallas_call(
        _precompute_body,
        grid=grid,
        in_specs=[
            blk(D_MODEL),
            full((D_MODEL, D_CKV)),
            full((D_MODEL, D_ROPE)),
            full((D_MODEL, D_CQ)),
            full((D_CQ, N_HEAD * D_HEAD)),
            full((D_CQ, N_HEAD * D_ROPE)),
            full((D_CKV, N_HEAD * D_HEAD)),
            full((D_MODEL, N_IDX * D_HEAD)),
            full((D_MODEL, D_HEAD)),
            blk(HALF),
            blk(HALF),
        ],
        out_specs=[
            blk(D_TAB),
            blk(N_HEAD * D_CKV),
            blk(N_HEAD * D_ROPE),
            blk(N_IDX * D_HEAD),
            blk(D_HEAD),
        ],
        out_shape=[
            jax.ShapeDtypeStruct((L, D_TAB), _F32),
            jax.ShapeDtypeStruct((L, N_HEAD * D_CKV), _F32),
            jax.ShapeDtypeStruct((L, N_HEAD * D_ROPE), _F32),
            jax.ShapeDtypeStruct((L, N_IDX * D_HEAD), _F32),
            jax.ShapeDtypeStruct((L, D_HEAD), _F32),
        ],
    )(x2, w_dkv, w_kr, w_dq, w_uq, w_qr, w_uk, idx_wq, idx_wk, qcos, qsin)



def _topk_body(qi_ref, ki_ref, idxw_ref, idx_ref, keys_ref):
    blk = pl.program_id(0)
    B = qi_ref.shape[0]
    ki = ki_ref[...]
    acc = None
    for h in range(N_IDX):
        qi_h = qi_ref[:, h * D_HEAD:(h + 1) * D_HEAD]
        s = lax.dot_general(qi_h, ki, (((1,), (1,)), ((), ())),
                            preferred_element_type=_F32)
        s = s.astype(jnp.bfloat16).astype(_F32)
        s = jnp.maximum(s, 0.0) * idxw_ref[0, h]
        acc = s if acc is None else acc + s
    acc = jnp.where(acc == 0.0, 0.0, acc)
    row = blk * B + lax.broadcasted_iota(jnp.int32, (B, L), 0)
    col = lax.broadcasted_iota(jnp.int32, (B, L), 1)
    local = (col >= row - (WINDOW - 1)) & (col <= row)
    future = col > row
    vals = jnp.where(local, jnp.inf, jnp.where(future, -jnp.inf, acc))
    keys_ref[...] = lax.bitcast_convert_type(vals, jnp.int32)
    cols = []
    for _ in range(K_TS):
        k = keys_ref[...]
        m = jnp.max(k, axis=1, keepdims=True)
        cand = jnp.where(k == m, col, jnp.int32(L))
        amin = jnp.min(cand, axis=1)
        cols.append(amin.reshape(B, 1))
        keys_ref[...] = jnp.where(col == amin[:, None], _NEG_SENTINEL, k)
    idx_ref[...] = jnp.concatenate(cols, axis=1)


def _topk_fast_body(qi_ref, ki_ref, idxw_ref, idx_ref, keys_ref):
    blk = pl.program_id(0) + 1
    B = qi_ref.shape[0]
    ki = ki_ref[...]
    acc = None
    for h in range(N_IDX):
        qi_h = qi_ref[:, h * D_HEAD:(h + 1) * D_HEAD]
        s = lax.dot_general(qi_h, ki, (((1,), (1,)), ((), ())),
                            preferred_element_type=_F32)
        s = s.astype(jnp.bfloat16).astype(_F32)
        s = jnp.maximum(s, 0.0) * idxw_ref[0, h]
        acc = s if acc is None else acc + s
    acc = jnp.where(acc == 0.0, 0.0, acc)
    row = blk * B + lax.broadcasted_iota(jnp.int32, (B, L), 0)
    col = lax.broadcasted_iota(jnp.int32, (B, L), 1)
    keys0 = lax.bitcast_convert_type(acc, jnp.int32)
    keys_ref[...] = jnp.where(col <= row - WINDOW, keys0, _NEG_SENTINEL)
    wcol = lax.broadcasted_iota(jnp.int32, (B, WINDOW), 1)
    wrow = blk * B + lax.broadcasted_iota(jnp.int32, (B, WINDOW), 0)
    cols = [wrow - (WINDOW - 1) + wcol]
    for _ in range(K_TS - WINDOW):
        k = keys_ref[...]
        m = jnp.max(k, axis=1, keepdims=True)
        cand = jnp.where(k == m, col, jnp.int32(L))
        amin = jnp.min(cand, axis=1)
        cols.append(amin.reshape(B, 1))
        keys_ref[...] = jnp.where(col == amin[:, None], _NEG_SENTINEL, k)
    idx_ref[...] = jnp.concatenate(cols, axis=1)


def _topk(qi, ki, idx_w2):
    B = 256
    idx0 = pl.pallas_call(
        _topk_body,
        grid=(1,),
        in_specs=[
            pl.BlockSpec((B, N_IDX * D_HEAD), lambda i: (i, 0)),
            pl.BlockSpec((L, D_HEAD), lambda i: (0, 0)),
            pl.BlockSpec(memory_space=pltpu.SMEM),
        ],
        out_specs=pl.BlockSpec((B, K_TS), lambda i: (i, 0)),
        out_shape=jax.ShapeDtypeStruct((B, K_TS), jnp.int32),
        scratch_shapes=[pltpu.VMEM((B, L), jnp.int32)],
    )(qi, ki, idx_w2)
    idx1 = pl.pallas_call(
        _topk_fast_body,
        grid=(L // B - 1,),
        in_specs=[
            pl.BlockSpec((B, N_IDX * D_HEAD), lambda i: (i + 1, 0)),
            pl.BlockSpec((L, D_HEAD), lambda i: (0, 0)),
            pl.BlockSpec(memory_space=pltpu.SMEM),
        ],
        out_specs=pl.BlockSpec((B, K_TS), lambda i: (i, 0)),
        out_shape=jax.ShapeDtypeStruct((L - B, K_TS), jnp.int32),
        scratch_shapes=[pltpu.VMEM((B, L), jnp.int32)],
    )(qi, ki, idx_w2)
    return jnp.concatenate([idx0, idx1], axis=0)



def _sc_gather(table, idx_flat):
    n_rows = L * K_TS
    d = D_TAB
    info = plsc.get_sparse_core_info()
    nw = info.num_cores * info.num_subcores
    chunk = 128
    per_w = n_rows // nw
    n_chunks = per_w // chunk
    mesh = plsc.VectorSubcoreMesh(core_axis_name="c", subcore_axis_name="s")

    @functools.partial(
        pl.kernel,
        mesh=mesh,
        out_type=jax.ShapeDtypeStruct((n_rows, d), _F32),
        scratch_types=[
            pltpu.VMEM((chunk,), jnp.int32),
            pltpu.VMEM((chunk, d), _F32),
            pltpu.SemaphoreType.DMA,
        ],
    )
    def gather_k(table_hbm, idx_hbm, out_hbm, idx_v, rows_v, sem):
        wid = lax.axis_index("s") * info.num_cores + lax.axis_index("c")

        def body(i, _):
            base = wid * per_w + i * chunk
            pltpu.sync_copy(idx_hbm.at[pl.ds(base, chunk)], idx_v)
            pltpu.async_copy(table_hbm.at[idx_v], rows_v, sem).wait()
            pltpu.sync_copy(rows_v, out_hbm.at[pl.ds(base, chunk)])
            return 0

        lax.fori_loop(0, n_chunks, body, 0)

    return gather_k(table, idx_flat)



def _attn_body(qabs_ref, qrope_ref, gath_ref, scos_ref, ssin_ref,
               w_uv_ref, w_out_ref, out_ref):
    B = qabs_ref.shape[0]
    gath = gath_ref[...]
    ckv = gath[:, :D_CKV].reshape(B, K_TS, D_CKV)
    sp = gath[:, D_CKV:D_CKV + D_ROPE].reshape(B, K_TS, D_ROPE)
    mu1 = sp[:, :, :HALF]
    mu2 = sp[:, :, HALF:]
    scos = scos_ref[...][None, :, :]
    ssin = ssin_ref[...][None, :, :]
    kr1 = mu1 * scos - mu2 * ssin
    kr2 = mu1 * ssin + mu2 * scos
    kr = jnp.concatenate([kr1, kr2], axis=-1)
    qabs3 = qabs_ref[...].reshape(B, N_HEAD, D_CKV)
    qr3 = qrope_ref[...].reshape(B, N_HEAD, D_ROPE)
    bdims = (((2,), (2,)), ((0,), (0,)))
    sc = lax.dot_general(qabs3, ckv, bdims, preferred_element_type=_F32)
    sr = lax.dot_general(qr3, kr, bdims, preferred_element_type=_F32)
    s = (sc + sr) * SCALE
    p = jnp.exp(s - jnp.max(s, axis=2, keepdims=True))
    a = p / jnp.sum(p, axis=2, keepdims=True)
    lat = lax.dot_general(a, ckv, (((2,), (1,)), ((0,), (0,))),
                          preferred_element_type=_F32)
    acc = jnp.zeros((B, D_MODEL), dtype=_F32)
    for h in range(N_HEAD):
        ho = jnp.dot(lat[:, h, :], w_uv_ref[:, h * D_HEAD:(h + 1) * D_HEAD],
                     preferred_element_type=_F32)
        acc = acc + jnp.dot(ho, w_out_ref[h * D_HEAD:(h + 1) * D_HEAD, :],
                            preferred_element_type=_F32)
    out_ref[...] = acc


def _attention(qabs, qrope, gath, scos, ssin, w_uv, w_out):
    B = 128
    d = D_TAB
    return pl.pallas_call(
        _attn_body,
        grid=(L // B,),
        in_specs=[
            pl.BlockSpec((B, N_HEAD * D_CKV), lambda i: (i, 0)),
            pl.BlockSpec((B, N_HEAD * D_ROPE), lambda i: (i, 0)),
            pl.BlockSpec((B * K_TS, d), lambda i: (i, 0)),
            pl.BlockSpec((K_TS, HALF), lambda i: (0, 0)),
            pl.BlockSpec((K_TS, HALF), lambda i: (0, 0)),
            pl.BlockSpec((D_CKV, N_HEAD * D_HEAD), lambda i: (0, 0)),
            pl.BlockSpec((N_HEAD * D_HEAD, D_MODEL), lambda i: (0, 0)),
        ],
        out_specs=pl.BlockSpec((B, D_MODEL), lambda i: (i, 0)),
        out_shape=jax.ShapeDtypeStruct((L, D_MODEL), _F32),
    )(qabs, qrope, gath, scos, ssin, w_uv, w_out)



def kernel(x, w_dkv, w_uk, w_uv, w_dq, w_uq, w_qr, w_kr, raw_delta, w_out,
           idx_wq, idx_wk, idx_w):
    b = x.shape[0]
    x2 = x.reshape(L, D_MODEL)
    theta = 1.0 / (ROPE_BASE ** (2.0 * jnp.arange(HALF, dtype=_F32) / D_ROPE))
    delta = -2.0 * jnp.pi * jax.nn.sigmoid(raw_delta)
    ang_q = jnp.arange(L, dtype=_F32)[:, None] * theta[None, :] + delta[None, :]
    ang_s = jnp.arange(K_TS, dtype=_F32)[:, None] * theta[None, :] + delta[None, :]
    qcos, qsin = jnp.cos(ang_q), jnp.sin(ang_q)
    scos, ssin = jnp.cos(ang_s), jnp.sin(ang_s)

    ckvsp, qabs, qrope, qi, ki = _precompute(
        x2, w_dkv, w_kr, w_dq, w_uq, w_qr, w_uk, idx_wq, idx_wk, qcos, qsin)
    idx = _topk(qi, ki, idx_w.reshape(1, N_IDX))
    gath = _sc_gather(ckvsp, idx.reshape(-1))
    out2 = _attention(qabs, qrope, gath, scos, ssin, w_uv, w_out)
    return out2.reshape(b, L, D_MODEL)

# --- scband reference (transcript-rebuilt; emitter-appended) ---
"""Pipeline reference for scband-multihead-latent-attention-17755394801798 (READ-ONLY COPY).

The authoritative reference and input builder live on the scoring server;
editing this copy changes nothing except your own understanding.
"""

import jax, jax.numpy as jnp
import numpy as np

BATCH = 1
SEQ = 2048
D_MODEL = 768
D_CKV = 192
D_CQ = 256
N_HEAD = 8
D_HEAD = 64
D_ROPE = 32
MAX_SEQ = 2048
K_TS = 32
LOCAL_WINDOW = 16
N_IDX_HEADS = 2
ROPE_BASE = 10000.0


def setup_inputs(seed: int = 0) -> dict:
    key = jax.random.key(seed)
    ks = jax.random.split(key, 12)
    s = 0.02
    return {
        "x": jax.random.normal(ks[0], (BATCH, SEQ, D_MODEL), dtype=jnp.float32),
        "w_dkv": jax.random.normal(ks[1], (D_MODEL, D_CKV), dtype=jnp.float32) * s,
        "w_uk": jax.random.normal(ks[2], (D_CKV, N_HEAD * D_HEAD), dtype=jnp.float32) * s,
        "w_uv": jax.random.normal(ks[3], (D_CKV, N_HEAD * D_HEAD), dtype=jnp.float32) * s,
        "w_dq": jax.random.normal(ks[4], (D_MODEL, D_CQ), dtype=jnp.float32) * s,
        "w_uq": jax.random.normal(ks[5], (D_CQ, N_HEAD * D_HEAD), dtype=jnp.float32) * s,
        "w_qr": jax.random.normal(ks[6], (D_CQ, N_HEAD * D_ROPE), dtype=jnp.float32) * s,
        "w_kr": jax.random.normal(ks[7], (D_MODEL, D_ROPE), dtype=jnp.float32) * s,
        "raw_delta": jnp.zeros((D_ROPE // 2,), dtype=jnp.float32),
        "w_out": jax.random.normal(ks[8], (N_HEAD * D_HEAD, D_MODEL), dtype=jnp.float32) * s,
        "idx_wq": jax.random.normal(ks[9], (D_MODEL, N_IDX_HEADS * D_HEAD), dtype=jnp.float32) * s,
        "idx_wk": jax.random.normal(ks[10], (D_MODEL, D_HEAD), dtype=jnp.float32) * s,
        "idx_w": jnp.ones((N_IDX_HEADS,), dtype=jnp.float32),
    }


def _pope(x, raw_delta):
    half = D_ROPE // 2
    theta = 1.0 / (ROPE_BASE ** (2.0 * jnp.arange(half, dtype=jnp.float32) / D_ROPE))
    pos = jnp.arange(MAX_SEQ, dtype=jnp.float32)
    base_angles = jnp.outer(pos, theta)
    delta = -2.0 * jnp.pi * jax.nn.sigmoid(raw_delta)
    n = x.shape[1]
    angles = base_angles[:n][None, :, None, :] + delta
    cos = jnp.cos(angles)
    sin = jnp.sin(angles)
    sp = jax.nn.softplus(x)
    mu1, mu2 = jnp.split(sp, 2, axis=-1)
    x1 = mu1 * cos - mu2 * sin
    x2 = mu1 * sin + mu2 * cos
    return jnp.concatenate([x1, x2], axis=-1)


def reference(x, w_dkv, w_uk, w_uv, w_dq, w_uq, w_qr, w_kr, raw_delta, w_out, idx_wq, idx_wk, idx_w):
    b, L, _ = x.shape
    c_kv = x @ w_dkv
    # LightningIndexer (fallback path)
    q_i = (x @ idx_wq).reshape(b, L, N_IDX_HEADS, D_HEAD)
    k_i = x @ idx_wk
    scores_i = jax.nn.relu(jnp.einsum('bthd,bsd->bths', q_i, k_i))
    I = jnp.einsum('bths,h->bts', scores_i, idx_w)
    # TokenSelector
    q_pos = jnp.arange(L)[:, None]
    k_pos = jnp.arange(L)[None, :]
    local_mask = (k_pos >= q_pos - LOCAL_WINDOW + 1) & (k_pos <= q_pos)
    causal_mask = k_pos > q_pos
    I = jnp.where(local_mask[None, :, :], jnp.inf, I)
    I = jnp.where(causal_mask[None, :, :], -jnp.inf, I)
    kk = min(K_TS, L)
    _, idx = jax.lax.top_k(I, kk)  # [b, L, kk]
    # gather selected latent kv and raw tokens
    combined = jnp.concatenate([c_kv, x], axis=-1)
    combined_selected = jnp.take_along_axis(combined[:, None, :, :], idx[:, :, :, None], axis=2)
    ckv_selected = combined_selected[..., :D_CKV]
    x_selected = combined_selected[..., D_CKV:]
    key_c = (ckv_selected @ w_uk).reshape(b, L, kk, N_HEAD, D_HEAD).transpose(0, 3, 1, 2, 4)
    value = (ckv_selected @ w_uv).reshape(b, L, kk, N_HEAD, D_HEAD).transpose(0, 3, 1, 2, 4)
    c_q = x @ w_dq
    query_c = (c_q @ w_uq).reshape(b, L, N_HEAD, D_HEAD).transpose(0, 2, 1, 3)
    query_r = _pope((c_q @ w_qr).reshape(b, L, N_HEAD, D_ROPE), raw_delta).transpose(0, 2, 1, 3)
    ker_r_pre = x_selected @ w_kr  # [b, L, kk, D_ROPE]
    key_r = _pope(ker_r_pre.transpose(0, 2, 1, 3), raw_delta)
    key_r = key_r.transpose(0, 2, 1, 3)
    key_r = jnp.broadcast_to(key_r[:, None, :, :, :], (b, N_HEAD, L, kk, D_ROPE))
    query = jnp.concatenate([query_c, query_r], axis=-1)
    key = jnp.concatenate([key_c, key_r], axis=-1)
    scale = (D_HEAD + D_ROPE) ** (-0.5)
    attn_scores = jnp.einsum('bhld,bhlkd->bhlk', query, key) * scale
    attn = jax.nn.softmax(attn_scores.astype(jnp.float32), axis=-1).astype(value.dtype)
    out = jnp.einsum('bhlk,bhlkd->bhld', attn, value)
    attn_o = out.transpose(0, 2, 1, 3).reshape(b, L, N_HEAD * D_HEAD)
    return attn_o @ w_out

if __name__ == "__main__":
    import jax
    _d = setup_inputs()
    print(jax.jit(kernel)(*tuple(_d.values())))

</pallas_src>

<mosaic_0001>
#map = affine_map<(d0, d1) -> (0, 0)>
#map1 = affine_map<(d0, d1) -> (0)>
module attributes {stable_mosaic.version = 14 : i64} {
  func.func @gather_k(%arg0: i32, %arg1: i32, %arg2: memref<2048x256xf32, #tpu.memory_space<hbm>>, %arg3: memref<65536xi32, #tpu.memory_space<hbm>>, %arg4: memref<65536x256xf32, #tpu.memory_space<hbm>>, %arg5: memref<128xi32, #tpu.memory_space<vmem>>, %arg6: memref<128x256xf32, #tpu.memory_space<vmem>>, %arg7: memref<!tpu.dma_semaphore, #tpu.memory_space<semaphore_mem>>) attributes {dimension_semantics = [#tpu.dimension_semantics<core_parallel>, #tpu.dimension_semantics<subcore_parallel>], iteration_bounds = array<i64: 2, 16>, scalar_prefetch = 0 : i64, scratch_operands = 3 : i64, tpu.core_type = #tpu.core_type<sc_vector_subcore>, window_params = [{transform_indices = #map}, {transform_indices = #map1}, {transform_indices = #map}]} {
    %mul3A = arith.constant 2 : i32
    %mul3A_0 = arith.muli %arg1, %mul3A : i32
    %add3A = arith.addi %mul3A_0, %arg0 : i32
    %scan3A = arith.constant 0 : i32
    %scan3A_1 = arith.constant 0 : i32
    %scan3A_2 = arith.constant 16 : i32
    %scan3A_3 = arith.addi %scan3A_1, %scan3A_2 : i32
    %scan3A_4 = arith.constant 1 : i32
    %scan3A_5 = scf.for %scan3A_7 = %scan3A_1 to %scan3A_3 step %scan3A_4 iter_args(%scan3A_8 = %scan3A) -> (i32)  : i32 {
      %mul3A_9 = arith.constant 2048 : i32
      %mul3A_10 = arith.muli %add3A, %mul3A_9 : i32
      %mul3A_11 = arith.constant 128 : i32
      %mul3A_12 = arith.muli %scan3A_7, %mul3A_11 : i32
      %add3A_13 = arith.addi %mul3A_10, %mul3A_12 : i32
      "tpu.region"() ({
        %run_scoped3A = tpu.sem_alloc : memref<!tpu.dma_semaphore, #tpu.memory_space<semaphore_mem>>
        %dma_start3A_19 = tpu.memref_slice %arg3[%add3A_13] : memref<65536xi32, #tpu.memory_space<hbm>> -> memref<128xi32, #tpu.memory_space<hbm>>
        %dma_start3A_20 = tpu.memref_slice %arg3[%add3A_13] : memref<65536xi32, #tpu.memory_space<hbm>> -> memref<128xi32, #tpu.memory_space<hbm>>
        tpu.enqueue_dma source(%dma_start3A_20 : memref<128xi32, #tpu.memory_space<hbm>>) target(%arg5 : memref<128xi32, #tpu.memory_space<vmem>>) target_semaphore(%run_scoped3A : memref<!tpu.dma_semaphore, #tpu.memory_space<semaphore_mem>>)
        %dma_wait3A_21 = tpu.memref_slice %arg3[%add3A_13] : memref<65536xi32, #tpu.memory_space<hbm>> -> memref<128xi32, #tpu.memory_space<hbm>>
        %dma_wait3A_22 = tpu.memref_slice %arg3[%add3A_13] : memref<65536xi32, #tpu.memory_space<hbm>> -> memref<128xi32, #tpu.memory_space<hbm>>
        tpu.wait_dma2 semaphore(%run_scoped3A : memref<!tpu.dma_semaphore, #tpu.memory_space<semaphore_mem>>) src(%dma_wait3A_22 : memref<128xi32, #tpu.memory_space<hbm>>) dst(%arg5 : memref<128xi32, #tpu.memory_space<vmem>>)
        tpu.yield
      }) : () -> ()
      %dma_start3A = arith.constant 0 : i32
      %dma_start3A_14 = arith.constant 0 : i32
      %dma_start3A_15 = tpu.memref_slice %arg2[%dma_start3A, %dma_start3A_14] : memref<2048x256xf32, #tpu.memory_space<hbm>> -> memref<2048x256xf32, #tpu.memory_space<hbm>>
      tpu.enqueue_indirect_dma source(%dma_start3A_15 : memref<2048x256xf32, #tpu.memory_space<hbm>>) target(%arg6 : memref<128x256xf32, #tpu.memory_space<vmem>>) offsets(%arg5 : memref<128xi32, #tpu.memory_space<vmem>>) semaphore(%arg7 : memref<!tpu.dma_semaphore, #tpu.memory_space<semaphore_mem>>)
      %dma_wait3A = arith.constant 0 : i32
      %dma_wait3A_16 = arith.constant 0 : i32
      %dma_wait3A_17 = tpu.memref_slice %arg2[%dma_wait3A, %dma_wait3A_16] : memref<2048x256xf32, #tpu.memory_space<hbm>> -> memref<2048x256xf32, #tpu.memory_space<hbm>>
      tpu.wait_indirect_dma semaphore(%arg7 : memref<!tpu.dma_semaphore, #tpu.memory_space<semaphore_mem>>) src(%dma_wait3A_17 : memref<2048x256xf32, #tpu.memory_space<hbm>>) dst(%arg6 : memref<128x256xf32, #tpu.memory_space<vmem>>)
      "tpu.region"() ({
        %run_scoped3A = tpu.sem_alloc : memref<!tpu.dma_semaphore, #tpu.memory_space<semaphore_mem>>
        %dma_start3A_19 = arith.constant 0 : i32
        %dma_start3A_20 = tpu.memref_slice %arg4[%add3A_13, %dma_start3A_19] : memref<65536x256xf32, #tpu.memory_space<hbm>> -> memref<128x256xf32, #tpu.memory_space<hbm>>
        %dma_start3A_21 = arith.constant 0 : i32
        %dma_start3A_22 = tpu.memref_slice %arg4[%add3A_13, %dma_start3A_21] : memref<65536x256xf32, #tpu.memory_space<hbm>> -> memref<128x256xf32, #tpu.memory_space<hbm>>
        tpu.enqueue_dma source(%arg6 : memref<128x256xf32, #tpu.memory_space<vmem>>) target(%dma_start3A_22 : memref<128x256xf32, #tpu.memory_space<hbm>>) target_semaphore(%run_scoped3A : memref<!tpu.dma_semaphore, #tpu.memory_space<semaphore_mem>>)
        %dma_wait3A_23 = arith.constant 0 : i32
        %dma_wait3A_24 = tpu.memref_slice %arg4[%add3A_13, %dma_wait3A_23] : memref<65536x256xf32, #tpu.memory_space<hbm>> -> memref<128x256xf32, #tpu.memory_space<hbm>>
        %dma_wait3A_25 = arith.constant 0 : i32
        %dma_wait3A_26 = tpu.memref_slice %arg4[%add3A_13, %dma_wait3A_25] : memref<65536x256xf32, #tpu.memory_space<hbm>> -> memref<128x256xf32, #tpu.memory_space<hbm>>
        tpu.wait_dma2 semaphore(%run_scoped3A : memref<!tpu.dma_semaphore, #tpu.memory_space<semaphore_mem>>) src(%arg6 : memref<128x256xf32, #tpu.memory_space<vmem>>) dst(%dma_wait3A_26 : memref<128x256xf32, #tpu.memory_space<hbm>>)
        tpu.yield
      }) : () -> ()
      %scan3A_18 = arith.constant 0 : i32
      scf.yield %scan3A_18 : i32
    }
    %scan3A_6 = arith.constant 16 : i32
    return
  }
}

module attributes {stable_mosaic.version = 14 : i64} {
  func.func @_precompute_body(%arg0: i32, %arg1: memref<256x768xf32, #tpu.memory_space<vmem>>, %arg2: memref<768x192xf32, #tpu.memory_space<vmem>>, %arg3: memref<768x32xf32, #tpu.memory_space<vmem>>, %arg4: memref<768x256xf32, #tpu.memory_space<vmem>>, %arg5: memref<256x512xf32, #tpu.memory_space<vmem>>, %arg6: memref<256x256xf32, #tpu.memory_space<vmem>>, %arg7: memref<192x512xf32, #tpu.memory_space<vmem>>, %arg8: memref<768x128xf32, #tpu.memory_space<vmem>>, %arg9: memref<768x64xf32, #tpu.memory_space<vmem>>, %arg10: memref<256x16xf32, #tpu.memory_space<vmem>>, %arg11: memref<256x16xf32, #tpu.memory_space<vmem>>, %arg12: memref<256x256xf32, #tpu.memory_space<vmem>>, %arg13: memref<256x1536xf32, #tpu.memory_space<vmem>>, %arg14: memref<256x256xf32, #tpu.memory_space<vmem>>, %arg15: memref<256x128xf32, #tpu.memory_space<vmem>>, %arg16: memref<256x64xf32, #tpu.memory_space<vmem>>) attributes {dimension_semantics = [#tpu.dimension_semantics<arbitrary>], iteration_bounds = array<i64: 8>, scalar_prefetch = 0 : i64, scratch_operands = 0 : i64, tpu.core_type = #tpu.core_type<tc>, window_params = [{transform_indices = @transform_0, window_bounds = array<i64: 256, 768>}, {pipeline_mode = #tpu.pipeline_mode<synchronous>, transform_indices = @transform_1, window_bounds = array<i64: 768, 192>}, {pipeline_mode = #tpu.pipeline_mode<synchronous>, transform_indices = @transform_2, window_bounds = array<i64: 768, 32>}, {pipeline_mode = #tpu.pipeline_mode<synchronous>, transform_indices = @transform_3, window_bounds = array<i64: 768, 256>}, {pipeline_mode = #tpu.pipeline_mode<synchronous>, transform_indices = @transform_4, window_bounds = array<i64: 256, 512>}, {pipeline_mode = #tpu.pipeline_mode<synchronous>, transform_indices = @transform_5, window_bounds = array<i64: 256, 256>}, {pipeline_mode = #tpu.pipeline_mode<synchronous>, transform_indices = @transform_6, window_bounds = array<i64: 192, 512>}, {pipeline_mode = #tpu.pipeline_mode<synchronous>, transform_indices = @transform_7, window_bounds = array<i64: 768, 128>}, {pipeline_mode = #tpu.pipeline_mode<synchronous>, transform_indices = @transform_8, window_bounds = array<i64: 768, 64>}, {transform_indices = @transform_9, window_bounds = array<i64: 256, 16>}, {transform_indices = @transform_10, window_bounds = array<i64: 256, 16>}, {transform_indices = @transform_11, window_bounds = array<i64: 256, 256>}, {transform_indices = @transform_12, window_bounds = array<i64: 256, 1536>}, {transform_indices = @transform_13, window_bounds = array<i64: 256, 256>}, {transform_indices = @transform_14, window_bounds = array<i64: 256, 128>}, {transform_indices = @transform_15, window_bounds = array<i64: 256, 64>}]} {
    %get3A = arith.constant 0 : index
    %get3A_0 = arith.constant 0 : index
    %get3A_1 = vector.load %arg1[%get3A, %get3A_0] : memref<256x768xf32, #tpu.memory_space<vmem>>, vector<256x768xf32>
    %get3A_2 = arith.constant 0 : index
    %get3A_3 = arith.constant 0 : index
    %get3A_4 = vector.load %arg2[%get3A_2, %get3A_3] : memref<768x192xf32, #tpu.memory_space<vmem>>, vector<768x192xf32>
    %dot_general3A = arith.constant dense<0.000000e+00> : vector<256x192xf32>
    %dot_general3A_5 = tpu.matmul %get3A_1, %get3A_4, %dot_general3A {dimension_numbers = #tpu.dot_dimension_numbers<[1], [0], [0], [1], [0, 0, 1, 1], [], []>, transpose_lhs_hint = false} : vector<256x768xf32>, vector<768x192xf32>, vector<256x192xf32> -> vector<256x192xf32>
    %swap3A = arith.constant 0 : index
    %swap3A_6 = arith.constant 0 : index
    %swap3A_7 = vector.load %arg12[%swap3A, %swap3A_6] : memref<256x256xf32, #tpu.memory_space<vmem>>, vector<256x192xf32>
    tpu.vector_store %arg12[%swap3A, %swap3A_6], %dot_general3A_5 {strides = array<i32>} : memref<256x256xf32, #tpu.memory_space<vmem>>, vector<256x192xf32>,
    %get3A_8 = arith.constant 0 : index
    %get3A_9 = arith.constant 0 : index
    %get3A_10 = vector.load %arg3[%get3A_8, %get3A_9] : memref<768x32xf32, #tpu.memory_space<vmem>>, vector<768x32xf32>
    %dot_general3A_11 = arith.constant dense<0.000000e+00> : vector<256x32xf32>
    %dot_general3A_12 = tpu.matmul %get3A_1, %get3A_10, %dot_general3A_11 {dimension_numbers = #tpu.dot_dimension_numbers<[1], [0], [0], [1], [0, 0, 1, 1], [], []>, transpose_lhs_hint = false} : vector<256x768xf32>, vector<768x32xf32>, vector<256x32xf32> -> vector<256x32xf32>
    %max3A = arith.constant 0.000000e+00 : f32
    %max3A_13 = vector.broadcast %max3A : f32 to vector<256x32xf32>
    %max3A_14 = arith.maximumf %dot_general3A_12, %max3A_13 : vector<256x32xf32>
    %abs3A = math.absf %dot_general3A_12 : vector<256x32xf32>
    %neg3A = arith.constant 0.000000e+00 : f32
    %neg3A_15 = vector.broadcast %neg3A : f32 to vector<256x32xf32>
    %neg3A_16 = arith.subf %neg3A_15, %abs3A : vector<256x32xf32>
    %exp3A = math.exp %neg3A_16 : vector<256x32xf32>
    %log1p3A = math.log1p %exp3A : vector<256x32xf32>
    %add3A = arith.addf %max3A_14, %log1p3A : vector<256x32xf32>
    %swap3A_17 = arith.constant 0 : index
    %swap3A_18 = arith.constant 192 : index
    %swap3A_19 = vector.load %arg12[%swap3A_17, %swap3A_18] : memref<256x256xf32, #tpu.memory_space<vmem>>, vector<256x32xf32>
    tpu.vector_store %arg12[%swap3A_17, %swap3A_18], %add3A {strides = array<i32>} : memref<256x256xf32, #tpu.memory_space<vmem>>, vector<256x32xf32>,
    %broadcast_in_dim3A = arith.constant 0.000000e+00 : f32
    %broadcast_in_dim3A_20 = vector.broadcast %broadcast_in_dim3A : f32 to vector<256x32xf32>
    %swap3A_21 = arith.constant 0 : index
    %swap3A_22 = arith.constant 224 : index
    %swap3A_23 = vector.load %arg12[%swap3A_21, %swap3A_22] : memref<256x256xf32, #tpu.memory_space<vmem>>, vector<256x32xf32>
    tpu.vector_store %arg12[%swap3A_21, %swap3A_22], %broadcast_in_dim3A_20 {strides = array<i32>} : memref<256x256xf32, #tpu.memory_space<vmem>>, vector<256x32xf32>,
    %get3A_24 = arith.constant 0 : index
    %get3A_25 = arith.constant 0 : index
    %get3A_26 = vector.load %arg4[%get3A_24, %get3A_25] : memref<768x256xf32, #tpu.memory_space<vmem>>, vector<768x256xf32>
    %dot_general3A_27 = arith.constant dense<0.000000e+00> : vector<256x256xf32>
    %dot_general3A_28 = tpu.matmul %get3A_1, %get3A_26, %dot_general3A_27 {dimension_numbers = #tpu.dot_dimension_numbers<[1], [0], [0], [1], [0, 0, 1, 1], [], []>, transpose_lhs_hint = false} : vector<256x768xf32>, vector<768x256xf32>, vector<256x256xf32> -> vector<256x256xf32>
    %get3A_29 = arith.constant 0 : index
    %get3A_30 = arith.constant 0 : index
    %get3A_31 = vector.load %arg5[%get3A_29, %get3A_30] : memref<256x512xf32, #tpu.memory_space<vmem>>, vector<256x512xf32>
    %dot_general3A_32 = arith.constant dense<0.000000e+00> : vector<256x512xf32>
    %dot_general3A_33 = tpu.matmul %dot_general3A_28, %get3A_31, %dot_general3A_32 {dimension_numbers = #tpu.dot_dimension_numbers<[1], [0], [0], [1], [0, 0, 1, 1], [], []>, transpose_lhs_hint = false} : vector<256x256xf32>, vector<256x512xf32>, vector<256x512xf32> -> vector<256x512xf32>
    %slice3A = vector.extract_strided_slice %dot_general3A_33 {offsets = [0, 0], sizes = [256, 64], strides = [1, 1]} : vector<256x512xf32> to vector<256x64xf32>
    %get3A_34 = arith.constant 0 : index
    %get3A_35 = arith.constant 0 : index
    %get3A_36 = vector.load %arg7[%get3A_34, %get3A_35] : memref<192x512xf32, #tpu.memory_space<vmem>>, vector<192x64xf32>
    %dot_general3A_37 = arith.constant dense<0.000000e+00> : vector<256x192xf32>
    %dot_general3A_38 = tpu.matmul %slice3A, %get3A_36, %dot_general3A_37 {dimension_numbers = #tpu.dot_dimension_numbers<[1], [1], [0], [0], [0, 0, 1, 0], [], []>, transpose_lhs_hint = false} : vector<256x64xf32>, vector<192x64xf32>, vector<256x192xf32> -> vector<256x192xf32>
    %swap3A_39 = arith.constant 0 : index
    %swap3A_40 = arith.constant 0 : index
    %swap3A_41 = vector.load %arg13[%swap3A_39, %swap3A_40] : memref<256x1536xf32, #tpu.memory_space<vmem>>, vector<256x192xf32>
    tpu.vector_store %arg13[%swap3A_39, %swap3A_40], %dot_general3A_38 {strides = array<i32>} : memref<256x1536xf32, #tpu.memory_space<vmem>>, vector<256x192xf32>,
    %slice3A_42 = vector.extract_strided_slice %dot_general3A_33 {offsets = [0, 64], sizes = [256, 64], strides = [1, 1]} : vector<256x512xf32> to vector<256x64xf32>
    %get3A_43 = arith.constant 0 : index
    %get3A_44 = arith.constant 64 : index
    %get3A_45 = vector.load %arg7[%get3A_43, %get3A_44] : memref<192x512xf32, #tpu.memory_space<vmem>>, vector<192x64xf32>
    %dot_general3A_46 = arith.constant dense<0.000000e+00> : vector<256x192xf32>
    %dot_general3A_47 = tpu.matmul %slice3A_42, %get3A_45, %dot_general3A_46 {dimension_numbers = #tpu.dot_dimension_numbers<[1], [1], [0], [0], [0, 0, 1, 0], [], []>, transpose_lhs_hint = false} : vector<256x64xf32>, vector<192x64xf32>, vector<256x192xf32> -> vector<256x192xf32>
    %swap3A_48 = arith.constant 0 : index
    %swap3A_49 = arith.constant 192 : index
    %swap3A_50 = vector.load %arg13[%swap3A_48, %swap3A_49] : memref<256x1536xf32, #tpu.memory_space<vmem>>, vector<256x192xf32>
    tpu.vector_store %arg13[%swap3A_48, %swap3A_49], %dot_general3A_47 {strides = array<i32>} : memref<256x1536xf32, #tpu.memory_space<vmem>>, vector<256x192xf32>,
    %slice3A_51 = vector.extract_strided_slice %dot_general3A_33 {offsets = [0, 128], sizes = [256, 64], strides = [1, 1]} : vector<256x512xf32> to vector<256x64xf32>
    %get3A_52 = arith.constant 0 : index
    %get3A_53 = arith.constant 128 : index
    %get3A_54 = vector.load %arg7[%get3A_52, %get3A_53] : memref<192x512xf32, #tpu.memory_space<vmem>>, vector<192x64xf32>
    %dot_general3A_55 = arith.constant dense<0.000000e+00> : vector<256x192xf32>
    %dot_general3A_56 = tpu.matmul %slice3A_51, %get3A_54, %dot_general3A_55 {dimension_numbers = #tpu.dot_dimension_numbers<[1], [1], [0], [0], [0, 0, 1, 0], [], []>, transpose_lhs_hint = false} : vector<256x64xf32>, vector<192x64xf32>, vector<256x192xf32> -> vector<256x192xf32>
    %swap3A_57 = arith.constant 0 : index
    %swap3A_58 = arith.constant 384 : index
    %swap3A_59 = vector.load %arg13[%swap3A_57, %swap3A_58] : memref<256x1536xf32, #tpu.memory_space<vmem>>, vector<256x192xf32>
    tpu.vector_store %arg13[%swap3A_57, %swap3A_58], %dot_general3A_56 {strides = array<i32>} : memref<256x1536xf32, #tpu.memory_space<vmem>>, vector<256x192xf32>,
    %slice3A_60 = vector.extract_strided_slice %dot_general3A_33 {offsets = [0, 192], sizes = [256, 64], strides = [1, 1]} : vector<256x512xf32> to vector<256x64xf32>
    %get3A_61 = arith.constant 0 : index
    %get3A_62 = arith.constant 192 : index
    %get3A_63 = vector.load %arg7[%get3A_61, %get3A_62] : memref<192x512xf32, #tpu.memory_space<vmem>>, vector<192x64xf32>
    %dot_general3A_64 = arith.constant dense<0.000000e+00> : vector<256x192xf32>
    %dot_general3A_65 = tpu.matmul %slice3A_60, %get3A_63, %dot_general3A_64 {dimension_numbers = #tpu.dot_dimension_numbers<[1], [1], [0], [0], [0, 0, 1, 0], [], []>, transpose_lhs_hint = false} : vector<256x64xf32>, vector<192x64xf32>, vector<256x192xf32> -> vector<256x192xf32>
    %swap3A_66 = arith.constant 0 : index
    %swap3A_67 = arith.constant 576 : index
    %swap3A_68 = vector.load %arg13[%swap3A_66, %swap3A_67] : memref<256x1536xf32, #tpu.memory_space<vmem>>, vector<256x192xf32>
    tpu.vector_store %arg13[%swap3A_66, %swap3A_67], %dot_general3A_65 {strides = array<i32>} : memref<256x1536xf32, #tpu.memory_space<vmem>>, vector<256x192xf32>,
    %slice3A_69 = vector.extract_strided_slice %dot_general3A_33 {offsets = [0, 256], sizes = [256, 64], strides = [1, 1]} : vector<256x512xf32> to vector<256x64xf32>
    %get3A_70 = arith.constant 0 : index
    %get3A_71 = arith.constant 256 : index
    %get3A_72 = vector.load %arg7[%get3A_70, %get3A_71] : memref<192x512xf32, #tpu.memory_space<vmem>>, vector<192x64xf32>
    %dot_general3A_73 = arith.constant dense<0.000000e+00> : vector<256x192xf32>
    %dot_general3A_74 = tpu.matmul %slice3A_69, %get3A_72, %dot_general3A_73 {dimension_numbers = #tpu.dot_dimension_numbers<[1], [1], [0], [0], [0, 0, 1, 0], [], []>, transpose_lhs_hint = false} : vector<256x64xf32>, vector<192x64xf32>, vector<256x192xf32> -> vector<256x192xf32>
    %swap3A_75 = arith.constant 0 : index
    %swap3A_76 = arith.constant 768 : index
    %swap3A_77 = vector.load %arg13[%swap3A_75, %swap3A_76] : memref<256x1536xf32, #tpu.memory_space<vmem>>, vector<256x192xf32>
    tpu.vector_store %arg13[%swap3A_75, %swap3A_76], %dot_general3A_74 {strides = array<i32>} : memref<256x1536xf32, #tpu.memory_space<vmem>>, vector<256x192xf32>,
    %slice3A_78 = vector.extract_strided_slice %dot_general3A_33 {offsets = [0, 320], sizes = [256, 64], strides = [1, 1]} : vector<256x512xf32> to vector<256x64xf32>
    %get3A_79 = arith.constant 0 : index
    %get3A_80 = arith.constant 320 : index
    %get3A_81 = vector.load %arg7[%get3A_79, %get3A_80] : memref<192x512xf32, #tpu.memory_space<vmem>>, vector<192x64xf32>
    %dot_general3A_82 = arith.constant dense<0.000000e+00> : vector<256x192xf32>
    %dot_general3A_83 = tpu.matmul %slice3A_78, %get3A_81, %dot_general3A_82 {dimension_numbers = #tpu.dot_dimension_numbers<[1], [1], [0], [0], [0, 0, 1, 0], [], []>, transpose_lhs_hint = false} : vector<256x64xf32>, vector<192x64xf32>, vector<256x192xf32> -> vector<256x192xf32>
    %swap3A_84 = arith.constant 0 : index
    %swap3A_85 = arith.constant 960 : index
    %swap3A_86 = vector.load %arg13[%swap3A_84, %swap3A_85] : memref<256x1536xf32, #tpu.memory_space<vmem>>, vector<256x192xf32>
    tpu.vector_store %arg13[%swap3A_84, %swap3A_85], %dot_general3A_83 {strides = array<i32>} : memref<256x1536xf32, #tpu.memory_space<vmem>>, vector<256x192xf32>,
    %slice3A_87 = vector.extract_strided_slice %dot_general3A_33 {offsets = [0, 384], sizes = [256, 64], strides = [1, 1]} : vector<256x512xf32> to vector<256x64xf32>
    %get3A_88 = arith.constant 0 : index
    %get3A_89 = arith.constant 384 : index
    %get3A_90 = vector.load %arg7[%get3A_88, %get3A_89] : memref<192x512xf32, #tpu.memory_space<vmem>>, vector<192x64xf32>
    %dot_general3A_91 = arith.constant dense<0.000000e+00> : vector<256x192xf32>
    %dot_general3A_92 = tpu.matmul %slice3A_87, %get3A_90, %dot_general3A_91 {dimension_numbers = #tpu.dot_dimension_numbers<[1], [1], [0], [0], [0, 0, 1, 0], [], []>, transpose_lhs_hint = false} : vector<256x64xf32>, vector<192x64xf32>, vector<256x192xf32> -> vector<256x192xf32>
    %swap3A_93 = arith.constant 0 : index
    %swap3A_94 = arith.constant 1152 : index
    %swap3A_95 = vector.load %arg13[%swap3A_93, %swap3A_94] : memref<256x1536xf32, #tpu.memory_space<vmem>>, vector<256x192xf32>
    tpu.vector_store %arg13[%swap3A_93, %swap3A_94], %dot_general3A_92 {strides = array<i32>} : memref<256x1536xf32, #tpu.memory_space<vmem>>, vector<256x192xf32>,
    %slice3A_96 = vector.extract_strided_slice %dot_general3A_33 {offsets = [0, 448], sizes = [256, 64], strides = [1, 1]} : vector<256x512xf32> to vector<256x64xf32>
    %get3A_97 = arith.constant 0 : index
    %get3A_98 = arith.constant 448 : index
    %get3A_99 = vector.load %arg7[%get3A_97, %get3A_98] : memref<192x512xf32, #tpu.memory_space<vmem>>, vector<192x64xf32>
    %dot_general3A_100 = arith.constant dense<0.000000e+00> : vector<256x192xf32>
    %dot_general3A_101 = tpu.matmul %slice3A_96, %get3A_99, %dot_general3A_100 {dimension_numbers = #tpu.dot_dimension_numbers<[1], [1], [0], [0], [0, 0, 1, 0], [], []>, transpose_lhs_hint = false} : vector<256x64xf32>, vector<192x64xf32>, vector<256x192xf32> -> vector<256x192xf32>
    %swap3A_102 = arith.constant 0 : index
    %swap3A_103 = arith.constant 1344 : index
    %swap3A_104 = vector.load %arg13[%swap3A_102, %swap3A_103] : memref<256x1536xf32, #tpu.memory_space<vmem>>, vector<256x192xf32>
    tpu.vector_store %arg13[%swap3A_102, %swap3A_103], %dot_general3A_101 {strides = array<i32>} : memref<256x1536xf32, #tpu.memory_space<vmem>>, vector<256x192xf32>,
    %get3A_105 = arith.constant 0 : index
    %get3A_106 = arith.constant 0 : index
    %get3A_107 = vector.load %arg6[%get3A_105, %get3A_106] : memref<256x256xf32, #tpu.memory_space<vmem>>, vector<256x256xf32>
    %dot_general3A_108 = arith.constant dense<0.000000e+00> : vector<256x256xf32>
    %dot_general3A_109 = tpu.matmul %dot_general3A_28, %get3A_107, %dot_general3A_108 {dimension_numbers = #tpu.dot_dimension_numbers<[1], [0], [0], [1], [0, 0, 1, 1], [], []>, transpose_lhs_hint = false} : vector<256x256xf32>, vector<256x256xf32>, vector<256x256xf32> -> vector<256x256xf32>
    %max3A_110 = arith.constant 0.000000e+00 : f32
    %max3A_111 = vector.broadcast %max3A_110 : f32 to vector<256x256xf32>
    %max3A_112 = arith.maximumf %dot_general3A_109, %max3A_111 : vector<256x256xf32>
    %abs3A_113 = math.absf %dot_general3A_109 : vector<256x256xf32>
    %neg3A_114 = arith.constant 0.000000e+00 : f32
    %neg3A_115 = vector.broadcast %neg3A_114 : f32 to vector<256x256xf32>
    %neg3A_116 = arith.subf %neg3A_115, %abs3A_113 : vector<256x256xf32>
    %exp3A_117 = math.exp %neg3A_116 : vector<256x256xf32>
    %log1p3A_118 = math.log1p %exp3A_117 : vector<256x256xf32>
    %add3A_119 = arith.addf %max3A_112, %log1p3A_118 : vector<256x256xf32>
    %get3A_120 = arith.constant 0 : index
    %get3A_121 = arith.constant 0 : index
    %get3A_122 = vector.load %arg10[%get3A_120, %get3A_121] : memref<256x16xf32, #tpu.memory_space<vmem>>, vector<256x16xf32>
    %get3A_123 = arith.constant 0 : index
    %get3A_124 = arith.constant 0 : index
    %get3A_125 = vector.load %arg11[%get3A_123, %get3A_124] : memref<256x16xf32, #tpu.memory_space<vmem>>, vector<256x16xf32>
    %slice3A_126 = vector.extract_strided_slice %add3A_119 {offsets = [0, 0], sizes = [256, 16], strides = [1, 1]} : vector<256x256xf32> to vector<256x16xf32>
    %slice3A_127 = vector.extract_strided_slice %add3A_119 {offsets = [0, 16], sizes = [256, 16], strides = [1, 1]} : vector<256x256xf32> to vector<256x16xf32>
    %mul3A = arith.mulf %slice3A_126, %get3A_122 : vector<256x16xf32>
    %mul3A_128 = arith.mulf %slice3A_127, %get3A_125 : vector<256x16xf32>
    %sub3A = arith.subf %mul3A, %mul3A_128 : vector<256x16xf32>
    %swap3A_129 = arith.constant 0 : index
    %swap3A_130 = arith.constant 0 : index
    %swap3A_131 = vector.load %arg14[%swap3A_129, %swap3A_130] : memref<256x256xf32, #tpu.memory_space<vmem>>, vector<256x16xf32>
    tpu.vector_store %arg14[%swap3A_129, %swap3A_130], %sub3A {strides = array<i32>} : memref<256x256xf32, #tpu.memory_space<vmem>>, vector<256x16xf32>,
    %mul3A_132 = arith.mulf %slice3A_126, %get3A_125 : vector<256x16xf32>
    %mul3A_133 = arith.mulf %slice3A_127, %get3A_122 : vector<256x16xf32>
    %add3A_134 = arith.addf %mul3A_132, %mul3A_133 : vector<256x16xf32>
    %swap3A_135 = arith.constant 0 : index
    %swap3A_136 = arith.constant 16 : index
    %swap3A_137 = vector.load %arg14[%swap3A_135, %swap3A_136] : memref<256x256xf32, #tpu.memory_space<vmem>>, vector<256x16xf32>
    tpu.vector_store %arg14[%swap3A_135, %swap3A_136], %add3A_134 {strides = array<i32>} : memref<256x256xf32, #tpu.memory_space<vmem>>, vector<256x16xf32>,
    %slice3A_138 = vector.extract_strided_slice %add3A_119 {offsets = [0, 32], sizes = [256, 16], strides = [1, 1]} : vector<256x256xf32> to vector<256x16xf32>
    %slice3A_139 = vector.extract_strided_slice %add3A_119 {offsets = [0, 48], sizes = [256, 16], strides = [1, 1]} : vector<256x256xf32> to vector<256x16xf32>
    %mul3A_140 = arith.mulf %slice3A_138, %get3A_122 : vector<256x16xf32>
    %mul3A_141 = arith.mulf %slice3A_139, %get3A_125 : vector<256x16xf32>
    %sub3A_142 = arith.subf %mul3A_140, %mul3A_141 : vector<256x16xf32>
    %swap3A_143 = arith.constant 0 : index
    %swap3A_144 = arith.constant 32 : index
    %swap3A_145 = vector.load %arg14[%swap3A_143, %swap3A_144] : memref<256x256xf32, #tpu.memory_space<vmem>>, vector<256x16xf32>
    tpu.vector_store %arg14[%swap3A_143, %swap3A_144], %sub3A_142 {strides = array<i32>} : memref<256x256xf32, #tpu.memory_space<vmem>>, vector<256x16xf32>,
    %mul3A_146 = arith.mulf %slice3A_138, %get3A_125 : vector<256x16xf32>
    %mul3A_147 = arith.mulf %slice3A_139, %get3A_122 : vector<256x16xf32>
    %add3A_148 = arith.addf %mul3A_146, %mul3A_147 : vector<256x16xf32>
    %swap3A_149 = arith.constant 0 : index
    %swap3A_150 = arith.constant 48 : index
    %swap3A_151 = vector.load %arg14[%swap3A_149, %swap3A_150] : memref<256x256xf32, #tpu.memory_space<vmem>>, vector<256x16xf32>
    tpu.vector_store %arg14[%swap3A_149, %swap3A_150], %add3A_148 {strides = array<i32>} : memref<256x256xf32, #tpu.memory_space<vmem>>, vector<256x16xf32>,
    %slice3A_152 = vector.extract_strided_slice %add3A_119 {offsets = [0, 64], sizes = [256, 16], strides = [1, 1]} : vector<256x256xf32> to vector<256x16xf32>
    %slice3A_153 = vector.extract_strided_slice %add3A_119 {offsets = [0, 80], sizes = [256, 16], strides = [1, 1]} : vector<256x256xf32> to vector<256x16xf32>
    %mul3A_154 = arith.mulf %slice3A_152, %get3A_122 : vector<256x16xf32>
    %mul3A_155 = arith.mulf %slice3A_153, %get3A_125 : vector<256x16xf32>
    %sub3A_156 = arith.subf %mul3A_154, %mul3A_155 : vector<256x16xf32>
    %swap3A_157 = arith.constant 0 : index
    %swap3A_158 = arith.constant 64 : index
    %swap3A_159 = vector.load %arg14[%swap3A_157, %swap3A_158] : memref<256x256xf32, #tpu.memory_space<vmem>>, vector<256x16xf32>
    tpu.vector_store %arg14[%swap3A_157, %swap3A_158], %sub3A_156 {strides = array<i32>} : memref<256x256xf32, #tpu.memory_space<vmem>>, vector<256x16xf32>,
    %mul3A_160 = arith.mulf %slice3A_152, %get3A_125 : vector<256x16xf32>
    %mul3A_161 = arith.mulf %slice3A_153, %get3A_122 : vector<256x16xf32>
    %add3A_162 = arith.addf %mul3A_160, %mul3A_161 : vector<256x16xf32>
    %swap3A_163 = arith.constant 0 : index
    %swap3A_164 = arith.constant 80 : index
    %swap3A_165 = vector.load %arg14[%swap3A_163, %swap3A_164] : memref<256x256xf32, #tpu.memory_space<vmem>>, vector<256x16xf32>
    tpu.vector_store %arg14[%swap3A_163, %swap3A_164], %add3A_162 {strides = array<i32>} : memref<256x256xf32, #tpu.memory_space<vmem>>, vector<256x16xf32>,
    %slice3A_166 = vector.extract_strided_slice %add3A_119 {offsets = [0, 96], sizes = [256, 16], strides = [1, 1]} : vector<256x256xf32> to vector<256x16xf32>
    %slice3A_167 = vector.extract_strided_slice %add3A_119 {offsets = [0, 112], sizes = [256, 16], strides = [1, 1]} : vector<256x256xf32> to vector<256x16xf32>
    %mul3A_168 = arith.mulf %slice3A_166, %get3A_122 : vector<256x16xf32>
    %mul3A_169 = arith.mulf %slice3A_167, %get3A_125 : vector<256x16xf32>
    %sub3A_170 = arith.subf %mul3A_168, %mul3A_169 : vector<256x16xf32>
    %swap3A_171 = arith.constant 0 : index
    %swap3A_172 = arith.constant 96 : index
    %swap3A_173 = vector.load %arg14[%swap3A_171, %swap3A_172] : memref<256x256xf32, #tpu.memory_space<vmem>>, vector<256x16xf32>
    tpu.vector_store %arg14[%swap3A_171, %swap3A_172], %sub3A_170 {strides = array<i32>} : memref<256x256xf32, #tpu.memory_space<vmem>>, vector<256x16xf32>,
    %mul3A_174 = arith.mulf %slice3A_166, %get3A_125 : vector<256x16xf32>
    %mul3A_175 = arith.mulf %slice3A_167, %get3A_122 : vector<256x16xf32>
    %add3A_176 = arith.addf %mul3A_174, %mul3A_175 : vector<256x16xf32>
    %swap3A_177 = arith.constant 0 : index
    %swap3A_178 = arith.constant 112 : index
    %swap3A_179 = vector.load %arg14[%swap3A_177, %swap3A_178] : memref<256x256xf32, #tpu.memory_space<vmem>>, vector<256x16xf32>
    tpu.vector_store %arg14[%swap3A_177, %swap3A_178], %add3A_176 {strides = array<i32>} : memref<256x256xf32, #tpu.memory_space<vmem>>, vector<256x16xf32>,
    %slice3A_180 = vector.extract_strided_slice %add3A_119 {offsets = [0, 128], sizes = [256, 16], strides = [1, 1]} : vector<256x256xf32> to vector<256x16xf32>
    %slice3A_181 = vector.extract_strided_slice %add3A_119 {offsets = [0, 144], sizes = [256, 16], strides = [1, 1]} : vector<256x256xf32> to vector<256x16xf32>
    %mul3A_182 = arith.mulf %slice3A_180, %get3A_122 : vector<256x16xf32>
    %mul3A_183 = arith.mulf %slice3A_181, %get3A_125 : vector<256x16xf32>
    %sub3A_184 = arith.subf %mul3A_182, %mul3A_183 : vector<256x16xf32>
    %swap3A_185 = arith.constant 0 : index
    %swap3A_186 = arith.constant 128 : index
    %swap3A_187 = vector.load %arg14[%swap3A_185, %swap3A_186] : memref<256x256xf32, #tpu.memory_space<vmem>>, vector<256x16xf32>
    tpu.vector_store %arg14[%swap3A_185, %swap3A_186], %sub3A_184 {strides = array<i32>} : memref<256x256xf32, #tpu.memory_space<vmem>>, vector<256x16xf32>,
    %mul3A_188 = arith.mulf %slice3A_180, %get3A_125 : vector<256x16xf32>
    %mul3A_189 = arith.mulf %slice3A_181, %get3A_122 : vector<256x16xf32>
    %add3A_190 = arith.addf %mul3A_188, %mul3A_189 : vector<256x16xf32>
    %swap3A_191 = arith.constant 0 : index
    %swap3A_192 = arith.constant 144 : index
    %swap3A_193 = vector.load %arg14[%swap3A_191, %swap3A_192] : memref<256x256xf32, #tpu.memory_space<vmem>>, vector<256x16xf32>
    tpu.vector_store %arg14[%swap3A_191, %swap3A_192], %add3A_190 {strides = array<i32>} : memref<256x256xf32, #tpu.memory_space<vmem>>, vector<256x16xf32>,
    %slice3A_194 = vector.extract_strided_slice %add3A_119 {offsets = [0, 160], sizes = [256, 16], strides = [1, 1]} : vector<256x256xf32> to vector<256x16xf32>
    %slice3A_195 = vector.extract_strided_slice %add3A_119 {offsets = [0, 176], sizes = [256, 16], strides = [1, 1]} : vector<256x256xf32> to vector<256x16xf32>
    %mul3A_196 = arith.mulf %slice3A_194, %get3A_122 : vector<256x16xf32>
    %mul3A_197 = arith.mulf %slice3A_195, %get3A_125 : vector<256x16xf32>
    %sub3A_198 = arith.subf %mul3A_196, %mul3A_197 : vector<256x16xf32>
    %swap3A_199 = arith.constant 0 : index
    %swap3A_200 = arith.constant 160 : index
    %swap3A_201 = vector.load %arg14[%swap3A_199, %swap3A_200] : memref<256x256xf32, #tpu.memory_space<vmem>>, vector<256x16xf32>
    tpu.vector_store %arg14[%swap3A_199, %swap3A_200], %sub3A_198 {strides = array<i32>} : memref<256x256xf32, #tpu.memory_space<vmem>>, vector<256x16xf32>,
    %mul3A_202 = arith.mulf %slice3A_194, %get3A_125 : vector<256x16xf32>
    %mul3A_203 = arith.mulf %slice3A_195, %get3A_122 : vector<256x16xf32>
    %add3A_204 = arith.addf %mul3A_202, %mul3A_203 : vector<256x16xf32>
    %swap3A_205 = arith.constant 0 : index
    %swap3A_206 = arith.constant 176 : index
    %swap3A_207 = vector.load %arg14[%swap3A_205, %swap3A_206] : memref<256x256xf32, #tpu.memory_space<vmem>>, vector<256x16xf32>
    tpu.vector_store %arg14[%swap3A_205, %swap3A_206], %add3A_204 {strides = array<i32>} : memref<256x256xf32, #tpu.memory_space<vmem>>, vector<256x16xf32>,
    %slice3A_208 = vector.extract_strided_slice %add3A_119 {offsets = [0, 192], sizes = [256, 16], strides = [1, 1]} : vector<256x256xf32> to vector<256x16xf32>
    %slice3A_209 = vector.extract_strided_slice %add3A_119 {offsets = [0, 208], sizes = [256, 16], strides = [1, 1]} : vector<256x256xf32> to vector<256x16xf32>
    %mul3A_210 = arith.mulf %slice3A_208, %get3A_122 : vector<256x16xf32>
    %mul3A_211 = arith.mulf %slice3A_209, %get3A_125 : vector<256x16xf32>
    %sub3A_212 = arith.subf %mul3A_210, %mul3A_211 : vector<256x16xf32>
    %swap3A_213 = arith.constant 0 : index
    %swap3A_214 = arith.constant 192 : index
    %swap3A_215 = vector.load %arg14[%swap3A_213, %swap3A_214] : memref<256x256xf32, #tpu.memory_space<vmem>>, vector<256x16xf32>
    tpu.vector_store %arg14[%swap3A_213, %swap3A_214], %sub3A_212 {strides = array<i32>} : memref<256x256xf32, #tpu.memory_space<vmem>>, vector<256x16xf32>,
    %mul3A_216 = arith.mulf %slice3A_208, %get3A_125 : vector<256x16xf32>
    %mul3A_217 = arith.mulf %slice3A_209, %get3A_122 : vector<256x16xf32>
    %add3A_218 = arith.addf %mul3A_216, %mul3A_217 : vector<256x16xf32>
    %swap3A_219 = arith.constant 0 : index
    %swap3A_220 = arith.constant 208 : index
    %swap3A_221 = vector.load %arg14[%swap3A_219, %swap3A_220] : memref<256x256xf32, #tpu.memory_space<vmem>>, vector<256x16xf32>
    tpu.vector_store %arg14[%swap3A_219, %swap3A_220], %add3A_218 {strides = array<i32>} : memref<256x256xf32, #tpu.memory_space<vmem>>, vector<256x16xf32>,
    %slice3A_222 = vector.extract_strided_slice %add3A_119 {offsets = [0, 224], sizes = [256, 16], strides = [1, 1]} : vector<256x256xf32> to vector<256x16xf32>
    %slice3A_223 = vector.extract_strided_slice %add3A_119 {offsets = [0, 240], sizes = [256, 16], strides = [1, 1]} : vector<256x256xf32> to vector<256x16xf32>
    %mul3A_224 = arith.mulf %slice3A_222, %get3A_122 : vector<256x16xf32>
    %mul3A_225 = arith.mulf %slice3A_223, %get3A_125 : vector<256x16xf32>
    %sub3A_226 = arith.subf %mul3A_224, %mul3A_225 : vector<256x16xf32>
    %swap3A_227 = arith.constant 0 : index
    %swap3A_228 = arith.constant 224 : index
    %swap3A_229 = vector.load %arg14[%swap3A_227, %swap3A_228] : memref<256x256xf32, #tpu.memory_space<vmem>>, vector<256x16xf32>
    tpu.vector_store %arg14[%swap3A_227, %swap3A_228], %sub3A_226 {strides = array<i32>} : memref<256x256xf32, #tpu.memory_space<vmem>>, vector<256x16xf32>,
    %mul3A_230 = arith.mulf %slice3A_222, %get3A_125 : vector<256x16xf32>
    %mul3A_231 = arith.mulf %slice3A_223, %get3A_122 : vector<256x16xf32>
    %add3A_232 = arith.addf %mul3A_230, %mul3A_231 : vector<256x16xf32>
    %swap3A_233 = arith.constant 0 : index
    %swap3A_234 = arith.constant 240 : index
    %swap3A_235 = vector.load %arg14[%swap3A_233, %swap3A_234] : memref<256x256xf32, #tpu.memory_space<vmem>>, vector<256x16xf32>
    tpu.vector_store %arg14[%swap3A_233, %swap3A_234], %add3A_232 {strides = array<i32>} : memref<256x256xf32, #tpu.memory_space<vmem>>, vector<256x16xf32>,
    %get3A_236 = arith.constant 0 : index
    %get3A_237 = arith.constant 0 : index
    %get3A_238 = vector.load %arg8[%get3A_236, %get3A_237] : memref<768x128xf32, #tpu.memory_space<vmem>>, vector<768x128xf32>
    %dot_general3A_239 = arith.constant dense<0.000000e+00> : vector<256x128xf32>
    %dot_general3A_240 = tpu.matmul %get3A_1, %get3A_238, %dot_general3A_239 {dimension_numbers = #tpu.dot_dimension_numbers<[1], [0], [0], [1], [0, 0, 1, 1], [], []>, transpose_lhs_hint = false} : vector<256x768xf32>, vector<768x128xf32>, vector<256x128xf32> -> vector<256x128xf32>
    %swap3A_241 = arith.constant 0 : index
    %swap3A_242 = arith.constant 0 : index
    %swap3A_243 = vector.load %arg15[%swap3A_241, %swap3A_242] : memref<256x128xf32, #tpu.memory_space<vmem>>, vector<256x128xf32>
    tpu.vector_store %arg15[%swap3A_241, %swap3A_242], %dot_general3A_240 {strides = array<i32>} : memref<256x128xf32, #tpu.memory_space<vmem>>, vector<256x128xf32>,
    %get3A_244 = arith.constant 0 : index
    %get3A_245 = arith.constant 0 : index
    %get3A_246 = vector.load %arg9[%get3A_244, %get3A_245] : memref<768x64xf32, #tpu.memory_space<vmem>>, vector<768x64xf32>
    %dot_general3A_247 = arith.constant dense<0.000000e+00> : vector<256x64xf32>
    %dot_general3A_248 = tpu.matmul %get3A_1, %get3A_246, %dot_general3A_247 {dimension_numbers = #tpu.dot_dimension_numbers<[1], [0], [0], [1], [0, 0, 1, 1], [], []>, transpose_lhs_hint = false} : vector<256x768xf32>, vector<768x64xf32>, vector<256x64xf32> -> vector<256x64xf32>
    %swap3A_249 = arith.constant 0 : index
    %swap3A_250 = arith.constant 0 : index
    %swap3A_251 = vector.load %arg16[%swap3A_249, %swap3A_250] : memref<256x64xf32, #tpu.memory_space<vmem>>, vector<256x64xf32>
    tpu.vector_store %arg16[%swap3A_249, %swap3A_250], %dot_general3A_248 {strides = array<i32>} : memref<256x64xf32, #tpu.memory_space<vmem>>, vector<256x64xf32>,
    return
  }
  func.func @transform_0(%arg0: i32) -> (i32, i32) {
    %c0_i32 = arith.constant 0 : i32
    %c0_i32_0 = arith.constant 0 : i32
    return %arg0, %c0_i32 : i32, i32
  }
  func.func @transform_1(%arg0: i32) -> (i32, i32) {
    %c0_i32 = arith.constant 0 : i32
    %c0_i32_0 = arith.constant 0 : i32
    %c0_i32_1 = arith.constant 0 : i32
    return %c0_i32, %c0_i32_0 : i32, i32
  }
  func.func @transform_2(%arg0: i32) -> (i32, i32) {
    %c0_i32 = arith.constant 0 : i32
    %c0_i32_0 = arith.constant 0 : i32
    %c0_i32_1 = arith.constant 0 : i32
    return %c0_i32, %c0_i32_0 : i32, i32
  }
  func.func @transform_3(%arg0: i32) -> (i32, i32) {
    %c0_i32 = arith.constant 0 : i32
    %c0_i32_0 = arith.constant 0 : i32
    %c0_i32_1 = arith.constant 0 : i32
    return %c0_i32, %c0_i32_0 : i32, i32
  }
  func.func @transform_4(%arg0: i32) -> (i32, i32) {
    %c0_i32 = arith.constant 0 : i32
    %c0_i32_0 = arith.constant 0 : i32
    %c0_i32_1 = arith.constant 0 : i32
    return %c0_i32, %c0_i32_0 : i32, i32
  }
  func.func @transform_5(%arg0: i32) -> (i32, i32) {
    %c0_i32 = arith.constant 0 : i32
    %c0_i32_0 = arith.constant 0 : i32
    %c0_i32_1 = arith.constant 0 : i32
    return %c0_i32, %c0_i32_0 : i32, i32
  }
  func.func @transform_6(%arg0: i32) -> (i32, i32) {
    %c0_i32 = arith.constant 0 : i32
    %c0_i32_0 = arith.constant 0 : i32
    %c0_i32_1 = arith.constant 0 : i32
    return %c0_i32, %c0_i32_0 : i32, i32
  }
  func.func @transform_7(%arg0: i32) -> (i32, i32) {
    %c0_i32 = arith.constant 0 : i32
    %c0_i32_0 = arith.constant 0 : i32
    %c0_i32_1 = arith.constant 0 : i32
    return %c0_i32, %c0_i32_0 : i32, i32
  }
  func.func @transform_8(%arg0: i32) -> (i32, i32) {
    %c0_i32 = arith.constant 0 : i32
    %c0_i32_0 = arith.constant 0 : i32
    %c0_i32_1 = arith.constant 0 : i32
    return %c0_i32, %c0_i32_0 : i32, i32
  }
  func.func @transform_9(%arg0: i32) -> (i32, i32) {
    %c0_i32 = arith.constant 0 : i32
    %c0_i32_0 = arith.constant 0 : i32
    return %arg0, %c0_i32 : i32, i32
  }
  func.func @transform_10(%arg0: i32) -> (i32, i32) {
    %c0_i32 = arith.constant 0 : i32
    %c0_i32_0 = arith.constant 0 : i32
    return %arg0, %c0_i32 : i32, i32
  }
  func.func @transform_11(%arg0: i32) -> (i32, i32) {
    %c0_i32 = arith.constant 0 : i32
    %c0_i32_0 = arith.constant 0 : i32
    return %arg0, %c0_i32 : i32, i32
  }
  func.func @transform_12(%arg0: i32) -> (i32, i32) {
    %c0_i32 = arith.constant 0 : i32
    %c0_i32_0 = arith.constant 0 : i32
    return %arg0, %c0_i32 : i32, i32
  }
  func.func @transform_13(%arg0: i32) -> (i32, i32) {
    %c0_i32 = arith.constant 0 : i32
    %c0_i32_0 = arith.constant 0 : i32
    return %arg0, %c0_i32 : i32, i32
  }
  func.func @transform_14(%arg0: i32) -> (i32, i32) {
    %c0_i32 = arith.constant 0 : i32
    %c0_i32_0 = arith.constant 0 : i32
    return %arg0, %c0_i32 : i32, i32
  }
  func.func @transform_15(%arg0: i32) -> (i32, i32) {
    %c0_i32 = arith.constant 0 : i32
    %c0_i32_0 = arith.constant 0 : i32
    return %arg0, %c0_i32 : i32, i32
  }
}

module attributes {stable_mosaic.version = 14 : i64} {
  func.func @_topk_body(%arg0: i32, %arg1: memref<256x128xf32, #tpu.memory_space<vmem>>, %arg2: memref<2048x64xf32, #tpu.memory_space<vmem>>, %arg3: memref<1x2xf32, #tpu.memory_space<smem>>, %arg4: memref<256x32xi32, #tpu.memory_space<vmem>>, %arg5: memref<256x2048xi32, #tpu.memory_space<vmem>>) attributes {dimension_semantics = [#tpu.dimension_semantics<arbitrary>], iteration_bounds = array<i64: 1>, scalar_prefetch = 0 : i64, scratch_operands = 1 : i64, tpu.core_type = #tpu.core_type<tc>, window_params = [{transform_indices = @transform_0, window_bounds = array<i64: 256, 128>}, {pipeline_mode = #tpu.pipeline_mode<synchronous>, transform_indices = @transform_1, window_bounds = array<i64: 2048, 64>}, {transform_indices = @transform_2, window_bounds = array<i64: 1, 2>}, {transform_indices = @transform_3, window_bounds = array<i64: 256, 32>}]} {
    %get3A = arith.constant 0 : index
    %get3A_0 = arith.constant 0 : index
    %get3A_1 = vector.load %arg2[%get3A, %get3A_0] : memref<2048x64xf32, #tpu.memory_space<vmem>>, vector<2048x64xf32>
    %get3A_2 = arith.constant 0 : index
    %get3A_3 = arith.constant 0 : index
    %get3A_4 = vector.load %arg1[%get3A_2, %get3A_3] : memref<256x128xf32, #tpu.memory_space<vmem>>, vector<256x64xf32>
    %dot_general3A = arith.constant dense<0.000000e+00> : vector<256x2048xf32>
    %dot_general3A_5 = tpu.matmul %get3A_4, %get3A_1, %dot_general3A {dimension_numbers = #tpu.dot_dimension_numbers<[1], [1], [0], [0], [0, 0, 1, 0], [], []>, transpose_lhs_hint = false} : vector<256x64xf32>, vector<2048x64xf32>, vector<256x2048xf32> -> vector<256x2048xf32>
    %convert_element_type3A = arith.truncf %dot_general3A_5 : vector<256x2048xf32> to vector<256x2048xbf16>
    %convert_element_type3A_6 = arith.extf %convert_element_type3A : vector<256x2048xbf16> to vector<256x2048xf32>
    %max3A = arith.constant 0.000000e+00 : f32
    %max3A_7 = vector.broadcast %max3A : f32 to vector<256x2048xf32>
    %max3A_8 = arith.maximumf %convert_element_type3A_6, %max3A_7 : vector<256x2048xf32>
    %get3A_9 = arith.constant 0 : index
    %get3A_10 = arith.constant 0 : index
    %get3A_11 = memref.load %arg3[%get3A_9, %get3A_10] : memref<1x2xf32, #tpu.memory_space<smem>>
    %mul3A = vector.broadcast %get3A_11 : f32 to vector<256x2048xf32>
    %mul3A_12 = arith.mulf %max3A_8, %mul3A : vector<256x2048xf32>
    %get3A_13 = arith.constant 0 : index
    %get3A_14 = arith.constant 64 : index
    %get3A_15 = vector.load %arg1[%get3A_13, %get3A_14] : memref<256x128xf32, #tpu.memory_space<vmem>>, vector<256x64xf32>
    %dot_general3A_16 = arith.constant dense<0.000000e+00> : vector<256x2048xf32>
    %dot_general3A_17 = tpu.matmul %get3A_15, %get3A_1, %dot_general3A_16 {dimension_numbers = #tpu.dot_dimension_numbers<[1], [1], [0], [0], [0, 0, 1, 0], [], []>, transpose_lhs_hint = false} : vector<256x64xf32>, vector<2048x64xf32>, vector<256x2048xf32> -> vector<256x2048xf32>
    %convert_element_type3A_18 = arith.truncf %dot_general3A_17 : vector<256x2048xf32> to vector<256x2048xbf16>
    %convert_element_type3A_19 = arith.extf %convert_element_type3A_18 : vector<256x2048xbf16> to vector<256x2048xf32>
    %max3A_20 = arith.constant 0.000000e+00 : f32
    %max3A_21 = vector.broadcast %max3A_20 : f32 to vector<256x2048xf32>
    %max3A_22 = arith.maximumf %convert_element_type3A_19, %max3A_21 : vector<256x2048xf32>
    %get3A_23 = arith.constant 0 : index
    %get3A_24 = arith.constant 1 : index
    %get3A_25 = memref.load %arg3[%get3A_23, %get3A_24] : memref<1x2xf32, #tpu.memory_space<smem>>
    %mul3A_26 = vector.broadcast %get3A_25 : f32 to vector<256x2048xf32>
    %mul3A_27 = arith.mulf %max3A_22, %mul3A_26 : vector<256x2048xf32>
    %add3A = arith.addf %mul3A_12, %mul3A_27 : vector<256x2048xf32>
    %eq3A = arith.constant 0.000000e+00 : f32
    %eq3A_28 = vector.broadcast %eq3A : f32 to vector<256x2048xf32>
    %eq3A_29 = arith.cmpf oeq, %add3A, %eq3A_28 : vector<256x2048xf32>
    %jit3A = arith.constant 0.000000e+00 : f32
    %broadcast_in_dim3A = vector.broadcast %jit3A : f32 to vector<256x2048xf32>
    %select_n3A = arith.select %eq3A_29, %broadcast_in_dim3A, %add3A : vector<256x2048xi1>, vector<256x2048xf32>
    %mul3A_30 = arith.constant 256 : i32
    %mul3A_31 = arith.muli %arg0, %mul3A_30 : i32
    %iota3A = tpu.iota {dimensions = array<i32: 0>} : vector<256x2048xi32>
    %add3A_32 = vector.broadcast %mul3A_31 : i32 to vector<256x2048xi32>
    %add3A_33 = arith.addi %add3A_32, %iota3A : vector<256x2048xi32>
    %iota3A_34 = tpu.iota {dimensions = array<i32: 1>} : vector<256x2048xi32>
    %sub3A = arith.constant 15 : i32
    %sub3A_35 = vector.broadcast %sub3A : i32 to vector<256x2048xi32>
    %sub3A_36 = arith.subi %add3A_33, %sub3A_35 : vector<256x2048xi32>
    %ge3A = arith.cmpi sge, %iota3A_34, %sub3A_36 : vector<256x2048xi32>
    %le3A = arith.cmpi sle, %iota3A_34, %add3A_33 : vector<256x2048xi32>
    %and3A = arith.andi %ge3A, %le3A : vector<256x2048xi1>
    %gt3A = arith.cmpi sgt, %iota3A_34, %add3A_33 : vector<256x2048xi32>
    %jit3A_37 = arith.constant 0xFF800000 : f32
    %broadcast_in_dim3A_38 = vector.broadcast %jit3A_37 : f32 to vector<256x2048xf32>
    %select_n3A_39 = arith.select %gt3A, %broadcast_in_dim3A_38, %select_n3A : vector<256x2048xi1>, vector<256x2048xf32>
    %jit3A_40 = arith.constant 0x7F800000 : f32
    %broadcast_in_dim3A_41 = vector.broadcast %jit3A_40 : f32 to vector<256x2048xf32>
    %select_n3A_42 = arith.select %and3A, %broadcast_in_dim3A_41, %select_n3A_39 : vector<256x2048xi1>, vector<256x2048xf32>
    %bitcast_convert_type3A = tpu.bitcast %select_n3A_42 : vector<256x2048xf32> -> vector<256x2048xi32>
    %swap3A = arith.constant 0 : index
    %swap3A_43 = arith.constant 0 : index
    %swap3A_44 = vector.load %arg5[%swap3A, %swap3A_43] : memref<256x2048xi32, #tpu.memory_space<vmem>>, vector<256x2048xi32>
    tpu.vector_store %arg5[%swap3A, %swap3A_43], %bitcast_convert_type3A {strides = array<i32>} : memref<256x2048xi32, #tpu.memory_space<vmem>>, vector<256x2048xi32>,
    %get3A_45 = arith.constant 0 : index
    %get3A_46 = arith.constant 0 : index
    %get3A_47 = vector.load %arg5[%get3A_45, %get3A_46] : memref<256x2048xi32, #tpu.memory_space<vmem>>, vector<256x2048xi32>
    %reduce_max3A = arith.constant dense<-2147483648> : vector<256xi32>
    %reduce_max3A_48 = vector.multi_reduction <maxsi>, %get3A_47, %reduce_max3A [1] : vector<256x2048xi32> to vector<256xi32>
    %broadcast_in_dim3A_49 = vector.shape_cast %reduce_max3A_48 : vector<256xi32> to vector<256x1xi32>
    %eq3A_50 = vector.broadcast %broadcast_in_dim3A_49 : vector<256x1xi32> to vector<256x2048xi32>
    %eq3A_51 = arith.cmpi eq, %get3A_47, %eq3A_50 : vector<256x2048xi32>
    %jit3A_52 = arith.constant 2048 : i32
    %broadcast_in_dim3A_53 = vector.broadcast %jit3A_52 : i32 to vector<256x2048xi32>
    %select_n3A_54 = arith.select %eq3A_51, %iota3A_34, %broadcast_in_dim3A_53 : vector<256x2048xi1>, vector<256x2048xi32>
    %reduce_min3A = arith.constant dense<2147483647> : vector<256xi32>
    %reduce_min3A_55 = vector.multi_reduction <minsi>, %select_n3A_54, %reduce_min3A [1] : vector<256x2048xi32> to vector<256xi32>
    %reshape3A = vector.shape_cast %reduce_min3A_55 : vector<256xi32> to vector<256x1xi32>
    %broadcast_in_dim3A_56 = vector.shape_cast %reduce_min3A_55 : vector<256xi32> to vector<256x1xi32>
    %eq3A_57 = vector.broadcast %broadcast_in_dim3A_56 : vector<256x1xi32> to vector<256x2048xi32>
    %eq3A_58 = arith.cmpi eq, %iota3A_34, %eq3A_57 : vector<256x2048xi32>
    %jit3A_59 = arith.constant -2147483648 : i32
    %broadcast_in_dim3A_60 = vector.broadcast %jit3A_59 : i32 to vector<256x2048xi32>
    %select_n3A_61 = arith.select %eq3A_58, %broadcast_in_dim3A_60, %get3A_47 : vector<256x2048xi1>, vector<256x2048xi32>
    %swap3A_62 = arith.constant 0 : index
    %swap3A_63 = arith.constant 0 : index
    %swap3A_64 = vector.load %arg5[%swap3A_62, %swap3A_63] : memref<256x2048xi32, #tpu.memory_space<vmem>>, vector<256x2048xi32>
    tpu.vector_store %arg5[%swap3A_62, %swap3A_63], %select_n3A_61 {strides = array<i32>} : memref<256x2048xi32, #tpu.memory_space<vmem>>, vector<256x2048xi32>,
    %get3A_65 = arith.constant 0 : index
    %get3A_66 = arith.constant 0 : index
    %get3A_67 = vector.load %arg5[%get3A_65, %get3A_66] : memref<256x2048xi32, #tpu.memory_space<vmem>>, vector<256x2048xi32>
    %reduce_max3A_68 = arith.constant dense<-2147483648> : vector<256xi32>
    %reduce_max3A_69 = vector.multi_reduction <maxsi>, %get3A_67, %reduce_max3A_68 [1] : vector<256x2048xi32> to vector<256xi32>
    %broadcast_in_dim3A_70 = vector.shape_cast %reduce_max3A_69 : vector<256xi32> to vector<256x1xi32>
    %eq3A_71 = vector.broadcast %broadcast_in_dim3A_70 : vector<256x1xi32> to vector<256x2048xi32>
    %eq3A_72 = arith.cmpi eq, %get3A_67, %eq3A_71 : vector<256x2048xi32>
    %jit3A_73 = arith.constant 2048 : i32
    %broadcast_in_dim3A_74 = vector.broadcast %jit3A_73 : i32 to vector<256x2048xi32>
    %select_n3A_75 = arith.select %eq3A_72, %iota3A_34, %broadcast_in_dim3A_74 : vector<256x2048xi1>, vector<256x2048xi32>
    %reduce_min3A_76 = arith.constant dense<2147483647> : vector<256xi32>
    %reduce_min3A_77 = vector.multi_reduction <minsi>, %select_n3A_75, %reduce_min3A_76 [1] : vector<256x2048xi32> to vector<256xi32>
    %reshape3A_78 = vector.shape_cast %reduce_min3A_77 : vector<256xi32> to vector<256x1xi32>
    %broadcast_in_dim3A_79 = vector.shape_cast %reduce_min3A_77 : vector<256xi32> to vector<256x1xi32>
    %eq3A_80 = vector.broadcast %broadcast_in_dim3A_79 : vector<256x1xi32> to vector<256x2048xi32>
    %eq3A_81 = arith.cmpi eq, %iota3A_34, %eq3A_80 : vector<256x2048xi32>
    %jit3A_82 = arith.constant -2147483648 : i32
    %broadcast_in_dim3A_83 = vector.broadcast %jit3A_82 : i32 to vector<256x2048xi32>
    %select_n3A_84 = arith.select %eq3A_81, %broadcast_in_dim3A_83, %get3A_67 : vector<256x2048xi1>, vector<256x2048xi32>
    %swap3A_85 = arith.constant 0 : index
    %swap3A_86 = arith.constant 0 : index
    %swap3A_87 = vector.load %arg5[%swap3A_85, %swap3A_86] : memref<256x2048xi32, #tpu.memory_space<vmem>>, vector<256x2048xi32>
    tpu.vector_store %arg5[%swap3A_85, %swap3A_86], %select_n3A_84 {strides = array<i32>} : memref<256x2048xi32, #tpu.memory_space<vmem>>, vector<256x2048xi32>,
    %get3A_88 = arith.constant 0 : index
    %get3A_89 = arith.constant 0 : index
    %get3A_90 = vector.load %arg5[%get3A_88, %get3A_89] : memref<256x2048xi32, #tpu.memory_space<vmem>>, vector<256x2048xi32>
    %reduce_max3A_91 = arith.constant dense<-2147483648> : vector<256xi32>
    %reduce_max3A_92 = vector.multi_reduction <maxsi>, %get3A_90, %reduce_max3A_91 [1] : vector<256x2048xi32> to vector<256xi32>
    %broadcast_in_dim3A_93 = vector.shape_cast %reduce_max3A_92 : vector<256xi32> to vector<256x1xi32>
    %eq3A_94 = vector.broadcast %broadcast_in_dim3A_93 : vector<256x1xi32> to vector<256x2048xi32>
    %eq3A_95 = arith.cmpi eq, %get3A_90, %eq3A_94 : vector<256x2048xi32>
    %jit3A_96 = arith.constant 2048 : i32
    %broadcast_in_dim3A_97 = vector.broadcast %jit3A_96 : i32 to vector<256x2048xi32>
    %select_n3A_98 = arith.select %eq3A_95, %iota3A_34, %broadcast_in_dim3A_97 : vector<256x2048xi1>, vector<256x2048xi32>
    %reduce_min3A_99 = arith.constant dense<2147483647> : vector<256xi32>
    %reduce_min3A_100 = vector.multi_reduction <minsi>, %select_n3A_98, %reduce_min3A_99 [1] : vector<256x2048xi32> to vector<256xi32>
    %reshape3A_101 = vector.shape_cast %reduce_min3A_100 : vector<256xi32> to vector<256x1xi32>
    %broadcast_in_dim3A_102 = vector.shape_cast %reduce_min3A_100 : vector<256xi32> to vector<256x1xi32>
    %eq3A_103 = vector.broadcast %broadcast_in_dim3A_102 : vector<256x1xi32> to vector<256x2048xi32>
    %eq3A_104 = arith.cmpi eq, %iota3A_34, %eq3A_103 : vector<256x2048xi32>
    %jit3A_105 = arith.constant -2147483648 : i32
    %broadcast_in_dim3A_106 = vector.broadcast %jit3A_105 : i32 to vector<256x2048xi32>
    %select_n3A_107 = arith.select %eq3A_104, %broadcast_in_dim3A_106, %get3A_90 : vector<256x2048xi1>, vector<256x2048xi32>
    %swap3A_108 = arith.constant 0 : index
    %swap3A_109 = arith.constant 0 : index
    %swap3A_110 = vector.load %arg5[%swap3A_108, %swap3A_109] : memref<256x2048xi32, #tpu.memory_space<vmem>>, vector<256x2048xi32>
    tpu.vector_store %arg5[%swap3A_108, %swap3A_109], %select_n3A_107 {strides = array<i32>} : memref<256x2048xi32, #tpu.memory_space<vmem>>, vector<256x2048xi32>,
    %get3A_111 = arith.constant 0 : index
    %get3A_112 = arith.constant 0 : index
    %get3A_113 = vector.load %arg5[%get3A_111, %get3A_112] : memref<256x2048xi32, #tpu.memory_space<vmem>>, vector<256x2048xi32>
    %reduce_max3A_114 = arith.constant dense<-2147483648> : vector<256xi32>
    %reduce_max3A_115 = vector.multi_reduction <maxsi>, %get3A_113, %reduce_max3A_114 [1] : vector<256x2048xi32> to vector<256xi32>
    %broadcast_in_dim3A_116 = vector.shape_cast %reduce_max3A_115 : vector<256xi32> to vector<256x1xi32>
    %eq3A_117 = vector.broadcast %broadcast_in_dim3A_116 : vector<256x1xi32> to vector<256x2048xi32>
    %eq3A_118 = arith.cmpi eq, %get3A_113, %eq3A_117 : vector<256x2048xi32>
    %jit3A_119 = arith.constant 2048 : i32
    %broadcast_in_dim3A_120 = vector.broadcast %jit3A_119 : i32 to vector<256x2048xi32>
    %select_n3A_121 = arith.select %eq3A_118, %iota3A_34, %broadcast_in_dim3A_120 : vector<256x2048xi1>, vector<256x2048xi32>
    %reduce_min3A_122 = arith.constant dense<2147483647> : vector<256xi32>
    %reduce_min3A_123 = vector.multi_reduction <minsi>, %select_n3A_121, %reduce_min3A_122 [1] : vector<256x2048xi32> to vector<256xi32>
    %reshape3A_124 = vector.shape_cast %reduce_min3A_123 : vector<256xi32> to vector<256x1xi32>
    %broadcast_in_dim3A_125 = vector.shape_cast %reduce_min3A_123 : vector<256xi32> to vector<256x1xi32>
    %eq3A_126 = vector.broadcast %broadcast_in_dim3A_125 : vector<256x1xi32> to vector<256x2048xi32>
    %eq3A_127 = arith.cmpi eq, %iota3A_34, %eq3A_126 : vector<256x2048xi32>
    %jit3A_128 = arith.constant -2147483648 : i32
    %broadcast_in_dim3A_129 = vector.broadcast %jit3A_128 : i32 to vector<256x2048xi32>
    %select_n3A_130 = arith.select %eq3A_127, %broadcast_in_dim3A_129, %get3A_113 : vector<256x2048xi1>, vector<256x2048xi32>
    %swap3A_131 = arith.constant 0 : index
    %swap3A_132 = arith.constant 0 : index
    %swap3A_133 = vector.load %arg5[%swap3A_131, %swap3A_132] : memref<256x2048xi32, #tpu.memory_space<vmem>>, vector<256x2048xi32>
    tpu.vector_store %arg5[%swap3A_131, %swap3A_132], %select_n3A_130 {strides = array<i32>} : memref<256x2048xi32, #tpu.memory_space<vmem>>, vector<256x2048xi32>,
    %get3A_134 = arith.constant 0 : index
    %get3A_135 = arith.constant 0 : index
    %get3A_136 = vector.load %arg5[%get3A_134, %get3A_135] : memref<256x2048xi32, #tpu.memory_space<vmem>>, vector<256x2048xi32>
    %reduce_max3A_137 = arith.constant dense<-2147483648> : vector<256xi32>
    %reduce_max3A_138 = vector.multi_reduction <maxsi>, %get3A_136, %reduce_max3A_137 [1] : vector<256x2048xi32> to vector<256xi32>
    %broadcast_in_dim3A_139 = vector.shape_cast %reduce_max3A_138 : vector<256xi32> to vector<256x1xi32>
    %eq3A_140 = vector.broadcast %broadcast_in_dim3A_139 : vector<256x1xi32> to vector<256x2048xi32>
    %eq3A_141 = arith.cmpi eq, %get3A_136, %eq3A_140 : vector<256x2048xi32>
    %jit3A_142 = arith.constant 2048 : i32
    %broadcast_in_dim3A_143 = vector.broadcast %jit3A_142 : i32 to vector<256x2048xi32>
    %select_n3A_144 = arith.select %eq3A_141, %iota3A_34, %broadcast_in_dim3A_143 : vector<256x2048xi1>, vector<256x2048xi32>
    %reduce_min3A_145 = arith.constant dense<2147483647> : vector<256xi32>
    %reduce_min3A_146 = vector.multi_reduction <minsi>, %select_n3A_144, %reduce_min3A_145 [1] : vector<256x2048xi32> to vector<256xi32>
    %reshape3A_147 = vector.shape_cast %reduce_min3A_146 : vector<256xi32> to vector<256x1xi32>
    %broadcast_in_dim3A_148 = vector.shape_cast %reduce_min3A_146 : vector<256xi32> to vector<256x1xi32>
    %eq3A_149 = vector.broadcast %broadcast_in_dim3A_148 : vector<256x1xi32> to vector<256x2048xi32>
    %eq3A_150 = arith.cmpi eq, %iota3A_34, %eq3A_149 : vector<256x2048xi32>
    %jit3A_151 = arith.constant -2147483648 : i32
    %broadcast_in_dim3A_152 = vector.broadcast %jit3A_151 : i32 to vector<256x2048xi32>
    %select_n3A_153 = arith.select %eq3A_150, %broadcast_in_dim3A_152, %get3A_136 : vector<256x2048xi1>, vector<256x2048xi32>
    %swap3A_154 = arith.constant 0 : index
    %swap3A_155 = arith.constant 0 : index
    %swap3A_156 = vector.load %arg5[%swap3A_154, %swap3A_155] : memref<256x2048xi32, #tpu.memory_space<vmem>>, vector<256x2048xi32>
    tpu.vector_store %arg5[%swap3A_154, %swap3A_155], %select_n3A_153 {strides = array<i32>} : memref<256x2048xi32, #tpu.memory_space<vmem>>, vector<256x2048xi32>,
    %get3A_157 = arith.constant 0 : index
    %get3A_158 = arith.constant 0 : index
    %get3A_159 = vector.load %arg5[%get3A_157, %get3A_158] : memref<256x2048xi32, #tpu.memory_space<vmem>>, vector<256x2048xi32>
    %reduce_max3A_160 = arith.constant dense<-2147483648> : vector<256xi32>
    %reduce_max3A_161 = vector.multi_reduction <maxsi>, %get3A_159, %reduce_max3A_160 [1] : vector<256x2048xi32> to vector<256xi32>
    %broadcast_in_dim3A_162 = vector.shape_cast %reduce_max3A_161 : vector<256xi32> to vector<256x1xi32>
    %eq3A_163 = vector.broadcast %broadcast_in_dim3A_162 : vector<256x1xi32> to vector<256x2048xi32>
    %eq3A_164 = arith.cmpi eq, %get3A_159, %eq3A_163 : vector<256x2048xi32>
    %jit3A_165 = arith.constant 2048 : i32
    %broadcast_in_dim3A_166 = vector.broadcast %jit3A_165 : i32 to vector<256x2048xi32>
    %select_n3A_167 = arith.select %eq3A_164, %iota3A_34, %broadcast_in_dim3A_166 : vector<256x2048xi1>, vector<256x2048xi32>
    %reduce_min3A_168 = arith.constant dense<2147483647> : vector<256xi32>
    %reduce_min3A_169 = vector.multi_reduction <minsi>, %select_n3A_167, %reduce_min3A_168 [1] : vector<256x2048xi32> to vector<256xi32>
    %reshape3A_170 = vector.shape_cast %reduce_min3A_169 : vector<256xi32> to vector<256x1xi32>
    %broadcast_in_dim3A_171 = vector.shape_cast %reduce_min3A_169 : vector<256xi32> to vector<256x1xi32>
    %eq3A_172 = vector.broadcast %broadcast_in_dim3A_171 : vector<256x1xi32> to vector<256x2048xi32>
    %eq3A_173 = arith.cmpi eq, %iota3A_34, %eq3A_172 : vector<256x2048xi32>
    %jit3A_174 = arith.constant -2147483648 : i32
    %broadcast_in_dim3A_175 = vector.broadcast %jit3A_174 : i32 to vector<256x2048xi32>
    %select_n3A_176 = arith.select %eq3A_173, %broadcast_in_dim3A_175, %get3A_159 : vector<256x2048xi1>, vector<256x2048xi32>
    %swap3A_177 = arith.constant 0 : index
    %swap3A_178 = arith.constant 0 : index
    %swap3A_179 = vector.load %arg5[%swap3A_177, %swap3A_178] : memref<256x2048xi32, #tpu.memory_space<vmem>>, vector<256x2048xi32>
    tpu.vector_store %arg5[%swap3A_177, %swap3A_178], %select_n3A_176 {strides = array<i32>} : memref<256x2048xi32, #tpu.memory_space<vmem>>, vector<256x2048xi32>,
    %get3A_180 = arith.constant 0 : index
    %get3A_181 = arith.constant 0 : index
    %get3A_182 = vector.load %arg5[%get3A_180, %get3A_181] : memref<256x2048xi32, #tpu.memory_space<vmem>>, vector<256x2048xi32>
    %reduce_max3A_183 = arith.constant dense<-2147483648> : vector<256xi32>
    %reduce_max3A_184 = vector.multi_reduction <maxsi>, %get3A_182, %reduce_max3A_183 [1] : vector<256x2048xi32> to vector<256xi32>
    %broadcast_in_dim3A_185 = vector.shape_cast %reduce_max3A_184 : vector<256xi32> to vector<256x1xi32>
    %eq3A_186 = vector.broadcast %broadcast_in_dim3A_185 : vector<256x1xi32> to vector<256x2048xi32>
    %eq3A_187 = arith.cmpi eq, %get3A_182, %eq3A_186 : vector<256x2048xi32>
    %jit3A_188 = arith.constant 2048 : i32
    %broadcast_in_dim3A_189 = vector.broadcast %jit3A_188 : i32 to vector<256x2048xi32>
    %select_n3A_190 = arith.select %eq3A_187, %iota3A_34, %broadcast_in_dim3A_189 : vector<256x2048xi1>, vector<256x2048xi32>
    %reduce_min3A_191 = arith.constant dense<2147483647> : vector<256xi32>
    %reduce_min3A_192 = vector.multi_reduction <minsi>, %select_n3A_190, %reduce_min3A_191 [1] : vector<256x2048xi32> to vector<256xi32>
    %reshape3A_193 = vector.shape_cast %reduce_min3A_192 : vector<256xi32> to vector<256x1xi32>
    %broadcast_in_dim3A_194 = vector.shape_cast %reduce_min3A_192 : vector<256xi32> to vector<256x1xi32>
    %eq3A_195 = vector.broadcast %broadcast_in_dim3A_194 : vector<256x1xi32> to vector<256x2048xi32>
    %eq3A_196 = arith.cmpi eq, %iota3A_34, %eq3A_195 : vector<256x2048xi32>
    %jit3A_197 = arith.constant -2147483648 : i32
    %broadcast_in_dim3A_198 = vector.broadcast %jit3A_197 : i32 to vector<256x2048xi32>
    %select_n3A_199 = arith.select %eq3A_196, %broadcast_in_dim3A_198, %get3A_182 : vector<256x2048xi1>, vector<256x2048xi32>
    %swap3A_200 = arith.constant 0 : index
    %swap3A_201 = arith.constant 0 : index
    %swap3A_202 = vector.load %arg5[%swap3A_200, %swap3A_201] : memref<256x2048xi32, #tpu.memory_space<vmem>>, vector<256x2048xi32>
    tpu.vector_store %arg5[%swap3A_200, %swap3A_201], %select_n3A_199 {strides = array<i32>} : memref<256x2048xi32, #tpu.memory_space<vmem>>, vector<256x2048xi32>,
    %get3A_203 = arith.constant 0 : index
    %get3A_204 = arith.constant 0 : index
    %get3A_205 = vector.load %arg5[%get3A_203, %get3A_204] : memref<256x2048xi32, #tpu.memory_space<vmem>>, vector<256x2048xi32>
    %reduce_max3A_206 = arith.constant dense<-2147483648> : vector<256xi32>
    %reduce_max3A_207 = vector.multi_reduction <maxsi>, %get3A_205, %reduce_max3A_206 [1] : vector<256x2048xi32> to vector<256xi32>
    %broadcast_in_dim3A_208 = vector.shape_cast %reduce_max3A_207 : vector<256xi32> to vector<256x1xi32>
    %eq3A_209 = vector.broadcast %broadcast_in_dim3A_208 : vector<256x1xi32> to vector<256x2048xi32>
    %eq3A_210 = arith.cmpi eq, %get3A_205, %eq3A_209 : vector<256x2048xi32>
    %jit3A_211 = arith.constant 2048 : i32
    %broadcast_in_dim3A_212 = vector.broadcast %jit3A_211 : i32 to vector<256x2048xi32>
    %select_n3A_213 = arith.select %eq3A_210, %iota3A_34, %broadcast_in_dim3A_212 : vector<256x2048xi1>, vector<256x2048xi32>
    %reduce_min3A_214 = arith.constant dense<2147483647> : vector<256xi32>
    %reduce_min3A_215 = vector.multi_reduction <minsi>, %select_n3A_213, %reduce_min3A_214 [1] : vector<256x2048xi32> to vector<256xi32>
    %reshape3A_216 = vector.shape_cast %reduce_min3A_215 : vector<256xi32> to vector<256x1xi32>
    %broadcast_in_dim3A_217 = vector.shape_cast %reduce_min3A_215 : vector<256xi32> to vector<256x1xi32>
    %eq3A_218 = vector.broadcast %broadcast_in_dim3A_217 : vector<256x1xi32> to vector<256x2048xi32>
    %eq3A_219 = arith.cmpi eq, %iota3A_34, %eq3A_218 : vector<256x2048xi32>
    %jit3A_220 = arith.constant -2147483648 : i32
    %broadcast_in_dim3A_221 = vector.broadcast %jit3A_220 : i32 to vector<256x2048xi32>
    %select_n3A_222 = arith.select %eq3A_219, %broadcast_in_dim3A_221, %get3A_205 : vector<256x2048xi1>, vector<256x2048xi32>
    %swap3A_223 = arith.constant 0 : index
    %swap3A_224 = arith.constant 0 : index
    %swap3A_225 = vector.load %arg5[%swap3A_223, %swap3A_224] : memref<256x2048xi32, #tpu.memory_space<vmem>>, vector<256x2048xi32>
    tpu.vector_store %arg5[%swap3A_223, %swap3A_224], %select_n3A_222 {strides = array<i32>} : memref<256x2048xi32, #tpu.memory_space<vmem>>, vector<256x2048xi32>,
    %get3A_226 = arith.constant 0 : index
    %get3A_227 = arith.constant 0 : index
    %get3A_228 = vector.load %arg5[%get3A_226, %get3A_227] : memref<256x2048xi32, #tpu.memory_space<vmem>>, vector<256x2048xi32>
    %reduce_max3A_229 = arith.constant dense<-2147483648> : vector<256xi32>
    %reduce_max3A_230 = vector.multi_reduction <maxsi>, %get3A_228, %reduce_max3A_229 [1] : vector<256x2048xi32> to vector<256xi32>
    %broadcast_in_dim3A_231 = vector.shape_cast %reduce_max3A_230 : vector<256xi32> to vector<256x1xi32>
    %eq3A_232 = vector.broadcast %broadcast_in_dim3A_231 : vector<256x1xi32> to vector<256x2048xi32>
    %eq3A_233 = arith.cmpi eq, %get3A_228, %eq3A_232 : vector<256x2048xi32>
    %jit3A_234 = arith.constant 2048 : i32
    %broadcast_in_dim3A_235 = vector.broadcast %jit3A_234 : i32 to vector<256x2048xi32>
    %select_n3A_236 = arith.select %eq3A_233, %iota3A_34, %broadcast_in_dim3A_235 : vector<256x2048xi1>, vector<256x2048xi32>
    %reduce_min3A_237 = arith.constant dense<2147483647> : vector<256xi32>
    %reduce_min3A_238 = vector.multi_reduction <minsi>, %select_n3A_236, %reduce_min3A_237 [1] : vector<256x2048xi32> to vector<256xi32>
    %reshape3A_239 = vector.shape_cast %reduce_min3A_238 : vector<256xi32> to vector<256x1xi32>
    %broadcast_in_dim3A_240 = vector.shape_cast %reduce_min3A_238 : vector<256xi32> to vector<256x1xi32>
    %eq3A_241 = vector.broadcast %broadcast_in_dim3A_240 : vector<256x1xi32> to vector<256x2048xi32>
    %eq3A_242 = arith.cmpi eq, %iota3A_34, %eq3A_241 : vector<256x2048xi32>
    %jit3A_243 = arith.constant -2147483648 : i32
    %broadcast_in_dim3A_244 = vector.broadcast %jit3A_243 : i32 to vector<256x2048xi32>
    %select_n3A_245 = arith.select %eq3A_242, %broadcast_in_dim3A_244, %get3A_228 : vector<256x2048xi1>, vector<256x2048xi32>
    %swap3A_246 = arith.constant 0 : index
    %swap3A_247 = arith.constant 0 : index
    %swap3A_248 = vector.load %arg5[%swap3A_246, %swap3A_247] : memref<256x2048xi32, #tpu.memory_space<vmem>>, vector<256x2048xi32>
    tpu.vector_store %arg5[%swap3A_246, %swap3A_247], %select_n3A_245 {strides = array<i32>} : memref<256x2048xi32, #tpu.memory_space<vmem>>, vector<256x2048xi32>,
    %get3A_249 = arith.constant 0 : index
    %get3A_250 = arith.constant 0 : index
    %get3A_251 = vector.load %arg5[%get3A_249, %get3A_250] : memref<256x2048xi32, #tpu.memory_space<vmem>>, vector<256x2048xi32>
    %reduce_max3A_252 = arith.constant dense<-2147483648> : vector<256xi32>
    %reduce_max3A_253 = vector.multi_reduction <maxsi>, %get3A_251, %reduce_max3A_252 [1] : vector<256x2048xi32> to vector<256xi32>
    %broadcast_in_dim3A_254 = vector.shape_cast %reduce_max3A_253 : vector<256xi32> to vector<256x1xi32>
    %eq3A_255 = vector.broadcast %broadcast_in_dim3A_254 : vector<256x1xi32> to vector<256x2048xi32>
    %eq3A_256 = arith.cmpi eq, %get3A_251, %eq3A_255 : vector<256x2048xi32>
    %jit3A_257 = arith.constant 2048 : i32
    %broadcast_in_dim3A_258 = vector.broadcast %jit3A_257 : i32 to vector<256x2048xi32>
    %select_n3A_259 = arith.select %eq3A_256, %iota3A_34, %broadcast_in_dim3A_258 : vector<256x2048xi1>, vector<256x2048xi32>
    %reduce_min3A_260 = arith.constant dense<2147483647> : vector<256xi32>
    %reduce_min3A_261 = vector.multi_reduction <minsi>, %select_n3A_259, %reduce_min3A_260 [1] : vector<256x2048xi32> to vector<256xi32>
    %reshape3A_262 = vector.shape_cast %reduce_min3A_261 : vector<256xi32> to vector<256x1xi32>
    %broadcast_in_dim3A_263 = vector.shape_cast %reduce_min3A_261 : vector<256xi32> to vector<256x1xi32>
    %eq3A_264 = vector.broadcast %broadcast_in_dim3A_263 : vector<256x1xi32> to vector<256x2048xi32>
    %eq3A_265 = arith.cmpi eq, %iota3A_34, %eq3A_264 : vector<256x2048xi32>
    %jit3A_266 = arith.constant -2147483648 : i32
    %broadcast_in_dim3A_267 = vector.broadcast %jit3A_266 : i32 to vector<256x2048xi32>
    %select_n3A_268 = arith.select %eq3A_265, %broadcast_in_dim3A_267, %get3A_251 : vector<256x2048xi1>, vector<256x2048xi32>
    %swap3A_269 = arith.constant 0 : index
    %swap3A_270 = arith.constant 0 : index
    %swap3A_271 = vector.load %arg5[%swap3A_269, %swap3A_270] : memref<256x2048xi32, #tpu.memory_space<vmem>>, vector<256x2048xi32>
    tpu.vector_store %arg5[%swap3A_269, %swap3A_270], %select_n3A_268 {strides = array<i32>} : memref<256x2048xi32, #tpu.memory_space<vmem>>, vector<256x2048xi32>,
    %get3A_272 = arith.constant 0 : index
    %get3A_273 = arith.constant 0 : index
    %get3A_274 = vector.load %arg5[%get3A_272, %get3A_273] : memref<256x2048xi32, #tpu.memory_space<vmem>>, vector<256x2048xi32>
    %reduce_max3A_275 = arith.constant dense<-2147483648> : vector<256xi32>
    %reduce_max3A_276 = vector.multi_reduction <maxsi>, %get3A_274, %reduce_max3A_275 [1] : vector<256x2048xi32> to vector<256xi32>
    %broadcast_in_dim3A_277 = vector.shape_cast %reduce_max3A_276 : vector<256xi32> to vector<256x1xi32>
    %eq3A_278 = vector.broadcast %broadcast_in_dim3A_277 : vector<256x1xi32> to vector<256x2048xi32>
    %eq3A_279 = arith.cmpi eq, %get3A_274, %eq3A_278 : vector<256x2048xi32>
    %jit3A_280 = arith.constant 2048 : i32
    %broadcast_in_dim3A_281 = vector.broadcast %jit3A_280 : i32 to vector<256x2048xi32>
    %select_n3A_282 = arith.select %eq3A_279, %iota3A_34, %broadcast_in_dim3A_281 : vector<256x2048xi1>, vector<256x2048xi32>
    %reduce_min3A_283 = arith.constant dense<2147483647> : vector<256xi32>
    %reduce_min3A_284 = vector.multi_reduction <minsi>, %select_n3A_282, %reduce_min3A_283 [1] : vector<256x2048xi32> to vector<256xi32>
    %reshape3A_285 = vector.shape_cast %reduce_min3A_284 : vector<256xi32> to vector<256x1xi32>
    %broadcast_in_dim3A_286 = vector.shape_cast %reduce_min3A_284 : vector<256xi32> to vector<256x1xi32>
    %eq3A_287 = vector.broadcast %broadcast_in_dim3A_286 : vector<256x1xi32> to vector<256x2048xi32>
    %eq3A_288 = arith.cmpi eq, %iota3A_34, %eq3A_287 : vector<256x2048xi32>
    %jit3A_289 = arith.constant -2147483648 : i32
    %broadcast_in_dim3A_290 = vector.broadcast %jit3A_289 : i32 to vector<256x2048xi32>
    %select_n3A_291 = arith.select %eq3A_288, %broadcast_in_dim3A_290, %get3A_274 : vector<256x2048xi1>, vector<256x2048xi32>
    %swap3A_292 = arith.constant 0 : index
    %swap3A_293 = arith.constant 0 : index
    %swap3A_294 = vector.load %arg5[%swap3A_292, %swap3A_293] : memref<256x2048xi32, #tpu.memory_space<vmem>>, vector<256x2048xi32>
    tpu.vector_store %arg5[%swap3A_292, %swap3A_293], %select_n3A_291 {strides = array<i32>} : memref<256x2048xi32, #tpu.memory_space<vmem>>, vector<256x2048xi32>,
    %get3A_295 = arith.constant 0 : index
    %get3A_296 = arith.constant 0 : index
    %get3A_297 = vector.load %arg5[%get3A_295, %get3A_296] : memref<256x2048xi32, #tpu.memory_space<vmem>>, vector<256x2048xi32>
    %reduce_max3A_298 = arith.constant dense<-2147483648> : vector<256xi32>
    %reduce_max3A_299 = vector.multi_reduction <maxsi>, %get3A_297, %reduce_max3A_298 [1] : vector<256x2048xi32> to vector<256xi32>
    %broadcast_in_dim3A_300 = vector.shape_cast %reduce_max3A_299 : vector<256xi32> to vector<256x1xi32>
    %eq3A_301 = vector.broadcast %broadcast_in_dim3A_300 : vector<256x1xi32> to vector<256x2048xi32>
    %eq3A_302 = arith.cmpi eq, %get3A_297, %eq3A_301 : vector<256x2048xi32>
    %jit3A_303 = arith.constant 2048 : i32
    %broadcast_in_dim3A_304 = vector.broadcast %jit3A_303 : i32 to vector<256x2048xi32>
    %select_n3A_305 = arith.select %eq3A_302, %iota3A_34, %broadcast_in_dim3A_304 : vector<256x2048xi1>, vector<256x2048xi32>
    %reduce_min3A_306 = arith.constant dense<2147483647> : vector<256xi32>
    %reduce_min3A_307 = vector.multi_reduction <minsi>, %select_n3A_305, %reduce_min3A_306 [1] : vector<256x2048xi32> to vector<256xi32>
    %reshape3A_308 = vector.shape_cast %reduce_min3A_307 : vector<256xi32> to vector<256x1xi32>
    %broadcast_in_dim3A_309 = vector.shape_cast %reduce_min3A_307 : vector<256xi32> to vector<256x1xi32>
    %eq3A_310 = vector.broadcast %broadcast_in_dim3A_309 : vector<256x1xi32> to vector<256x2048xi32>
    %eq3A_311 = arith.cmpi eq, %iota3A_34, %eq3A_310 : vector<256x2048xi32>
    %jit3A_312 = arith.constant -2147483648 : i32
    %broadcast_in_dim3A_313 = vector.broadcast %jit3A_312 : i32 to vector<256x2048xi32>
    %select_n3A_314 = arith.select %eq3A_311, %broadcast_in_dim3A_313, %get3A_297 : vector<256x2048xi1>, vector<256x2048xi32>
    %swap3A_315 = arith.constant 0 : index
    %swap3A_316 = arith.constant 0 : index
    %swap3A_317 = vector.load %arg5[%swap3A_315, %swap3A_316] : memref<256x2048xi32, #tpu.memory_space<vmem>>, vector<256x2048xi32>
    tpu.vector_store %arg5[%swap3A_315, %swap3A_316], %select_n3A_314 {strides = array<i32>} : memref<256x2048xi32, #tpu.memory_space<vmem>>, vector<256x2048xi32>,
    %get3A_318 = arith.constant 0 : index
    %get3A_319 = arith.constant 0 : index
    %get3A_320 = vector.load %arg5[%get3A_318, %get3A_319] : memref<256x2048xi32, #tpu.memory_space<vmem>>, vector<256x2048xi32>
    %reduce_max3A_321 = arith.constant dense<-2147483648> : vector<256xi32>
    %reduce_max3A_322 = vector.multi_reduction <maxsi>, %get3A_320, %reduce_max3A_321 [1] : vector<256x2048xi32> to vector<256xi32>
    %broadcast_in_dim3A_323 = vector.shape_cast %reduce_max3A_322 : vector<256xi32> to vector<256x1xi32>
    %eq3A_324 = vector.broadcast %broadcast_in_dim3A_323 : vector<256x1xi32> to vector<256x2048xi32>
    %eq3A_325 = arith.cmpi eq, %get3A_320, %eq3A_324 : vector<256x2048xi32>
    %jit3A_326 = arith.constant 2048 : i32
    %broadcast_in_dim3A_327 = vector.broadcast %jit3A_326 : i32 to vector<256x2048xi32>
    %select_n3A_328 = arith.select %eq3A_325, %iota3A_34, %broadcast_in_dim3A_327 : vector<256x2048xi1>, vector<256x2048xi32>
    %reduce_min3A_329 = arith.constant dense<2147483647> : vector<256xi32>
    %reduce_min3A_330 = vector.multi_reduction <minsi>, %select_n3A_328, %reduce_min3A_329 [1] : vector<256x2048xi32> to vector<256xi32>
    %reshape3A_331 = vector.shape_cast %reduce_min3A_330 : vector<256xi32> to vector<256x1xi32>
    %broadcast_in_dim3A_332 = vector.shape_cast %reduce_min3A_330 : vector<256xi32> to vector<256x1xi32>
    %eq3A_333 = vector.broadcast %broadcast_in_dim3A_332 : vector<256x1xi32> to vector<256x2048xi32>
    %eq3A_334 = arith.cmpi eq, %iota3A_34, %eq3A_333 : vector<256x2048xi32>
    %jit3A_335 = arith.constant -2147483648 : i32
    %broadcast_in_dim3A_336 = vector.broadcast %jit3A_335 : i32 to vector<256x2048xi32>
    %select_n3A_337 = arith.select %eq3A_334, %broadcast_in_dim3A_336, %get3A_320 : vector<256x2048xi1>, vector<256x2048xi32>
    %swap3A_338 = arith.constant 0 : index
    %swap3A_339 = arith.constant 0 : index
    %swap3A_340 = vector.load %arg5[%swap3A_338, %swap3A_339] : memref<256x2048xi32, #tpu.memory_space<vmem>>, vector<256x2048xi32>
    tpu.vector_store %arg5[%swap3A_338, %swap3A_339], %select_n3A_337 {strides = array<i32>} : memref<256x2048xi32, #tpu.memory_space<vmem>>, vector<256x2048xi32>,
    %get3A_341 = arith.constant 0 : index
    %get3A_342 = arith.constant 0 : index
    %get3A_343 = vector.load %arg5[%get3A_341, %get3A_342] : memref<256x2048xi32, #tpu.memory_space<vmem>>, vector<256x2048xi32>
    %reduce_max3A_344 = arith.constant dense<-2147483648> : vector<256xi32>
    %reduce_max3A_345 = vector.multi_reduction <maxsi>, %get3A_343, %reduce_max3A_344 [1] : vector<256x2048xi32> to vector<256xi32>
    %broadcast_in_dim3A_346 = vector.shape_cast %reduce_max3A_345 : vector<256xi32> to vector<256x1xi32>
    %eq3A_347 = vector.broadcast %broadcast_in_dim3A_346 : vector<256x1xi32> to vector<256x2048xi32>
    %eq3A_348 = arith.cmpi eq, %get3A_343, %eq3A_347 : vector<256x2048xi32>
    %jit3A_349 = arith.constant 2048 : i32
    %broadcast_in_dim3A_350 = vector.broadcast %jit3A_349 : i32 to vector<256x2048xi32>
    %select_n3A_351 = arith.select %eq3A_348, %iota3A_34, %broadcast_in_dim3A_350 : vector<256x2048xi1>, vector<256x2048xi32>
    %reduce_min3A_352 = arith.constant dense<2147483647> : vector<256xi32>
    %reduce_min3A_353 = vector.multi_reduction <minsi>, %select_n3A_351, %reduce_min3A_352 [1] : vector<256x2048xi32> to vector<256xi32>
    %reshape3A_354 = vector.shape_cast %reduce_min3A_353 : vector<256xi32> to vector<256x1xi32>
    %broadcast_in_dim3A_355 = vector.shape_cast %reduce_min3A_353 : vector<256xi32> to vector<256x1xi32>
    %eq3A_356 = vector.broadcast %broadcast_in_dim3A_355 : vector<256x1xi32> to vector<256x2048xi32>
    %eq3A_357 = arith.cmpi eq, %iota3A_34, %eq3A_356 : vector<256x2048xi32>
    %jit3A_358 = arith.constant -2147483648 : i32
    %broadcast_in_dim3A_359 = vector.broadcast %jit3A_358 : i32 to vector<256x2048xi32>
    %select_n3A_360 = arith.select %eq3A_357, %broadcast_in_dim3A_359, %get3A_343 : vector<256x2048xi1>, vector<256x2048xi32>
    %swap3A_361 = arith.constant 0 : index
    %swap3A_362 = arith.constant 0 : index
    %swap3A_363 = vector.load %arg5[%swap3A_361, %swap3A_362] : memref<256x2048xi32, #tpu.memory_space<vmem>>, vector<256x2048xi32>
    tpu.vector_store %arg5[%swap3A_361, %swap3A_362], %select_n3A_360 {strides = array<i32>} : memref<256x2048xi32, #tpu.memory_space<vmem>>, vector<256x2048xi32>,
    %get3A_364 = arith.constant 0 : index
    %get3A_365 = arith.constant 0 : index
    %get3A_366 = vector.load %arg5[%get3A_364, %get3A_365] : memref<256x2048xi32, #tpu.memory_space<vmem>>, vector<256x2048xi32>
    %reduce_max3A_367 = arith.constant dense<-2147483648> : vector<256xi32>
    %reduce_max3A_368 = vector.multi_reduction <maxsi>, %get3A_366, %reduce_max3A_367 [1] : vector<256x2048xi32> to vector<256xi32>
    %broadcast_in_dim3A_369 = vector.shape_cast %reduce_max3A_368 : vector<256xi32> to vector<256x1xi32>
    %eq3A_370 = vector.broadcast %broadcast_in_dim3A_369 : vector<256x1xi32> to vector<256x2048xi32>
    %eq3A_371 = arith.cmpi eq, %get3A_366, %eq3A_370 : vector<256x2048xi32>
    %jit3A_372 = arith.constant 2048 : i32
    %broadcast_in_dim3A_373 = vector.broadcast %jit3A_372 : i32 to vector<256x2048xi32>
    %select_n3A_374 = arith.select %eq3A_371, %iota3A_34, %broadcast_in_dim3A_373 : vector<256x2048xi1>, vector<256x2048xi32>
    %reduce_min3A_375 = arith.constant dense<2147483647> : vector<256xi32>
    %reduce_min3A_376 = vector.multi_reduction <minsi>, %select_n3A_374, %reduce_min3A_375 [1] : vector<256x2048xi32> to vector<256xi32>
    %reshape3A_377 = vector.shape_cast %reduce_min3A_376 : vector<256xi32> to vector<256x1xi32>
    %broadcast_in_dim3A_378 = vector.shape_cast %reduce_min3A_376 : vector<256xi32> to vector<256x1xi32>
    %eq3A_379 = vector.broadcast %broadcast_in_dim3A_378 : vector<256x1xi32> to vector<256x2048xi32>
    %eq3A_380 = arith.cmpi eq, %iota3A_34, %eq3A_379 : vector<256x2048xi32>
    %jit3A_381 = arith.constant -2147483648 : i32
    %broadcast_in_dim3A_382 = vector.broadcast %jit3A_381 : i32 to vector<256x2048xi32>
    %select_n3A_383 = arith.select %eq3A_380, %broadcast_in_dim3A_382, %get3A_366 : vector<256x2048xi1>, vector<256x2048xi32>
    %swap3A_384 = arith.constant 0 : index
    %swap3A_385 = arith.constant 0 : index
    %swap3A_386 = vector.load %arg5[%swap3A_384, %swap3A_385] : memref<256x2048xi32, #tpu.memory_space<vmem>>, vector<256x2048xi32>
    tpu.vector_store %arg5[%swap3A_384, %swap3A_385], %select_n3A_383 {strides = array<i32>} : memref<256x2048xi32, #tpu.memory_space<vmem>>, vector<256x2048xi32>,
    %get3A_387 = arith.constant 0 : index
    %get3A_388 = arith.constant 0 : index
    %get3A_389 = vector.load %arg5[%get3A_387, %get3A_388] : memref<256x2048xi32, #tpu.memory_space<vmem>>, vector<256x2048xi32>
    %reduce_max3A_390 = arith.constant dense<-2147483648> : vector<256xi32>
    %reduce_max3A_391 = vector.multi_reduction <maxsi>, %get3A_389, %reduce_max3A_390 [1] : vector<256x2048xi32> to vector<256xi32>
    %broadcast_in_dim3A_392 = vector.shape_cast %reduce_max3A_391 : vector<256xi32> to vector<256x1xi32>
    %eq3A_393 = vector.broadcast %broadcast_in_dim3A_392 : vector<256x1xi32> to vector<256x2048xi32>
    %eq3A_394 = arith.cmpi eq, %get3A_389, %eq3A_393 : vector<256x2048xi32>
    %jit3A_395 = arith.constant 2048 : i32
    %broadcast_in_dim3A_396 = vector.broadcast %jit3A_395 : i32 to vector<256x2048xi32>
    %select_n3A_397 = arith.select %eq3A_394, %iota3A_34, %broadcast_in_dim3A_396 : vector<256x2048xi1>, vector<256x2048xi32>
    %reduce_min3A_398 = arith.constant dense<2147483647> : vector<256xi32>
    %reduce_min3A_399 = vector.multi_reduction <minsi>, %select_n3A_397, %reduce_min3A_398 [1] : vector<256x2048xi32> to vector<256xi32>
    %reshape3A_400 = vector.shape_cast %reduce_min3A_399 : vector<256xi32> to vector<256x1xi32>
    %broadcast_in_dim3A_401 = vector.shape_cast %reduce_min3A_399 : vector<256xi32> to vector<256x1xi32>
    %eq3A_402 = vector.broadcast %broadcast_in_dim3A_401 : vector<256x1xi32> to vector<256x2048xi32>
    %eq3A_403 = arith.cmpi eq, %iota3A_34, %eq3A_402 : vector<256x2048xi32>
    %jit3A_404 = arith.constant -2147483648 : i32
    %broadcast_in_dim3A_405 = vector.broadcast %jit3A_404 : i32 to vector<256x2048xi32>
    %select_n3A_406 = arith.select %eq3A_403, %broadcast_in_dim3A_405, %get3A_389 : vector<256x2048xi1>, vector<256x2048xi32>
    %swap3A_407 = arith.constant 0 : index
    %swap3A_408 = arith.constant 0 : index
    %swap3A_409 = vector.load %arg5[%swap3A_407, %swap3A_408] : memref<256x2048xi32, #tpu.memory_space<vmem>>, vector<256x2048xi32>
    tpu.vector_store %arg5[%swap3A_407, %swap3A_408], %select_n3A_406 {strides = array<i32>} : memref<256x2048xi32, #tpu.memory_space<vmem>>, vector<256x2048xi32>,
    %get3A_410 = arith.constant 0 : index
    %get3A_411 = arith.constant 0 : index
    %get3A_412 = vector.load %arg5[%get3A_410, %get3A_411] : memref<256x2048xi32, #tpu.memory_space<vmem>>, vector<256x2048xi32>
    %reduce_max3A_413 = arith.constant dense<-2147483648> : vector<256xi32>
    %reduce_max3A_414 = vector.multi_reduction <maxsi>, %get3A_412, %reduce_max3A_413 [1] : vector<256x2048xi32> to vector<256xi32>
    %broadcast_in_dim3A_415 = vector.shape_cast %reduce_max3A_414 : vector<256xi32> to vector<256x1xi32>
    %eq3A_416 = vector.broadcast %broadcast_in_dim3A_415 : vector<256x1xi32> to vector<256x2048xi32>
    %eq3A_417 = arith.cmpi eq, %get3A_412, %eq3A_416 : vector<256x2048xi32>
    %jit3A_418 = arith.constant 2048 : i32
    %broadcast_in_dim3A_419 = vector.broadcast %jit3A_418 : i32 to vector<256x2048xi32>
    %select_n3A_420 = arith.select %eq3A_417, %iota3A_34, %broadcast_in_dim3A_419 : vector<256x2048xi1>, vector<256x2048xi32>
    %reduce_min3A_421 = arith.constant dense<2147483647> : vector<256xi32>
    %reduce_min3A_422 = vector.multi_reduction <minsi>, %select_n3A_420, %reduce_min3A_421 [1] : vector<256x2048xi32> to vector<256xi32>
    %reshape3A_423 = vector.shape_cast %reduce_min3A_422 : vector<256xi32> to vector<256x1xi32>
    %broadcast_in_dim3A_424 = vector.shape_cast %reduce_min3A_422 : vector<256xi32> to vector<256x1xi32>
    %eq3A_425 = vector.broadcast %broadcast_in_dim3A_424 : vector<256x1xi32> to vector<256x2048xi32>
    %eq3A_426 = arith.cmpi eq, %iota3A_34, %eq3A_425 : vector<256x2048xi32>
    %jit3A_427 = arith.constant -2147483648 : i32
    %broadcast_in_dim3A_428 = vector.broadcast %jit3A_427 : i32 to vector<256x2048xi32>
    %select_n3A_429 = arith.select %eq3A_426, %broadcast_in_dim3A_428, %get3A_412 : vector<256x2048xi1>, vector<256x2048xi32>
    %swap3A_430 = arith.constant 0 : index
    %swap3A_431 = arith.constant 0 : index
    %swap3A_432 = vector.load %arg5[%swap3A_430, %swap3A_431] : memref<256x2048xi32, #tpu.memory_space<vmem>>, vector<256x2048xi32>
    tpu.vector_store %arg5[%swap3A_430, %swap3A_431], %select_n3A_429 {strides = array<i32>} : memref<256x2048xi32, #tpu.memory_space<vmem>>, vector<256x2048xi32>,
    %get3A_433 = arith.constant 0 : index
    %get3A_434 = arith.constant 0 : index
    %get3A_435 = vector.load %arg5[%get3A_433, %get3A_434] : memref<256x2048xi32, #tpu.memory_space<vmem>>, vector<256x2048xi32>
    %reduce_max3A_436 = arith.constant dense<-2147483648> : vector<256xi32>
    %reduce_max3A_437 = vector.multi_reduction <maxsi>, %get3A_435, %reduce_max3A_436 [1] : vector<256x2048xi32> to vector<256xi32>
    %broadcast_in_dim3A_438 = vector.shape_cast %reduce_max3A_437 : vector<256xi32> to vector<256x1xi32>
    %eq3A_439 = vector.broadcast %broadcast_in_dim3A_438 : vector<256x1xi32> to vector<256x2048xi32>
    %eq3A_440 = arith.cmpi eq, %get3A_435, %eq3A_439 : vector<256x2048xi32>
    %jit3A_441 = arith.constant 2048 : i32
    %broadcast_in_dim3A_442 = vector.broadcast %jit3A_441 : i32 to vector<256x2048xi32>
    %select_n3A_443 = arith.select %eq3A_440, %iota3A_34, %broadcast_in_dim3A_442 : vector<256x2048xi1>, vector<256x2048xi32>
    %reduce_min3A_444 = arith.constant dense<2147483647> : vector<256xi32>
    %reduce_min3A_445 = vector.multi_reduction <minsi>, %select_n3A_443, %reduce_min3A_444 [1] : vector<256x2048xi32> to vector<256xi32>
    %reshape3A_446 = vector.shape_cast %reduce_min3A_445 : vector<256xi32> to vector<256x1xi32>
    %broadcast_in_dim3A_447 = vector.shape_cast %reduce_min3A_445 : vector<256xi32> to vector<256x1xi32>
    %eq3A_448 = vector.broadcast %broadcast_in_dim3A_447 : vector<256x1xi32> to vector<256x2048xi32>
    %eq3A_449 = arith.cmpi eq, %iota3A_34, %eq3A_448 : vector<256x2048xi32>
    %jit3A_450 = arith.constant -2147483648 : i32
    %broadcast_in_dim3A_451 = vector.broadcast %jit3A_450 : i32 to vector<256x2048xi32>
    %select_n3A_452 = arith.select %eq3A_449, %broadcast_in_dim3A_451, %get3A_435 : vector<256x2048xi1>, vector<256x2048xi32>
    %swap3A_453 = arith.constant 0 : index
    %swap3A_454 = arith.constant 0 : index
    %swap3A_455 = vector.load %arg5[%swap3A_453, %swap3A_454] : memref<256x2048xi32, #tpu.memory_space<vmem>>, vector<256x2048xi32>
    tpu.vector_store %arg5[%swap3A_453, %swap3A_454], %select_n3A_452 {strides = array<i32>} : memref<256x2048xi32, #tpu.memory_space<vmem>>, vector<256x2048xi32>,
    %get3A_456 = arith.constant 0 : index
    %get3A_457 = arith.constant 0 : index
    %get3A_458 = vector.load %arg5[%get3A_456, %get3A_457] : memref<256x2048xi32, #tpu.memory_space<vmem>>, vector<256x2048xi32>
    %reduce_max3A_459 = arith.constant dense<-2147483648> : vector<256xi32>
    %reduce_max3A_460 = vector.multi_reduction <maxsi>, %get3A_458, %reduce_max3A_459 [1] : vector<256x2048xi32> to vector<256xi32>
    %broadcast_in_dim3A_461 = vector.shape_cast %reduce_max3A_460 : vector<256xi32> to vector<256x1xi32>
    %eq3A_462 = vector.broadcast %broadcast_in_dim3A_461 : vector<256x1xi32> to vector<256x2048xi32>
    %eq3A_463 = arith.cmpi eq, %get3A_458, %eq3A_462 : vector<256x2048xi32>
    %jit3A_464 = arith.constant 2048 : i32
    %broadcast_in_dim3A_465 = vector.broadcast %jit3A_464 : i32 to vector<256x2048xi32>
    %select_n3A_466 = arith.select %eq3A_463, %iota3A_34, %broadcast_in_dim3A_465 : vector<256x2048xi1>, vector<256x2048xi32>
    %reduce_min3A_467 = arith.constant dense<2147483647> : vector<256xi32>
    %reduce_min3A_468 = vector.multi_reduction <minsi>, %select_n3A_466, %reduce_min3A_467 [1] : vector<256x2048xi32> to vector<256xi32>
    %reshape3A_469 = vector.shape_cast %reduce_min3A_468 : vector<256xi32> to vector<256x1xi32>
    %broadcast_in_dim3A_470 = vector.shape_cast %reduce_min3A_468 : vector<256xi32> to vector<256x1xi32>
    %eq3A_471 = vector.broadcast %broadcast_in_dim3A_470 : vector<256x1xi32> to vector<256x2048xi32>
    %eq3A_472 = arith.cmpi eq, %iota3A_34, %eq3A_471 : vector<256x2048xi32>
    %jit3A_473 = arith.constant -2147483648 : i32
    %broadcast_in_dim3A_474 = vector.broadcast %jit3A_473 : i32 to vector<256x2048xi32>
    %select_n3A_475 = arith.select %eq3A_472, %broadcast_in_dim3A_474, %get3A_458 : vector<256x2048xi1>, vector<256x2048xi32>
    %swap3A_476 = arith.constant 0 : index
    %swap3A_477 = arith.constant 0 : index
    %swap3A_478 = vector.load %arg5[%swap3A_476, %swap3A_477] : memref<256x2048xi32, #tpu.memory_space<vmem>>, vector<256x2048xi32>
    tpu.vector_store %arg5[%swap3A_476, %swap3A_477], %select_n3A_475 {strides = array<i32>} : memref<256x2048xi32, #tpu.memory_space<vmem>>, vector<256x2048xi32>,
    %get3A_479 = arith.constant 0 : index
    %get3A_480 = arith.constant 0 : index
    %get3A_481 = vector.load %arg5[%get3A_479, %get3A_480] : memref<256x2048xi32, #tpu.memory_space<vmem>>, vector<256x2048xi32>
    %reduce_max3A_482 = arith.constant dense<-2147483648> : vector<256xi32>
    %reduce_max3A_483 = vector.multi_reduction <maxsi>, %get3A_481, %reduce_max3A_482 [1] : vector<256x2048xi32> to vector<256xi32>
    %broadcast_in_dim3A_484 = vector.shape_cast %reduce_max3A_483 : vector<256xi32> to vector<256x1xi32>
    %eq3A_485 = vector.broadcast %broadcast_in_dim3A_484 : vector<256x1xi32> to vector<256x2048xi32>
    %eq3A_486 = arith.cmpi eq, %get3A_481, %eq3A_485 : vector<256x2048xi32>
    %jit3A_487 = arith.constant 2048 : i32
    %broadcast_in_dim3A_488 = vector.broadcast %jit3A_487 : i32 to vector<256x2048xi32>
    %select_n3A_489 = arith.select %eq3A_486, %iota3A_34, %broadcast_in_dim3A_488 : vector<256x2048xi1>, vector<256x2048xi32>
    %reduce_min3A_490 = arith.constant dense<2147483647> : vector<256xi32>
    %reduce_min3A_491 = vector.multi_reduction <minsi>, %select_n3A_489, %reduce_min3A_490 [1] : vector<256x2048xi32> to vector<256xi32>
    %reshape3A_492 = vector.shape_cast %reduce_min3A_491 : vector<256xi32> to vector<256x1xi32>
    %broadcast_in_dim3A_493 = vector.shape_cast %reduce_min3A_491 : vector<256xi32> to vector<256x1xi32>
    %eq3A_494 = vector.broadcast %broadcast_in_dim3A_493 : vector<256x1xi32> to vector<256x2048xi32>
    %eq3A_495 = arith.cmpi eq, %iota3A_34, %eq3A_494 : vector<256x2048xi32>
    %jit3A_496 = arith.constant -2147483648 : i32
    %broadcast_in_dim3A_497 = vector.broadcast %jit3A_496 : i32 to vector<256x2048xi32>
    %select_n3A_498 = arith.select %eq3A_495, %broadcast_in_dim3A_497, %get3A_481 : vector<256x2048xi1>, vector<256x2048xi32>
    %swap3A_499 = arith.constant 0 : index
    %swap3A_500 = arith.constant 0 : index
    %swap3A_501 = vector.load %arg5[%swap3A_499, %swap3A_500] : memref<256x2048xi32, #tpu.memory_space<vmem>>, vector<256x2048xi32>
    tpu.vector_store %arg5[%swap3A_499, %swap3A_500], %select_n3A_498 {strides = array<i32>} : memref<256x2048xi32, #tpu.memory_space<vmem>>, vector<256x2048xi32>,
    %get3A_502 = arith.constant 0 : index
    %get3A_503 = arith.constant 0 : index
    %get3A_504 = vector.load %arg5[%get3A_502, %get3A_503] : memref<256x2048xi32, #tpu.memory_space<vmem>>, vector<256x2048xi32>
    %reduce_max3A_505 = arith.constant dense<-2147483648> : vector<256xi32>
    %reduce_max3A_506 = vector.multi_reduction <maxsi>, %get3A_504, %reduce_max3A_505 [1] : vector<256x2048xi32> to vector<256xi32>
    %broadcast_in_dim3A_507 = vector.shape_cast %reduce_max3A_506 : vector<256xi32> to vector<256x1xi32>
    %eq3A_508 = vector.broadcast %broadcast_in_dim3A_507 : vector<256x1xi32> to vector<256x2048xi32>
    %eq3A_509 = arith.cmpi eq, %get3A_504, %eq3A_508 : vector<256x2048xi32>
    %jit3A_510 = arith.constant 2048 : i32
    %broadcast_in_dim3A_511 = vector.broadcast %jit3A_510 : i32 to vector<256x2048xi32>
    %select_n3A_512 = arith.select %eq3A_509, %iota3A_34, %broadcast_in_dim3A_511 : vector<256x2048xi1>, vector<256x2048xi32>
    %reduce_min3A_513 = arith.constant dense<2147483647> : vector<256xi32>
    %reduce_min3A_514 = vector.multi_reduction <minsi>, %select_n3A_512, %reduce_min3A_513 [1] : vector<256x2048xi32> to vector<256xi32>
    %reshape3A_515 = vector.shape_cast %reduce_min3A_514 : vector<256xi32> to vector<256x1xi32>
    %broadcast_in_dim3A_516 = vector.shape_cast %reduce_min3A_514 : vector<256xi32> to vector<256x1xi32>
    %eq3A_517 = vector.broadcast %broadcast_in_dim3A_516 : vector<256x1xi32> to vector<256x2048xi32>
    %eq3A_518 = arith.cmpi eq, %iota3A_34, %eq3A_517 : vector<256x2048xi32>
    %jit3A_519 = arith.constant -2147483648 : i32
    %broadcast_in_dim3A_520 = vector.broadcast %jit3A_519 : i32 to vector<256x2048xi32>
    %select_n3A_521 = arith.select %eq3A_518, %broadcast_in_dim3A_520, %get3A_504 : vector<256x2048xi1>, vector<256x2048xi32>
    %swap3A_522 = arith.constant 0 : index
    %swap3A_523 = arith.constant 0 : index
    %swap3A_524 = vector.load %arg5[%swap3A_522, %swap3A_523] : memref<256x2048xi32, #tpu.memory_space<vmem>>, vector<256x2048xi32>
    tpu.vector_store %arg5[%swap3A_522, %swap3A_523], %select_n3A_521 {strides = array<i32>} : memref<256x2048xi32, #tpu.memory_space<vmem>>, vector<256x2048xi32>,
    %get3A_525 = arith.constant 0 : index
    %get3A_526 = arith.constant 0 : index
    %get3A_527 = vector.load %arg5[%get3A_525, %get3A_526] : memref<256x2048xi32, #tpu.memory_space<vmem>>, vector<256x2048xi32>
    %reduce_max3A_528 = arith.constant dense<-2147483648> : vector<256xi32>
    %reduce_max3A_529 = vector.multi_reduction <maxsi>, %get3A_527, %reduce_max3A_528 [1] : vector<256x2048xi32> to vector<256xi32>
    %broadcast_in_dim3A_530 = vector.shape_cast %reduce_max3A_529 : vector<256xi32> to vector<256x1xi32>
    %eq3A_531 = vector.broadcast %broadcast_in_dim3A_530 : vector<256x1xi32> to vector<256x2048xi32>
    %eq3A_532 = arith.cmpi eq, %get3A_527, %eq3A_531 : vector<256x2048xi32>
    %jit3A_533 = arith.constant 2048 : i32
    %broadcast_in_dim3A_534 = vector.broadcast %jit3A_533 : i32 to vector<256x2048xi32>
    %select_n3A_535 = arith.select %eq3A_532, %iota3A_34, %broadcast_in_dim3A_534 : vector<256x2048xi1>, vector<256x2048xi32>
    %reduce_min3A_536 = arith.constant dense<2147483647> : vector<256xi32>
    %reduce_min3A_537 = vector.multi_reduction <minsi>, %select_n3A_535, %reduce_min3A_536 [1] : vector<256x2048xi32> to vector<256xi32>
    %reshape3A_538 = vector.shape_cast %reduce_min3A_537 : vector<256xi32> to vector<256x1xi32>
    %broadcast_in_dim3A_539 = vector.shape_cast %reduce_min3A_537 : vector<256xi32> to vector<256x1xi32>
    %eq3A_540 = vector.broadcast %broadcast_in_dim3A_539 : vector<256x1xi32> to vector<256x2048xi32>
    %eq3A_541 = arith.cmpi eq, %iota3A_34, %eq3A_540 : vector<256x2048xi32>
    %jit3A_542 = arith.constant -2147483648 : i32
    %broadcast_in_dim3A_543 = vector.broadcast %jit3A_542 : i32 to vector<256x2048xi32>
    %select_n3A_544 = arith.select %eq3A_541, %broadcast_in_dim3A_543, %get3A_527 : vector<256x2048xi1>, vector<256x2048xi32>
    %swap3A_545 = arith.constant 0 : index
    %swap3A_546 = arith.constant 0 : index
    %swap3A_547 = vector.load %arg5[%swap3A_545, %swap3A_546] : memref<256x2048xi32, #tpu.memory_space<vmem>>, vector<256x2048xi32>
    tpu.vector_store %arg5[%swap3A_545, %swap3A_546], %select_n3A_544 {strides = array<i32>} : memref<256x2048xi32, #tpu.memory_space<vmem>>, vector<256x2048xi32>,
    %get3A_548 = arith.constant 0 : index
    %get3A_549 = arith.constant 0 : index
    %get3A_550 = vector.load %arg5[%get3A_548, %get3A_549] : memref<256x2048xi32, #tpu.memory_space<vmem>>, vector<256x2048xi32>
    %reduce_max3A_551 = arith.constant dense<-2147483648> : vector<256xi32>
    %reduce_max3A_552 = vector.multi_reduction <maxsi>, %get3A_550, %reduce_max3A_551 [1] : vector<256x2048xi32> to vector<256xi32>
    %broadcast_in_dim3A_553 = vector.shape_cast %reduce_max3A_552 : vector<256xi32> to vector<256x1xi32>
    %eq3A_554 = vector.broadcast %broadcast_in_dim3A_553 : vector<256x1xi32> to vector<256x2048xi32>
    %eq3A_555 = arith.cmpi eq, %get3A_550, %eq3A_554 : vector<256x2048xi32>
    %jit3A_556 = arith.constant 2048 : i32
    %broadcast_in_dim3A_557 = vector.broadcast %jit3A_556 : i32 to vector<256x2048xi32>
    %select_n3A_558 = arith.select %eq3A_555, %iota3A_34, %broadcast_in_dim3A_557 : vector<256x2048xi1>, vector<256x2048xi32>
    %reduce_min3A_559 = arith.constant dense<2147483647> : vector<256xi32>
    %reduce_min3A_560 = vector.multi_reduction <minsi>, %select_n3A_558, %reduce_min3A_559 [1] : vector<256x2048xi32> to vector<256xi32>
    %reshape3A_561 = vector.shape_cast %reduce_min3A_560 : vector<256xi32> to vector<256x1xi32>
    %broadcast_in_dim3A_562 = vector.shape_cast %reduce_min3A_560 : vector<256xi32> to vector<256x1xi32>
    %eq3A_563 = vector.broadcast %broadcast_in_dim3A_562 : vector<256x1xi32> to vector<256x2048xi32>
    %eq3A_564 = arith.cmpi eq, %iota3A_34, %eq3A_563 : vector<256x2048xi32>
    %jit3A_565 = arith.constant -2147483648 : i32
    %broadcast_in_dim3A_566 = vector.broadcast %jit3A_565 : i32 to vector<256x2048xi32>
    %select_n3A_567 = arith.select %eq3A_564, %broadcast_in_dim3A_566, %get3A_550 : vector<256x2048xi1>, vector<256x2048xi32>
    %swap3A_568 = arith.constant 0 : index
    %swap3A_569 = arith.constant 0 : index
    %swap3A_570 = vector.load %arg5[%swap3A_568, %swap3A_569] : memref<256x2048xi32, #tpu.memory_space<vmem>>, vector<256x2048xi32>
    tpu.vector_store %arg5[%swap3A_568, %swap3A_569], %select_n3A_567 {strides = array<i32>} : memref<256x2048xi32, #tpu.memory_space<vmem>>, vector<256x2048xi32>,
    %get3A_571 = arith.constant 0 : index
    %get3A_572 = arith.constant 0 : index
    %get3A_573 = vector.load %arg5[%get3A_571, %get3A_572] : memref<256x2048xi32, #tpu.memory_space<vmem>>, vector<256x2048xi32>
    %reduce_max3A_574 = arith.constant dense<-2147483648> : vector<256xi32>
    %reduce_max3A_575 = vector.multi_reduction <maxsi>, %get3A_573, %reduce_max3A_574 [1] : vector<256x2048xi32> to vector<256xi32>
    %broadcast_in_dim3A_576 = vector.shape_cast %reduce_max3A_575 : vector<256xi32> to vector<256x1xi32>
    %eq3A_577 = vector.broadcast %broadcast_in_dim3A_576 : vector<256x1xi32> to vector<256x2048xi32>
    %eq3A_578 = arith.cmpi eq, %get3A_573, %eq3A_577 : vector<256x2048xi32>
    %jit3A_579 = arith.constant 2048 : i32
    %broadcast_in_dim3A_580 = vector.broadcast %jit3A_579 : i32 to vector<256x2048xi32>
    %select_n3A_581 = arith.select %eq3A_578, %iota3A_34, %broadcast_in_dim3A_580 : vector<256x2048xi1>, vector<256x2048xi32>
    %reduce_min3A_582 = arith.constant dense<2147483647> : vector<256xi32>
    %reduce_min3A_583 = vector.multi_reduction <minsi>, %select_n3A_581, %reduce_min3A_582 [1] : vector<256x2048xi32> to vector<256xi32>
    %reshape3A_584 = vector.shape_cast %reduce_min3A_583 : vector<256xi32> to vector<256x1xi32>
    %broadcast_in_dim3A_585 = vector.shape_cast %reduce_min3A_583 : vector<256xi32> to vector<256x1xi32>
    %eq3A_586 = vector.broadcast %broadcast_in_dim3A_585 : vector<256x1xi32> to vector<256x2048xi32>
    %eq3A_587 = arith.cmpi eq, %iota3A_34, %eq3A_586 : vector<256x2048xi32>
    %jit3A_588 = arith.constant -2147483648 : i32
    %broadcast_in_dim3A_589 = vector.broadcast %jit3A_588 : i32 to vector<256x2048xi32>
    %select_n3A_590 = arith.select %eq3A_587, %broadcast_in_dim3A_589, %get3A_573 : vector<256x2048xi1>, vector<256x2048xi32>
    %swap3A_591 = arith.constant 0 : index
    %swap3A_592 = arith.constant 0 : index
    %swap3A_593 = vector.load %arg5[%swap3A_591, %swap3A_592] : memref<256x2048xi32, #tpu.memory_space<vmem>>, vector<256x2048xi32>
    tpu.vector_store %arg5[%swap3A_591, %swap3A_592], %select_n3A_590 {strides = array<i32>} : memref<256x2048xi32, #tpu.memory_space<vmem>>, vector<256x2048xi32>,
    %get3A_594 = arith.constant 0 : index
    %get3A_595 = arith.constant 0 : index
    %get3A_596 = vector.load %arg5[%get3A_594, %get3A_595] : memref<256x2048xi32, #tpu.memory_space<vmem>>, vector<256x2048xi32>
    %reduce_max3A_597 = arith.constant dense<-2147483648> : vector<256xi32>
    %reduce_max3A_598 = vector.multi_reduction <maxsi>, %get3A_596, %reduce_max3A_597 [1] : vector<256x2048xi32> to vector<256xi32>
    %broadcast_in_dim3A_599 = vector.shape_cast %reduce_max3A_598 : vector<256xi32> to vector<256x1xi32>
    %eq3A_600 = vector.broadcast %broadcast_in_dim3A_599 : vector<256x1xi32> to vector<256x2048xi32>
    %eq3A_601 = arith.cmpi eq, %get3A_596, %eq3A_600 : vector<256x2048xi32>
    %jit3A_602 = arith.constant 2048 : i32
    %broadcast_in_dim3A_603 = vector.broadcast %jit3A_602 : i32 to vector<256x2048xi32>
    %select_n3A_604 = arith.select %eq3A_601, %iota3A_34, %broadcast_in_dim3A_603 : vector<256x2048xi1>, vector<256x2048xi32>
    %reduce_min3A_605 = arith.constant dense<2147483647> : vector<256xi32>
    %reduce_min3A_606 = vector.multi_reduction <minsi>, %select_n3A_604, %reduce_min3A_605 [1] : vector<256x2048xi32> to vector<256xi32>
    %reshape3A_607 = vector.shape_cast %reduce_min3A_606 : vector<256xi32> to vector<256x1xi32>
    %broadcast_in_dim3A_608 = vector.shape_cast %reduce_min3A_606 : vector<256xi32> to vector<256x1xi32>
    %eq3A_609 = vector.broadcast %broadcast_in_dim3A_608 : vector<256x1xi32> to vector<256x2048xi32>
    %eq3A_610 = arith.cmpi eq, %iota3A_34, %eq3A_609 : vector<256x2048xi32>
    %jit3A_611 = arith.constant -2147483648 : i32
    %broadcast_in_dim3A_612 = vector.broadcast %jit3A_611 : i32 to vector<256x2048xi32>
    %select_n3A_613 = arith.select %eq3A_610, %broadcast_in_dim3A_612, %get3A_596 : vector<256x2048xi1>, vector<256x2048xi32>
    %swap3A_614 = arith.constant 0 : index
    %swap3A_615 = arith.constant 0 : index
    %swap3A_616 = vector.load %arg5[%swap3A_614, %swap3A_615] : memref<256x2048xi32, #tpu.memory_space<vmem>>, vector<256x2048xi32>
    tpu.vector_store %arg5[%swap3A_614, %swap3A_615], %select_n3A_613 {strides = array<i32>} : memref<256x2048xi32, #tpu.memory_space<vmem>>, vector<256x2048xi32>,
    %get3A_617 = arith.constant 0 : index
    %get3A_618 = arith.constant 0 : index
    %get3A_619 = vector.load %arg5[%get3A_617, %get3A_618] : memref<256x2048xi32, #tpu.memory_space<vmem>>, vector<256x2048xi32>
    %reduce_max3A_620 = arith.constant dense<-2147483648> : vector<256xi32>
    %reduce_max3A_621 = vector.multi_reduction <maxsi>, %get3A_619, %reduce_max3A_620 [1] : vector<256x2048xi32> to vector<256xi32>
    %broadcast_in_dim3A_622 = vector.shape_cast %reduce_max3A_621 : vector<256xi32> to vector<256x1xi32>
    %eq3A_623 = vector.broadcast %broadcast_in_dim3A_622 : vector<256x1xi32> to vector<256x2048xi32>
    %eq3A_624 = arith.cmpi eq, %get3A_619, %eq3A_623 : vector<256x2048xi32>
    %jit3A_625 = arith.constant 2048 : i32
    %broadcast_in_dim3A_626 = vector.broadcast %jit3A_625 : i32 to vector<256x2048xi32>
    %select_n3A_627 = arith.select %eq3A_624, %iota3A_34, %broadcast_in_dim3A_626 : vector<256x2048xi1>, vector<256x2048xi32>
    %reduce_min3A_628 = arith.constant dense<2147483647> : vector<256xi32>
    %reduce_min3A_629 = vector.multi_reduction <minsi>, %select_n3A_627, %reduce_min3A_628 [1] : vector<256x2048xi32> to vector<256xi32>
    %reshape3A_630 = vector.shape_cast %reduce_min3A_629 : vector<256xi32> to vector<256x1xi32>
    %broadcast_in_dim3A_631 = vector.shape_cast %reduce_min3A_629 : vector<256xi32> to vector<256x1xi32>
    %eq3A_632 = vector.broadcast %broadcast_in_dim3A_631 : vector<256x1xi32> to vector<256x2048xi32>
    %eq3A_633 = arith.cmpi eq, %iota3A_34, %eq3A_632 : vector<256x2048xi32>
    %jit3A_634 = arith.constant -2147483648 : i32
    %broadcast_in_dim3A_635 = vector.broadcast %jit3A_634 : i32 to vector<256x2048xi32>
    %select_n3A_636 = arith.select %eq3A_633, %broadcast_in_dim3A_635, %get3A_619 : vector<256x2048xi1>, vector<256x2048xi32>
    %swap3A_637 = arith.constant 0 : index
    %swap3A_638 = arith.constant 0 : index
    %swap3A_639 = vector.load %arg5[%swap3A_637, %swap3A_638] : memref<256x2048xi32, #tpu.memory_space<vmem>>, vector<256x2048xi32>
    tpu.vector_store %arg5[%swap3A_637, %swap3A_638], %select_n3A_636 {strides = array<i32>} : memref<256x2048xi32, #tpu.memory_space<vmem>>, vector<256x2048xi32>,
    %get3A_640 = arith.constant 0 : index
    %get3A_641 = arith.constant 0 : index
    %get3A_642 = vector.load %arg5[%get3A_640, %get3A_641] : memref<256x2048xi32, #tpu.memory_space<vmem>>, vector<256x2048xi32>
    %reduce_max3A_643 = arith.constant dense<-2147483648> : vector<256xi32>
    %reduce_max3A_644 = vector.multi_reduction <maxsi>, %get3A_642, %reduce_max3A_643 [1] : vector<256x2048xi32> to vector<256xi32>
    %broadcast_in_dim3A_645 = vector.shape_cast %reduce_max3A_644 : vector<256xi32> to vector<256x1xi32>
    %eq3A_646 = vector.broadcast %broadcast_in_dim3A_645 : vector<256x1xi32> to vector<256x2048xi32>
    %eq3A_647 = arith.cmpi eq, %get3A_642, %eq3A_646 : vector<256x2048xi32>
    %jit3A_648 = arith.constant 2048 : i32
    %broadcast_in_dim3A_649 = vector.broadcast %jit3A_648 : i32 to vector<256x2048xi32>
    %select_n3A_650 = arith.select %eq3A_647, %iota3A_34, %broadcast_in_dim3A_649 : vector<256x2048xi1>, vector<256x2048xi32>
    %reduce_min3A_651 = arith.constant dense<2147483647> : vector<256xi32>
    %reduce_min3A_652 = vector.multi_reduction <minsi>, %select_n3A_650, %reduce_min3A_651 [1] : vector<256x2048xi32> to vector<256xi32>
    %reshape3A_653 = vector.shape_cast %reduce_min3A_652 : vector<256xi32> to vector<256x1xi32>
    %broadcast_in_dim3A_654 = vector.shape_cast %reduce_min3A_652 : vector<256xi32> to vector<256x1xi32>
    %eq3A_655 = vector.broadcast %broadcast_in_dim3A_654 : vector<256x1xi32> to vector<256x2048xi32>
    %eq3A_656 = arith.cmpi eq, %iota3A_34, %eq3A_655 : vector<256x2048xi32>
    %jit3A_657 = arith.constant -2147483648 : i32
    %broadcast_in_dim3A_658 = vector.broadcast %jit3A_657 : i32 to vector<256x2048xi32>
    %select_n3A_659 = arith.select %eq3A_656, %broadcast_in_dim3A_658, %get3A_642 : vector<256x2048xi1>, vector<256x2048xi32>
    %swap3A_660 = arith.constant 0 : index
    %swap3A_661 = arith.constant 0 : index
    %swap3A_662 = vector.load %arg5[%swap3A_660, %swap3A_661] : memref<256x2048xi32, #tpu.memory_space<vmem>>, vector<256x2048xi32>
    tpu.vector_store %arg5[%swap3A_660, %swap3A_661], %select_n3A_659 {strides = array<i32>} : memref<256x2048xi32, #tpu.memory_space<vmem>>, vector<256x2048xi32>,
    %get3A_663 = arith.constant 0 : index
    %get3A_664 = arith.constant 0 : index
    %get3A_665 = vector.load %arg5[%get3A_663, %get3A_664] : memref<256x2048xi32, #tpu.memory_space<vmem>>, vector<256x2048xi32>
    %reduce_max3A_666 = arith.constant dense<-2147483648> : vector<256xi32>
    %reduce_max3A_667 = vector.multi_reduction <maxsi>, %get3A_665, %reduce_max3A_666 [1] : vector<256x2048xi32> to vector<256xi32>
    %broadcast_in_dim3A_668 = vector.shape_cast %reduce_max3A_667 : vector<256xi32> to vector<256x1xi32>
    %eq3A_669 = vector.broadcast %broadcast_in_dim3A_668 : vector<256x1xi32> to vector<256x2048xi32>
    %eq3A_670 = arith.cmpi eq, %get3A_665, %eq3A_669 : vector<256x2048xi32>
    %jit3A_671 = arith.constant 2048 : i32
    %broadcast_in_dim3A_672 = vector.broadcast %jit3A_671 : i32 to vector<256x2048xi32>
    %select_n3A_673 = arith.select %eq3A_670, %iota3A_34, %broadcast_in_dim3A_672 : vector<256x2048xi1>, vector<256x2048xi32>
    %reduce_min3A_674 = arith.constant dense<2147483647> : vector<256xi32>
    %reduce_min3A_675 = vector.multi_reduction <minsi>, %select_n3A_673, %reduce_min3A_674 [1] : vector<256x2048xi32> to vector<256xi32>
    %reshape3A_676 = vector.shape_cast %reduce_min3A_675 : vector<256xi32> to vector<256x1xi32>
    %broadcast_in_dim3A_677 = vector.shape_cast %reduce_min3A_675 : vector<256xi32> to vector<256x1xi32>
    %eq3A_678 = vector.broadcast %broadcast_in_dim3A_677 : vector<256x1xi32> to vector<256x2048xi32>
    %eq3A_679 = arith.cmpi eq, %iota3A_34, %eq3A_678 : vector<256x2048xi32>
    %jit3A_680 = arith.constant -2147483648 : i32
    %broadcast_in_dim3A_681 = vector.broadcast %jit3A_680 : i32 to vector<256x2048xi32>
    %select_n3A_682 = arith.select %eq3A_679, %broadcast_in_dim3A_681, %get3A_665 : vector<256x2048xi1>, vector<256x2048xi32>
    %swap3A_683 = arith.constant 0 : index
    %swap3A_684 = arith.constant 0 : index
    %swap3A_685 = vector.load %arg5[%swap3A_683, %swap3A_684] : memref<256x2048xi32, #tpu.memory_space<vmem>>, vector<256x2048xi32>
    tpu.vector_store %arg5[%swap3A_683, %swap3A_684], %select_n3A_682 {strides = array<i32>} : memref<256x2048xi32, #tpu.memory_space<vmem>>, vector<256x2048xi32>,
    %get3A_686 = arith.constant 0 : index
    %get3A_687 = arith.constant 0 : index
    %get3A_688 = vector.load %arg5[%get3A_686, %get3A_687] : memref<256x2048xi32, #tpu.memory_space<vmem>>, vector<256x2048xi32>
    %reduce_max3A_689 = arith.constant dense<-2147483648> : vector<256xi32>
    %reduce_max3A_690 = vector.multi_reduction <maxsi>, %get3A_688, %reduce_max3A_689 [1] : vector<256x2048xi32> to vector<256xi32>
    %broadcast_in_dim3A_691 = vector.shape_cast %reduce_max3A_690 : vector<256xi32> to vector<256x1xi32>
    %eq3A_692 = vector.broadcast %broadcast_in_dim3A_691 : vector<256x1xi32> to vector<256x2048xi32>
    %eq3A_693 = arith.cmpi eq, %get3A_688, %eq3A_692 : vector<256x2048xi32>
    %jit3A_694 = arith.constant 2048 : i32
    %broadcast_in_dim3A_695 = vector.broadcast %jit3A_694 : i32 to vector<256x2048xi32>
    %select_n3A_696 = arith.select %eq3A_693, %iota3A_34, %broadcast_in_dim3A_695 : vector<256x2048xi1>, vector<256x2048xi32>
    %reduce_min3A_697 = arith.constant dense<2147483647> : vector<256xi32>
    %reduce_min3A_698 = vector.multi_reduction <minsi>, %select_n3A_696, %reduce_min3A_697 [1] : vector<256x2048xi32> to vector<256xi32>
    %reshape3A_699 = vector.shape_cast %reduce_min3A_698 : vector<256xi32> to vector<256x1xi32>
    %broadcast_in_dim3A_700 = vector.shape_cast %reduce_min3A_698 : vector<256xi32> to vector<256x1xi32>
    %eq3A_701 = vector.broadcast %broadcast_in_dim3A_700 : vector<256x1xi32> to vector<256x2048xi32>
    %eq3A_702 = arith.cmpi eq, %iota3A_34, %eq3A_701 : vector<256x2048xi32>
    %jit3A_703 = arith.constant -2147483648 : i32
    %broadcast_in_dim3A_704 = vector.broadcast %jit3A_703 : i32 to vector<256x2048xi32>
    %select_n3A_705 = arith.select %eq3A_702, %broadcast_in_dim3A_704, %get3A_688 : vector<256x2048xi1>, vector<256x2048xi32>
    %swap3A_706 = arith.constant 0 : index
    %swap3A_707 = arith.constant 0 : index
    %swap3A_708 = vector.load %arg5[%swap3A_706, %swap3A_707] : memref<256x2048xi32, #tpu.memory_space<vmem>>, vector<256x2048xi32>
    tpu.vector_store %arg5[%swap3A_706, %swap3A_707], %select_n3A_705 {strides = array<i32>} : memref<256x2048xi32, #tpu.memory_space<vmem>>, vector<256x2048xi32>,
    %get3A_709 = arith.constant 0 : index
    %get3A_710 = arith.constant 0 : index
    %get3A_711 = vector.load %arg5[%get3A_709, %get3A_710] : memref<256x2048xi32, #tpu.memory_space<vmem>>, vector<256x2048xi32>
    %reduce_max3A_712 = arith.constant dense<-2147483648> : vector<256xi32>
    %reduce_max3A_713 = vector.multi_reduction <maxsi>, %get3A_711, %reduce_max3A_712 [1] : vector<256x2048xi32> to vector<256xi32>
    %broadcast_in_dim3A_714 = vector.shape_cast %reduce_max3A_713 : vector<256xi32> to vector<256x1xi32>
    %eq3A_715 = vector.broadcast %broadcast_in_dim3A_714 : vector<256x1xi32> to vector<256x2048xi32>
    %eq3A_716 = arith.cmpi eq, %get3A_711, %eq3A_715 : vector<256x2048xi32>
    %jit3A_717 = arith.constant 2048 : i32
    %broadcast_in_dim3A_718 = vector.broadcast %jit3A_717 : i32 to vector<256x2048xi32>
    %select_n3A_719 = arith.select %eq3A_716, %iota3A_34, %broadcast_in_dim3A_718 : vector<256x2048xi1>, vector<256x2048xi32>
    %reduce_min3A_720 = arith.constant dense<2147483647> : vector<256xi32>
    %reduce_min3A_721 = vector.multi_reduction <minsi>, %select_n3A_719, %reduce_min3A_720 [1] : vector<256x2048xi32> to vector<256xi32>
    %reshape3A_722 = vector.shape_cast %reduce_min3A_721 : vector<256xi32> to vector<256x1xi32>
    %broadcast_in_dim3A_723 = vector.shape_cast %reduce_min3A_721 : vector<256xi32> to vector<256x1xi32>
    %eq3A_724 = vector.broadcast %broadcast_in_dim3A_723 : vector<256x1xi32> to vector<256x2048xi32>
    %eq3A_725 = arith.cmpi eq, %iota3A_34, %eq3A_724 : vector<256x2048xi32>
    %jit3A_726 = arith.constant -2147483648 : i32
    %broadcast_in_dim3A_727 = vector.broadcast %jit3A_726 : i32 to vector<256x2048xi32>
    %select_n3A_728 = arith.select %eq3A_725, %broadcast_in_dim3A_727, %get3A_711 : vector<256x2048xi1>, vector<256x2048xi32>
    %swap3A_729 = arith.constant 0 : index
    %swap3A_730 = arith.constant 0 : index
    %swap3A_731 = vector.load %arg5[%swap3A_729, %swap3A_730] : memref<256x2048xi32, #tpu.memory_space<vmem>>, vector<256x2048xi32>
    tpu.vector_store %arg5[%swap3A_729, %swap3A_730], %select_n3A_728 {strides = array<i32>} : memref<256x2048xi32, #tpu.memory_space<vmem>>, vector<256x2048xi32>,
    %get3A_732 = arith.constant 0 : index
    %get3A_733 = arith.constant 0 : index
    %get3A_734 = vector.load %arg5[%get3A_732, %get3A_733] : memref<256x2048xi32, #tpu.memory_space<vmem>>, vector<256x2048xi32>
    %reduce_max3A_735 = arith.constant dense<-2147483648> : vector<256xi32>
    %reduce_max3A_736 = vector.multi_reduction <maxsi>, %get3A_734, %reduce_max3A_735 [1] : vector<256x2048xi32> to vector<256xi32>
    %broadcast_in_dim3A_737 = vector.shape_cast %reduce_max3A_736 : vector<256xi32> to vector<256x1xi32>
    %eq3A_738 = vector.broadcast %broadcast_in_dim3A_737 : vector<256x1xi32> to vector<256x2048xi32>
    %eq3A_739 = arith.cmpi eq, %get3A_734, %eq3A_738 : vector<256x2048xi32>
    %jit3A_740 = arith.constant 2048 : i32
    %broadcast_in_dim3A_741 = vector.broadcast %jit3A_740 : i32 to vector<256x2048xi32>
    %select_n3A_742 = arith.select %eq3A_739, %iota3A_34, %broadcast_in_dim3A_741 : vector<256x2048xi1>, vector<256x2048xi32>
    %reduce_min3A_743 = arith.constant dense<2147483647> : vector<256xi32>
    %reduce_min3A_744 = vector.multi_reduction <minsi>, %select_n3A_742, %reduce_min3A_743 [1] : vector<256x2048xi32> to vector<256xi32>
    %reshape3A_745 = vector.shape_cast %reduce_min3A_744 : vector<256xi32> to vector<256x1xi32>
    %broadcast_in_dim3A_746 = vector.shape_cast %reduce_min3A_744 : vector<256xi32> to vector<256x1xi32>
    %eq3A_747 = vector.broadcast %broadcast_in_dim3A_746 : vector<256x1xi32> to vector<256x2048xi32>
    %eq3A_748 = arith.cmpi eq, %iota3A_34, %eq3A_747 : vector<256x2048xi32>
    %jit3A_749 = arith.constant -2147483648 : i32
    %broadcast_in_dim3A_750 = vector.broadcast %jit3A_749 : i32 to vector<256x2048xi32>
    %select_n3A_751 = arith.select %eq3A_748, %broadcast_in_dim3A_750, %get3A_734 : vector<256x2048xi1>, vector<256x2048xi32>
    %swap3A_752 = arith.constant 0 : index
    %swap3A_753 = arith.constant 0 : index
    %swap3A_754 = vector.load %arg5[%swap3A_752, %swap3A_753] : memref<256x2048xi32, #tpu.memory_space<vmem>>, vector<256x2048xi32>
    tpu.vector_store %arg5[%swap3A_752, %swap3A_753], %select_n3A_751 {strides = array<i32>} : memref<256x2048xi32, #tpu.memory_space<vmem>>, vector<256x2048xi32>,
    %get3A_755 = arith.constant 0 : index
    %get3A_756 = arith.constant 0 : index
    %get3A_757 = vector.load %arg5[%get3A_755, %get3A_756] : memref<256x2048xi32, #tpu.memory_space<vmem>>, vector<256x2048xi32>
    %reduce_max3A_758 = arith.constant dense<-2147483648> : vector<256xi32>
    %reduce_max3A_759 = vector.multi_reduction <maxsi>, %get3A_757, %reduce_max3A_758 [1] : vector<256x2048xi32> to vector<256xi32>
    %broadcast_in_dim3A_760 = vector.shape_cast %reduce_max3A_759 : vector<256xi32> to vector<256x1xi32>
    %eq3A_761 = vector.broadcast %broadcast_in_dim3A_760 : vector<256x1xi32> to vector<256x2048xi32>
    %eq3A_762 = arith.cmpi eq, %get3A_757, %eq3A_761 : vector<256x2048xi32>
    %jit3A_763 = arith.constant 2048 : i32
    %broadcast_in_dim3A_764 = vector.broadcast %jit3A_763 : i32 to vector<256x2048xi32>
    %select_n3A_765 = arith.select %eq3A_762, %iota3A_34, %broadcast_in_dim3A_764 : vector<256x2048xi1>, vector<256x2048xi32>
    %reduce_min3A_766 = arith.constant dense<2147483647> : vector<256xi32>
    %reduce_min3A_767 = vector.multi_reduction <minsi>, %select_n3A_765, %reduce_min3A_766 [1] : vector<256x2048xi32> to vector<256xi32>
    %reshape3A_768 = vector.shape_cast %reduce_min3A_767 : vector<256xi32> to vector<256x1xi32>
    %broadcast_in_dim3A_769 = vector.shape_cast %reduce_min3A_767 : vector<256xi32> to vector<256x1xi32>
    %eq3A_770 = vector.broadcast %broadcast_in_dim3A_769 : vector<256x1xi32> to vector<256x2048xi32>
    %eq3A_771 = arith.cmpi eq, %iota3A_34, %eq3A_770 : vector<256x2048xi32>
    %jit3A_772 = arith.constant -2147483648 : i32
    %broadcast_in_dim3A_773 = vector.broadcast %jit3A_772 : i32 to vector<256x2048xi32>
    %select_n3A_774 = arith.select %eq3A_771, %broadcast_in_dim3A_773, %get3A_757 : vector<256x2048xi1>, vector<256x2048xi32>
    %swap3A_775 = arith.constant 0 : index
    %swap3A_776 = arith.constant 0 : index
    %swap3A_777 = vector.load %arg5[%swap3A_775, %swap3A_776] : memref<256x2048xi32, #tpu.memory_space<vmem>>, vector<256x2048xi32>
    tpu.vector_store %arg5[%swap3A_775, %swap3A_776], %select_n3A_774 {strides = array<i32>} : memref<256x2048xi32, #tpu.memory_space<vmem>>, vector<256x2048xi32>,
    %concatenate3A = tpu.concatenate %reshape3A, %reshape3A_78, %reshape3A_101, %reshape3A_124, %reshape3A_147, %reshape3A_170, %reshape3A_193, %reshape3A_216, %reshape3A_239, %reshape3A_262, %reshape3A_285, %reshape3A_308, %reshape3A_331, %reshape3A_354, %reshape3A_377, %reshape3A_400, %reshape3A_423, %reshape3A_446, %reshape3A_469, %reshape3A_492, %reshape3A_515, %reshape3A_538, %reshape3A_561, %reshape3A_584, %reshape3A_607, %reshape3A_630, %reshape3A_653, %reshape3A_676, %reshape3A_699, %reshape3A_722, %reshape3A_745, %reshape3A_768 in 1 : vector<256x1xi32>, vector<256x1xi32>, vector<256x1xi32>, vector<256x1xi32>, vector<256x1xi32>, vector<256x1xi32>, vector<256x1xi32>, vector<256x1xi32>, vector<256x1xi32>, vector<256x1xi32>, vector<256x1xi32>, vector<256x1xi32>, vector<256x1xi32>, vector<256x1xi32>, vector<256x1xi32>, vector<256x1xi32>, vector<256x1xi32>, vector<256x1xi32>, vector<256x1xi32>, vector<256x1xi32>, vector<256x1xi32>, vector<256x1xi32>, vector<256x1xi32>, vector<256x1xi32>, vector<256x1xi32>, vector<256x1xi32>, vector<256x1xi32>, vector<256x1xi32>, vector<256x1xi32>, vector<256x1xi32>, vector<256x1xi32>, vector<256x1xi32> -> vector<256x32xi32>
    %swap3A_778 = arith.constant 0 : index
    %swap3A_779 = arith.constant 0 : index
    %swap3A_780 = vector.load %arg4[%swap3A_778, %swap3A_779] : memref<256x32xi32, #tpu.memory_space<vmem>>, vector<256x32xi32>
    tpu.vector_store %arg4[%swap3A_778, %swap3A_779], %concatenate3A {strides = array<i32>} : memref<256x32xi32, #tpu.memory_space<vmem>>, vector<256x32xi32>,
    return
  }
  func.func @transform_0(%arg0: i32) -> (i32, i32) {
    %c0_i32 = arith.constant 0 : i32
    %c0_i32_0 = arith.constant 0 : i32
    return %arg0, %c0_i32 : i32, i32
  }
  func.func @transform_1(%arg0: i32) -> (i32, i32) {
    %c0_i32 = arith.constant 0 : i32
    %c0_i32_0 = arith.constant 0 : i32
    %c0_i32_1 = arith.constant 0 : i32
    return %c0_i32, %c0_i32_0 : i32, i32
  }
  func.func @transform_2(%arg0: i32) -> (i32, i32) {
    %c0_i32 = arith.constant 0 : i32
    %c0_i32_0 = arith.constant 0 : i32
    %c0_i32_1 = arith.constant 0 : i32
    return %c0_i32, %c0_i32_0 : i32, i32
  }
  func.func @transform_3(%arg0: i32) -> (i32, i32) {
    %c0_i32 = arith.constant 0 : i32
    %c0_i32_0 = arith.constant 0 : i32
    return %arg0, %c0_i32 : i32, i32
  }
}

module attributes {stable_mosaic.version = 14 : i64} {
  func.func @_topk_fast_body(%arg0: i32, %arg1: memref<256x128xf32, #tpu.memory_space<vmem>>, %arg2: memref<2048x64xf32, #tpu.memory_space<vmem>>, %arg3: memref<1x2xf32, #tpu.memory_space<smem>>, %arg4: memref<256x32xi32, #tpu.memory_space<vmem>>, %arg5: memref<256x2048xi32, #tpu.memory_space<vmem>>) attributes {dimension_semantics = [#tpu.dimension_semantics<arbitrary>], iteration_bounds = array<i64: 7>, scalar_prefetch = 0 : i64, scratch_operands = 1 : i64, tpu.core_type = #tpu.core_type<tc>, window_params = [{transform_indices = @transform_0, window_bounds = array<i64: 256, 128>}, {pipeline_mode = #tpu.pipeline_mode<synchronous>, transform_indices = @transform_1, window_bounds = array<i64: 2048, 64>}, {transform_indices = @transform_2, window_bounds = array<i64: 1, 2>}, {transform_indices = @transform_3, window_bounds = array<i64: 256, 32>}]} {
    %add3A = arith.constant 1 : i32
    %add3A_0 = arith.addi %arg0, %add3A : i32
    %get3A = arith.constant 0 : index
    %get3A_1 = arith.constant 0 : index
    %get3A_2 = vector.load %arg2[%get3A, %get3A_1] : memref<2048x64xf32, #tpu.memory_space<vmem>>, vector<2048x64xf32>
    %get3A_3 = arith.constant 0 : index
    %get3A_4 = arith.constant 0 : index
    %get3A_5 = vector.load %arg1[%get3A_3, %get3A_4] : memref<256x128xf32, #tpu.memory_space<vmem>>, vector<256x64xf32>
    %dot_general3A = arith.constant dense<0.000000e+00> : vector<256x2048xf32>
    %dot_general3A_6 = tpu.matmul %get3A_5, %get3A_2, %dot_general3A {dimension_numbers = #tpu.dot_dimension_numbers<[1], [1], [0], [0], [0, 0, 1, 0], [], []>, transpose_lhs_hint = false} : vector<256x64xf32>, vector<2048x64xf32>, vector<256x2048xf32> -> vector<256x2048xf32>
    %convert_element_type3A = arith.truncf %dot_general3A_6 : vector<256x2048xf32> to vector<256x2048xbf16>
    %convert_element_type3A_7 = arith.extf %convert_element_type3A : vector<256x2048xbf16> to vector<256x2048xf32>
    %max3A = arith.constant 0.000000e+00 : f32
    %max3A_8 = vector.broadcast %max3A : f32 to vector<256x2048xf32>
    %max3A_9 = arith.maximumf %convert_element_type3A_7, %max3A_8 : vector<256x2048xf32>
    %get3A_10 = arith.constant 0 : index
    %get3A_11 = arith.constant 0 : index
    %get3A_12 = memref.load %arg3[%get3A_10, %get3A_11] : memref<1x2xf32, #tpu.memory_space<smem>>
    %mul3A = vector.broadcast %get3A_12 : f32 to vector<256x2048xf32>
    %mul3A_13 = arith.mulf %max3A_9, %mul3A : vector<256x2048xf32>
    %get3A_14 = arith.constant 0 : index
    %get3A_15 = arith.constant 64 : index
    %get3A_16 = vector.load %arg1[%get3A_14, %get3A_15] : memref<256x128xf32, #tpu.memory_space<vmem>>, vector<256x64xf32>
    %dot_general3A_17 = arith.constant dense<0.000000e+00> : vector<256x2048xf32>
    %dot_general3A_18 = tpu.matmul %get3A_16, %get3A_2, %dot_general3A_17 {dimension_numbers = #tpu.dot_dimension_numbers<[1], [1], [0], [0], [0, 0, 1, 0], [], []>, transpose_lhs_hint = false} : vector<256x64xf32>, vector<2048x64xf32>, vector<256x2048xf32> -> vector<256x2048xf32>
    %convert_element_type3A_19 = arith.truncf %dot_general3A_18 : vector<256x2048xf32> to vector<256x2048xbf16>
    %convert_element_type3A_20 = arith.extf %convert_element_type3A_19 : vector<256x2048xbf16> to vector<256x2048xf32>
    %max3A_21 = arith.constant 0.000000e+00 : f32
    %max3A_22 = vector.broadcast %max3A_21 : f32 to vector<256x2048xf32>
    %max3A_23 = arith.maximumf %convert_element_type3A_20, %max3A_22 : vector<256x2048xf32>
    %get3A_24 = arith.constant 0 : index
    %get3A_25 = arith.constant 1 : index
    %get3A_26 = memref.load %arg3[%get3A_24, %get3A_25] : memref<1x2xf32, #tpu.memory_space<smem>>
    %mul3A_27 = vector.broadcast %get3A_26 : f32 to vector<256x2048xf32>
    %mul3A_28 = arith.mulf %max3A_23, %mul3A_27 : vector<256x2048xf32>
    %add3A_29 = arith.addf %mul3A_13, %mul3A_28 : vector<256x2048xf32>
    %eq3A = arith.constant 0.000000e+00 : f32
    %eq3A_30 = vector.broadcast %eq3A : f32 to vector<256x2048xf32>
    %eq3A_31 = arith.cmpf oeq, %add3A_29, %eq3A_30 : vector<256x2048xf32>
    %jit3A = arith.constant 0.000000e+00 : f32
    %broadcast_in_dim3A = vector.broadcast %jit3A : f32 to vector<256x2048xf32>
    %select_n3A = arith.select %eq3A_31, %broadcast_in_dim3A, %add3A_29 : vector<256x2048xi1>, vector<256x2048xf32>
    %mul3A_32 = arith.constant 256 : i32
    %mul3A_33 = arith.muli %add3A_0, %mul3A_32 : i32
    %iota3A = tpu.iota {dimensions = array<i32: 0>} : vector<256x2048xi32>
    %add3A_34 = vector.broadcast %mul3A_33 : i32 to vector<256x2048xi32>
    %add3A_35 = arith.addi %add3A_34, %iota3A : vector<256x2048xi32>
    %iota3A_36 = tpu.iota {dimensions = array<i32: 1>} : vector<256x2048xi32>
    %bitcast_convert_type3A = tpu.bitcast %select_n3A : vector<256x2048xf32> -> vector<256x2048xi32>
    %sub3A = arith.constant 16 : i32
    %sub3A_37 = vector.broadcast %sub3A : i32 to vector<256x2048xi32>
    %sub3A_38 = arith.subi %add3A_35, %sub3A_37 : vector<256x2048xi32>
    %le3A = arith.cmpi sle, %iota3A_36, %sub3A_38 : vector<256x2048xi32>
    %jit3A_39 = arith.constant -2147483648 : i32
    %broadcast_in_dim3A_40 = vector.broadcast %jit3A_39 : i32 to vector<256x2048xi32>
    %select_n3A_41 = arith.select %le3A, %bitcast_convert_type3A, %broadcast_in_dim3A_40 : vector<256x2048xi1>, vector<256x2048xi32>
    %swap3A = arith.constant 0 : index
    %swap3A_42 = arith.constant 0 : index
    %swap3A_43 = vector.load %arg5[%swap3A, %swap3A_42] : memref<256x2048xi32, #tpu.memory_space<vmem>>, vector<256x2048xi32>
    tpu.vector_store %arg5[%swap3A, %swap3A_42], %select_n3A_41 {strides = array<i32>} : memref<256x2048xi32, #tpu.memory_space<vmem>>, vector<256x2048xi32>,
    %iota3A_44 = tpu.iota {dimensions = array<i32: 1>} : vector<256x16xi32>
    %mul3A_45 = arith.constant 256 : i32
    %mul3A_46 = arith.muli %add3A_0, %mul3A_45 : i32
    %iota3A_47 = tpu.iota {dimensions = array<i32: 0>} : vector<256x16xi32>
    %add3A_48 = vector.broadcast %mul3A_46 : i32 to vector<256x16xi32>
    %add3A_49 = arith.addi %add3A_48, %iota3A_47 : vector<256x16xi32>
    %sub3A_50 = arith.constant 15 : i32
    %sub3A_51 = vector.broadcast %sub3A_50 : i32 to vector<256x16xi32>
    %sub3A_52 = arith.subi %add3A_49, %sub3A_51 : vector<256x16xi32>
    %add3A_53 = arith.addi %sub3A_52, %iota3A_44 : vector<256x16xi32>
    %get3A_54 = arith.constant 0 : index
    %get3A_55 = arith.constant 0 : index
    %get3A_56 = vector.load %arg5[%get3A_54, %get3A_55] : memref<256x2048xi32, #tpu.memory_space<vmem>>, vector<256x2048xi32>
    %reduce_max3A = arith.constant dense<-2147483648> : vector<256xi32>
    %reduce_max3A_57 = vector.multi_reduction <maxsi>, %get3A_56, %reduce_max3A [1] : vector<256x2048xi32> to vector<256xi32>
    %broadcast_in_dim3A_58 = vector.shape_cast %reduce_max3A_57 : vector<256xi32> to vector<256x1xi32>
    %eq3A_59 = vector.broadcast %broadcast_in_dim3A_58 : vector<256x1xi32> to vector<256x2048xi32>
    %eq3A_60 = arith.cmpi eq, %get3A_56, %eq3A_59 : vector<256x2048xi32>
    %jit3A_61 = arith.constant 2048 : i32
    %broadcast_in_dim3A_62 = vector.broadcast %jit3A_61 : i32 to vector<256x2048xi32>
    %select_n3A_63 = arith.select %eq3A_60, %iota3A_36, %broadcast_in_dim3A_62 : vector<256x2048xi1>, vector<256x2048xi32>
    %reduce_min3A = arith.constant dense<2147483647> : vector<256xi32>
    %reduce_min3A_64 = vector.multi_reduction <minsi>, %select_n3A_63, %reduce_min3A [1] : vector<256x2048xi32> to vector<256xi32>
    %reshape3A = vector.shape_cast %reduce_min3A_64 : vector<256xi32> to vector<256x1xi32>
    %broadcast_in_dim3A_65 = vector.shape_cast %reduce_min3A_64 : vector<256xi32> to vector<256x1xi32>
    %eq3A_66 = vector.broadcast %broadcast_in_dim3A_65 : vector<256x1xi32> to vector<256x2048xi32>
    %eq3A_67 = arith.cmpi eq, %iota3A_36, %eq3A_66 : vector<256x2048xi32>
    %jit3A_68 = arith.constant -2147483648 : i32
    %broadcast_in_dim3A_69 = vector.broadcast %jit3A_68 : i32 to vector<256x2048xi32>
    %select_n3A_70 = arith.select %eq3A_67, %broadcast_in_dim3A_69, %get3A_56 : vector<256x2048xi1>, vector<256x2048xi32>
    %swap3A_71 = arith.constant 0 : index
    %swap3A_72 = arith.constant 0 : index
    %swap3A_73 = vector.load %arg5[%swap3A_71, %swap3A_72] : memref<256x2048xi32, #tpu.memory_space<vmem>>, vector<256x2048xi32>
    tpu.vector_store %arg5[%swap3A_71, %swap3A_72], %select_n3A_70 {strides = array<i32>} : memref<256x2048xi32, #tpu.memory_space<vmem>>, vector<256x2048xi32>,
    %get3A_74 = arith.constant 0 : index
    %get3A_75 = arith.constant 0 : index
    %get3A_76 = vector.load %arg5[%get3A_74, %get3A_75] : memref<256x2048xi32, #tpu.memory_space<vmem>>, vector<256x2048xi32>
    %reduce_max3A_77 = arith.constant dense<-2147483648> : vector<256xi32>
    %reduce_max3A_78 = vector.multi_reduction <maxsi>, %get3A_76, %reduce_max3A_77 [1] : vector<256x2048xi32> to vector<256xi32>
    %broadcast_in_dim3A_79 = vector.shape_cast %reduce_max3A_78 : vector<256xi32> to vector<256x1xi32>
    %eq3A_80 = vector.broadcast %broadcast_in_dim3A_79 : vector<256x1xi32> to vector<256x2048xi32>
    %eq3A_81 = arith.cmpi eq, %get3A_76, %eq3A_80 : vector<256x2048xi32>
    %jit3A_82 = arith.constant 2048 : i32
    %broadcast_in_dim3A_83 = vector.broadcast %jit3A_82 : i32 to vector<256x2048xi32>
    %select_n3A_84 = arith.select %eq3A_81, %iota3A_36, %broadcast_in_dim3A_83 : vector<256x2048xi1>, vector<256x2048xi32>
    %reduce_min3A_85 = arith.constant dense<2147483647> : vector<256xi32>
    %reduce_min3A_86 = vector.multi_reduction <minsi>, %select_n3A_84, %reduce_min3A_85 [1] : vector<256x2048xi32> to vector<256xi32>
    %reshape3A_87 = vector.shape_cast %reduce_min3A_86 : vector<256xi32> to vector<256x1xi32>
    %broadcast_in_dim3A_88 = vector.shape_cast %reduce_min3A_86 : vector<256xi32> to vector<256x1xi32>
    %eq3A_89 = vector.broadcast %broadcast_in_dim3A_88 : vector<256x1xi32> to vector<256x2048xi32>
    %eq3A_90 = arith.cmpi eq, %iota3A_36, %eq3A_89 : vector<256x2048xi32>
    %jit3A_91 = arith.constant -2147483648 : i32
    %broadcast_in_dim3A_92 = vector.broadcast %jit3A_91 : i32 to vector<256x2048xi32>
    %select_n3A_93 = arith.select %eq3A_90, %broadcast_in_dim3A_92, %get3A_76 : vector<256x2048xi1>, vector<256x2048xi32>
    %swap3A_94 = arith.constant 0 : index
    %swap3A_95 = arith.constant 0 : index
    %swap3A_96 = vector.load %arg5[%swap3A_94, %swap3A_95] : memref<256x2048xi32, #tpu.memory_space<vmem>>, vector<256x2048xi32>
    tpu.vector_store %arg5[%swap3A_94, %swap3A_95], %select_n3A_93 {strides = array<i32>} : memref<256x2048xi32, #tpu.memory_space<vmem>>, vector<256x2048xi32>,
    %get3A_97 = arith.constant 0 : index
    %get3A_98 = arith.constant 0 : index
    %get3A_99 = vector.load %arg5[%get3A_97, %get3A_98] : memref<256x2048xi32, #tpu.memory_space<vmem>>, vector<256x2048xi32>
    %reduce_max3A_100 = arith.constant dense<-2147483648> : vector<256xi32>
    %reduce_max3A_101 = vector.multi_reduction <maxsi>, %get3A_99, %reduce_max3A_100 [1] : vector<256x2048xi32> to vector<256xi32>
    %broadcast_in_dim3A_102 = vector.shape_cast %reduce_max3A_101 : vector<256xi32> to vector<256x1xi32>
    %eq3A_103 = vector.broadcast %broadcast_in_dim3A_102 : vector<256x1xi32> to vector<256x2048xi32>
    %eq3A_104 = arith.cmpi eq, %get3A_99, %eq3A_103 : vector<256x2048xi32>
    %jit3A_105 = arith.constant 2048 : i32
    %broadcast_in_dim3A_106 = vector.broadcast %jit3A_105 : i32 to vector<256x2048xi32>
    %select_n3A_107 = arith.select %eq3A_104, %iota3A_36, %broadcast_in_dim3A_106 : vector<256x2048xi1>, vector<256x2048xi32>
    %reduce_min3A_108 = arith.constant dense<2147483647> : vector<256xi32>
    %reduce_min3A_109 = vector.multi_reduction <minsi>, %select_n3A_107, %reduce_min3A_108 [1] : vector<256x2048xi32> to vector<256xi32>
    %reshape3A_110 = vector.shape_cast %reduce_min3A_109 : vector<256xi32> to vector<256x1xi32>
    %broadcast_in_dim3A_111 = vector.shape_cast %reduce_min3A_109 : vector<256xi32> to vector<256x1xi32>
    %eq3A_112 = vector.broadcast %broadcast_in_dim3A_111 : vector<256x1xi32> to vector<256x2048xi32>
    %eq3A_113 = arith.cmpi eq, %iota3A_36, %eq3A_112 : vector<256x2048xi32>
    %jit3A_114 = arith.constant -2147483648 : i32
    %broadcast_in_dim3A_115 = vector.broadcast %jit3A_114 : i32 to vector<256x2048xi32>
    %select_n3A_116 = arith.select %eq3A_113, %broadcast_in_dim3A_115, %get3A_99 : vector<256x2048xi1>, vector<256x2048xi32>
    %swap3A_117 = arith.constant 0 : index
    %swap3A_118 = arith.constant 0 : index
    %swap3A_119 = vector.load %arg5[%swap3A_117, %swap3A_118] : memref<256x2048xi32, #tpu.memory_space<vmem>>, vector<256x2048xi32>
    tpu.vector_store %arg5[%swap3A_117, %swap3A_118], %select_n3A_116 {strides = array<i32>} : memref<256x2048xi32, #tpu.memory_space<vmem>>, vector<256x2048xi32>,
    %get3A_120 = arith.constant 0 : index
    %get3A_121 = arith.constant 0 : index
    %get3A_122 = vector.load %arg5[%get3A_120, %get3A_121] : memref<256x2048xi32, #tpu.memory_space<vmem>>, vector<256x2048xi32>
    %reduce_max3A_123 = arith.constant dense<-2147483648> : vector<256xi32>
    %reduce_max3A_124 = vector.multi_reduction <maxsi>, %get3A_122, %reduce_max3A_123 [1] : vector<256x2048xi32> to vector<256xi32>
    %broadcast_in_dim3A_125 = vector.shape_cast %reduce_max3A_124 : vector<256xi32> to vector<256x1xi32>
    %eq3A_126 = vector.broadcast %broadcast_in_dim3A_125 : vector<256x1xi32> to vector<256x2048xi32>
    %eq3A_127 = arith.cmpi eq, %get3A_122, %eq3A_126 : vector<256x2048xi32>
    %jit3A_128 = arith.constant 2048 : i32
    %broadcast_in_dim3A_129 = vector.broadcast %jit3A_128 : i32 to vector<256x2048xi32>
    %select_n3A_130 = arith.select %eq3A_127, %iota3A_36, %broadcast_in_dim3A_129 : vector<256x2048xi1>, vector<256x2048xi32>
    %reduce_min3A_131 = arith.constant dense<2147483647> : vector<256xi32>
    %reduce_min3A_132 = vector.multi_reduction <minsi>, %select_n3A_130, %reduce_min3A_131 [1] : vector<256x2048xi32> to vector<256xi32>
    %reshape3A_133 = vector.shape_cast %reduce_min3A_132 : vector<256xi32> to vector<256x1xi32>
    %broadcast_in_dim3A_134 = vector.shape_cast %reduce_min3A_132 : vector<256xi32> to vector<256x1xi32>
    %eq3A_135 = vector.broadcast %broadcast_in_dim3A_134 : vector<256x1xi32> to vector<256x2048xi32>
    %eq3A_136 = arith.cmpi eq, %iota3A_36, %eq3A_135 : vector<256x2048xi32>
    %jit3A_137 = arith.constant -2147483648 : i32
    %broadcast_in_dim3A_138 = vector.broadcast %jit3A_137 : i32 to vector<256x2048xi32>
    %select_n3A_139 = arith.select %eq3A_136, %broadcast_in_dim3A_138, %get3A_122 : vector<256x2048xi1>, vector<256x2048xi32>
    %swap3A_140 = arith.constant 0 : index
    %swap3A_141 = arith.constant 0 : index
    %swap3A_142 = vector.load %arg5[%swap3A_140, %swap3A_141] : memref<256x2048xi32, #tpu.memory_space<vmem>>, vector<256x2048xi32>
    tpu.vector_store %arg5[%swap3A_140, %swap3A_141], %select_n3A_139 {strides = array<i32>} : memref<256x2048xi32, #tpu.memory_space<vmem>>, vector<256x2048xi32>,
    %get3A_143 = arith.constant 0 : index
    %get3A_144 = arith.constant 0 : index
    %get3A_145 = vector.load %arg5[%get3A_143, %get3A_144] : memref<256x2048xi32, #tpu.memory_space<vmem>>, vector<256x2048xi32>
    %reduce_max3A_146 = arith.constant dense<-2147483648> : vector<256xi32>
    %reduce_max3A_147 = vector.multi_reduction <maxsi>, %get3A_145, %reduce_max3A_146 [1] : vector<256x2048xi32> to vector<256xi32>
    %broadcast_in_dim3A_148 = vector.shape_cast %reduce_max3A_147 : vector<256xi32> to vector<256x1xi32>
    %eq3A_149 = vector.broadcast %broadcast_in_dim3A_148 : vector<256x1xi32> to vector<256x2048xi32>
    %eq3A_150 = arith.cmpi eq, %get3A_145, %eq3A_149 : vector<256x2048xi32>
    %jit3A_151 = arith.constant 2048 : i32
    %broadcast_in_dim3A_152 = vector.broadcast %jit3A_151 : i32 to vector<256x2048xi32>
    %select_n3A_153 = arith.select %eq3A_150, %iota3A_36, %broadcast_in_dim3A_152 : vector<256x2048xi1>, vector<256x2048xi32>
    %reduce_min3A_154 = arith.constant dense<2147483647> : vector<256xi32>
    %reduce_min3A_155 = vector.multi_reduction <minsi>, %select_n3A_153, %reduce_min3A_154 [1] : vector<256x2048xi32> to vector<256xi32>
    %reshape3A_156 = vector.shape_cast %reduce_min3A_155 : vector<256xi32> to vector<256x1xi32>
    %broadcast_in_dim3A_157 = vector.shape_cast %reduce_min3A_155 : vector<256xi32> to vector<256x1xi32>
    %eq3A_158 = vector.broadcast %broadcast_in_dim3A_157 : vector<256x1xi32> to vector<256x2048xi32>
    %eq3A_159 = arith.cmpi eq, %iota3A_36, %eq3A_158 : vector<256x2048xi32>
    %jit3A_160 = arith.constant -2147483648 : i32
    %broadcast_in_dim3A_161 = vector.broadcast %jit3A_160 : i32 to vector<256x2048xi32>
    %select_n3A_162 = arith.select %eq3A_159, %broadcast_in_dim3A_161, %get3A_145 : vector<256x2048xi1>, vector<256x2048xi32>
    %swap3A_163 = arith.constant 0 : index
    %swap3A_164 = arith.constant 0 : index
    %swap3A_165 = vector.load %arg5[%swap3A_163, %swap3A_164] : memref<256x2048xi32, #tpu.memory_space<vmem>>, vector<256x2048xi32>
    tpu.vector_store %arg5[%swap3A_163, %swap3A_164], %select_n3A_162 {strides = array<i32>} : memref<256x2048xi32, #tpu.memory_space<vmem>>, vector<256x2048xi32>,
    %get3A_166 = arith.constant 0 : index
    %get3A_167 = arith.constant 0 : index
    %get3A_168 = vector.load %arg5[%get3A_166, %get3A_167] : memref<256x2048xi32, #tpu.memory_space<vmem>>, vector<256x2048xi32>
    %reduce_max3A_169 = arith.constant dense<-2147483648> : vector<256xi32>
    %reduce_max3A_170 = vector.multi_reduction <maxsi>, %get3A_168, %reduce_max3A_169 [1] : vector<256x2048xi32> to vector<256xi32>
    %broadcast_in_dim3A_171 = vector.shape_cast %reduce_max3A_170 : vector<256xi32> to vector<256x1xi32>
    %eq3A_172 = vector.broadcast %broadcast_in_dim3A_171 : vector<256x1xi32> to vector<256x2048xi32>
    %eq3A_173 = arith.cmpi eq, %get3A_168, %eq3A_172 : vector<256x2048xi32>
    %jit3A_174 = arith.constant 2048 : i32
    %broadcast_in_dim3A_175 = vector.broadcast %jit3A_174 : i32 to vector<256x2048xi32>
    %select_n3A_176 = arith.select %eq3A_173, %iota3A_36, %broadcast_in_dim3A_175 : vector<256x2048xi1>, vector<256x2048xi32>
    %reduce_min3A_177 = arith.constant dense<2147483647> : vector<256xi32>
    %reduce_min3A_178 = vector.multi_reduction <minsi>, %select_n3A_176, %reduce_min3A_177 [1] : vector<256x2048xi32> to vector<256xi32>
    %reshape3A_179 = vector.shape_cast %reduce_min3A_178 : vector<256xi32> to vector<256x1xi32>
    %broadcast_in_dim3A_180 = vector.shape_cast %reduce_min3A_178 : vector<256xi32> to vector<256x1xi32>
    %eq3A_181 = vector.broadcast %broadcast_in_dim3A_180 : vector<256x1xi32> to vector<256x2048xi32>
    %eq3A_182 = arith.cmpi eq, %iota3A_36, %eq3A_181 : vector<256x2048xi32>
    %jit3A_183 = arith.constant -2147483648 : i32
    %broadcast_in_dim3A_184 = vector.broadcast %jit3A_183 : i32 to vector<256x2048xi32>
    %select_n3A_185 = arith.select %eq3A_182, %broadcast_in_dim3A_184, %get3A_168 : vector<256x2048xi1>, vector<256x2048xi32>
    %swap3A_186 = arith.constant 0 : index
    %swap3A_187 = arith.constant 0 : index
    %swap3A_188 = vector.load %arg5[%swap3A_186, %swap3A_187] : memref<256x2048xi32, #tpu.memory_space<vmem>>, vector<256x2048xi32>
    tpu.vector_store %arg5[%swap3A_186, %swap3A_187], %select_n3A_185 {strides = array<i32>} : memref<256x2048xi32, #tpu.memory_space<vmem>>, vector<256x2048xi32>,
    %get3A_189 = arith.constant 0 : index
    %get3A_190 = arith.constant 0 : index
    %get3A_191 = vector.load %arg5[%get3A_189, %get3A_190] : memref<256x2048xi32, #tpu.memory_space<vmem>>, vector<256x2048xi32>
    %reduce_max3A_192 = arith.constant dense<-2147483648> : vector<256xi32>
    %reduce_max3A_193 = vector.multi_reduction <maxsi>, %get3A_191, %reduce_max3A_192 [1] : vector<256x2048xi32> to vector<256xi32>
    %broadcast_in_dim3A_194 = vector.shape_cast %reduce_max3A_193 : vector<256xi32> to vector<256x1xi32>
    %eq3A_195 = vector.broadcast %broadcast_in_dim3A_194 : vector<256x1xi32> to vector<256x2048xi32>
    %eq3A_196 = arith.cmpi eq, %get3A_191, %eq3A_195 : vector<256x2048xi32>
    %jit3A_197 = arith.constant 2048 : i32
    %broadcast_in_dim3A_198 = vector.broadcast %jit3A_197 : i32 to vector<256x2048xi32>
    %select_n3A_199 = arith.select %eq3A_196, %iota3A_36, %broadcast_in_dim3A_198 : vector<256x2048xi1>, vector<256x2048xi32>
    %reduce_min3A_200 = arith.constant dense<2147483647> : vector<256xi32>
    %reduce_min3A_201 = vector.multi_reduction <minsi>, %select_n3A_199, %reduce_min3A_200 [1] : vector<256x2048xi32> to vector<256xi32>
    %reshape3A_202 = vector.shape_cast %reduce_min3A_201 : vector<256xi32> to vector<256x1xi32>
    %broadcast_in_dim3A_203 = vector.shape_cast %reduce_min3A_201 : vector<256xi32> to vector<256x1xi32>
    %eq3A_204 = vector.broadcast %broadcast_in_dim3A_203 : vector<256x1xi32> to vector<256x2048xi32>
    %eq3A_205 = arith.cmpi eq, %iota3A_36, %eq3A_204 : vector<256x2048xi32>
    %jit3A_206 = arith.constant -2147483648 : i32
    %broadcast_in_dim3A_207 = vector.broadcast %jit3A_206 : i32 to vector<256x2048xi32>
    %select_n3A_208 = arith.select %eq3A_205, %broadcast_in_dim3A_207, %get3A_191 : vector<256x2048xi1>, vector<256x2048xi32>
    %swap3A_209 = arith.constant 0 : index
    %swap3A_210 = arith.constant 0 : index
    %swap3A_211 = vector.load %arg5[%swap3A_209, %swap3A_210] : memref<256x2048xi32, #tpu.memory_space<vmem>>, vector<256x2048xi32>
    tpu.vector_store %arg5[%swap3A_209, %swap3A_210], %select_n3A_208 {strides = array<i32>} : memref<256x2048xi32, #tpu.memory_space<vmem>>, vector<256x2048xi32>,
    %get3A_212 = arith.constant 0 : index
    %get3A_213 = arith.constant 0 : index
    %get3A_214 = vector.load %arg5[%get3A_212, %get3A_213] : memref<256x2048xi32, #tpu.memory_space<vmem>>, vector<256x2048xi32>
    %reduce_max3A_215 = arith.constant dense<-2147483648> : vector<256xi32>
    %reduce_max3A_216 = vector.multi_reduction <maxsi>, %get3A_214, %reduce_max3A_215 [1] : vector<256x2048xi32> to vector<256xi32>
    %broadcast_in_dim3A_217 = vector.shape_cast %reduce_max3A_216 : vector<256xi32> to vector<256x1xi32>
    %eq3A_218 = vector.broadcast %broadcast_in_dim3A_217 : vector<256x1xi32> to vector<256x2048xi32>
    %eq3A_219 = arith.cmpi eq, %get3A_214, %eq3A_218 : vector<256x2048xi32>
    %jit3A_220 = arith.constant 2048 : i32
    %broadcast_in_dim3A_221 = vector.broadcast %jit3A_220 : i32 to vector<256x2048xi32>
    %select_n3A_222 = arith.select %eq3A_219, %iota3A_36, %broadcast_in_dim3A_221 : vector<256x2048xi1>, vector<256x2048xi32>
    %reduce_min3A_223 = arith.constant dense<2147483647> : vector<256xi32>
    %reduce_min3A_224 = vector.multi_reduction <minsi>, %select_n3A_222, %reduce_min3A_223 [1] : vector<256x2048xi32> to vector<256xi32>
    %reshape3A_225 = vector.shape_cast %reduce_min3A_224 : vector<256xi32> to vector<256x1xi32>
    %broadcast_in_dim3A_226 = vector.shape_cast %reduce_min3A_224 : vector<256xi32> to vector<256x1xi32>
    %eq3A_227 = vector.broadcast %broadcast_in_dim3A_226 : vector<256x1xi32> to vector<256x2048xi32>
    %eq3A_228 = arith.cmpi eq, %iota3A_36, %eq3A_227 : vector<256x2048xi32>
    %jit3A_229 = arith.constant -2147483648 : i32
    %broadcast_in_dim3A_230 = vector.broadcast %jit3A_229 : i32 to vector<256x2048xi32>
    %select_n3A_231 = arith.select %eq3A_228, %broadcast_in_dim3A_230, %get3A_214 : vector<256x2048xi1>, vector<256x2048xi32>
    %swap3A_232 = arith.constant 0 : index
    %swap3A_233 = arith.constant 0 : index
    %swap3A_234 = vector.load %arg5[%swap3A_232, %swap3A_233] : memref<256x2048xi32, #tpu.memory_space<vmem>>, vector<256x2048xi32>
    tpu.vector_store %arg5[%swap3A_232, %swap3A_233], %select_n3A_231 {strides = array<i32>} : memref<256x2048xi32, #tpu.memory_space<vmem>>, vector<256x2048xi32>,
    %get3A_235 = arith.constant 0 : index
    %get3A_236 = arith.constant 0 : index
    %get3A_237 = vector.load %arg5[%get3A_235, %get3A_236] : memref<256x2048xi32, #tpu.memory_space<vmem>>, vector<256x2048xi32>
    %reduce_max3A_238 = arith.constant dense<-2147483648> : vector<256xi32>
    %reduce_max3A_239 = vector.multi_reduction <maxsi>, %get3A_237, %reduce_max3A_238 [1] : vector<256x2048xi32> to vector<256xi32>
    %broadcast_in_dim3A_240 = vector.shape_cast %reduce_max3A_239 : vector<256xi32> to vector<256x1xi32>
    %eq3A_241 = vector.broadcast %broadcast_in_dim3A_240 : vector<256x1xi32> to vector<256x2048xi32>
    %eq3A_242 = arith.cmpi eq, %get3A_237, %eq3A_241 : vector<256x2048xi32>
    %jit3A_243 = arith.constant 2048 : i32
    %broadcast_in_dim3A_244 = vector.broadcast %jit3A_243 : i32 to vector<256x2048xi32>
    %select_n3A_245 = arith.select %eq3A_242, %iota3A_36, %broadcast_in_dim3A_244 : vector<256x2048xi1>, vector<256x2048xi32>
    %reduce_min3A_246 = arith.constant dense<2147483647> : vector<256xi32>
    %reduce_min3A_247 = vector.multi_reduction <minsi>, %select_n3A_245, %reduce_min3A_246 [1] : vector<256x2048xi32> to vector<256xi32>
    %reshape3A_248 = vector.shape_cast %reduce_min3A_247 : vector<256xi32> to vector<256x1xi32>
    %broadcast_in_dim3A_249 = vector.shape_cast %reduce_min3A_247 : vector<256xi32> to vector<256x1xi32>
    %eq3A_250 = vector.broadcast %broadcast_in_dim3A_249 : vector<256x1xi32> to vector<256x2048xi32>
    %eq3A_251 = arith.cmpi eq, %iota3A_36, %eq3A_250 : vector<256x2048xi32>
    %jit3A_252 = arith.constant -2147483648 : i32
    %broadcast_in_dim3A_253 = vector.broadcast %jit3A_252 : i32 to vector<256x2048xi32>
    %select_n3A_254 = arith.select %eq3A_251, %broadcast_in_dim3A_253, %get3A_237 : vector<256x2048xi1>, vector<256x2048xi32>
    %swap3A_255 = arith.constant 0 : index
    %swap3A_256 = arith.constant 0 : index
    %swap3A_257 = vector.load %arg5[%swap3A_255, %swap3A_256] : memref<256x2048xi32, #tpu.memory_space<vmem>>, vector<256x2048xi32>
    tpu.vector_store %arg5[%swap3A_255, %swap3A_256], %select_n3A_254 {strides = array<i32>} : memref<256x2048xi32, #tpu.memory_space<vmem>>, vector<256x2048xi32>,
    %get3A_258 = arith.constant 0 : index
    %get3A_259 = arith.constant 0 : index
    %get3A_260 = vector.load %arg5[%get3A_258, %get3A_259] : memref<256x2048xi32, #tpu.memory_space<vmem>>, vector<256x2048xi32>
    %reduce_max3A_261 = arith.constant dense<-2147483648> : vector<256xi32>
    %reduce_max3A_262 = vector.multi_reduction <maxsi>, %get3A_260, %reduce_max3A_261 [1] : vector<256x2048xi32> to vector<256xi32>
    %broadcast_in_dim3A_263 = vector.shape_cast %reduce_max3A_262 : vector<256xi32> to vector<256x1xi32>
    %eq3A_264 = vector.broadcast %broadcast_in_dim3A_263 : vector<256x1xi32> to vector<256x2048xi32>
    %eq3A_265 = arith.cmpi eq, %get3A_260, %eq3A_264 : vector<256x2048xi32>
    %jit3A_266 = arith.constant 2048 : i32
    %broadcast_in_dim3A_267 = vector.broadcast %jit3A_266 : i32 to vector<256x2048xi32>
    %select_n3A_268 = arith.select %eq3A_265, %iota3A_36, %broadcast_in_dim3A_267 : vector<256x2048xi1>, vector<256x2048xi32>
    %reduce_min3A_269 = arith.constant dense<2147483647> : vector<256xi32>
    %reduce_min3A_270 = vector.multi_reduction <minsi>, %select_n3A_268, %reduce_min3A_269 [1] : vector<256x2048xi32> to vector<256xi32>
    %reshape3A_271 = vector.shape_cast %reduce_min3A_270 : vector<256xi32> to vector<256x1xi32>
    %broadcast_in_dim3A_272 = vector.shape_cast %reduce_min3A_270 : vector<256xi32> to vector<256x1xi32>
    %eq3A_273 = vector.broadcast %broadcast_in_dim3A_272 : vector<256x1xi32> to vector<256x2048xi32>
    %eq3A_274 = arith.cmpi eq, %iota3A_36, %eq3A_273 : vector<256x2048xi32>
    %jit3A_275 = arith.constant -2147483648 : i32
    %broadcast_in_dim3A_276 = vector.broadcast %jit3A_275 : i32 to vector<256x2048xi32>
    %select_n3A_277 = arith.select %eq3A_274, %broadcast_in_dim3A_276, %get3A_260 : vector<256x2048xi1>, vector<256x2048xi32>
    %swap3A_278 = arith.constant 0 : index
    %swap3A_279 = arith.constant 0 : index
    %swap3A_280 = vector.load %arg5[%swap3A_278, %swap3A_279] : memref<256x2048xi32, #tpu.memory_space<vmem>>, vector<256x2048xi32>
    tpu.vector_store %arg5[%swap3A_278, %swap3A_279], %select_n3A_277 {strides = array<i32>} : memref<256x2048xi32, #tpu.memory_space<vmem>>, vector<256x2048xi32>,
    %get3A_281 = arith.constant 0 : index
    %get3A_282 = arith.constant 0 : index
    %get3A_283 = vector.load %arg5[%get3A_281, %get3A_282] : memref<256x2048xi32, #tpu.memory_space<vmem>>, vector<256x2048xi32>
    %reduce_max3A_284 = arith.constant dense<-2147483648> : vector<256xi32>
    %reduce_max3A_285 = vector.multi_reduction <maxsi>, %get3A_283, %reduce_max3A_284 [1] : vector<256x2048xi32> to vector<256xi32>
    %broadcast_in_dim3A_286 = vector.shape_cast %reduce_max3A_285 : vector<256xi32> to vector<256x1xi32>
    %eq3A_287 = vector.broadcast %broadcast_in_dim3A_286 : vector<256x1xi32> to vector<256x2048xi32>
    %eq3A_288 = arith.cmpi eq, %get3A_283, %eq3A_287 : vector<256x2048xi32>
    %jit3A_289 = arith.constant 2048 : i32
    %broadcast_in_dim3A_290 = vector.broadcast %jit3A_289 : i32 to vector<256x2048xi32>
    %select_n3A_291 = arith.select %eq3A_288, %iota3A_36, %broadcast_in_dim3A_290 : vector<256x2048xi1>, vector<256x2048xi32>
    %reduce_min3A_292 = arith.constant dense<2147483647> : vector<256xi32>
    %reduce_min3A_293 = vector.multi_reduction <minsi>, %select_n3A_291, %reduce_min3A_292 [1] : vector<256x2048xi32> to vector<256xi32>
    %reshape3A_294 = vector.shape_cast %reduce_min3A_293 : vector<256xi32> to vector<256x1xi32>
    %broadcast_in_dim3A_295 = vector.shape_cast %reduce_min3A_293 : vector<256xi32> to vector<256x1xi32>
    %eq3A_296 = vector.broadcast %broadcast_in_dim3A_295 : vector<256x1xi32> to vector<256x2048xi32>
    %eq3A_297 = arith.cmpi eq, %iota3A_36, %eq3A_296 : vector<256x2048xi32>
    %jit3A_298 = arith.constant -2147483648 : i32
    %broadcast_in_dim3A_299 = vector.broadcast %jit3A_298 : i32 to vector<256x2048xi32>
    %select_n3A_300 = arith.select %eq3A_297, %broadcast_in_dim3A_299, %get3A_283 : vector<256x2048xi1>, vector<256x2048xi32>
    %swap3A_301 = arith.constant 0 : index
    %swap3A_302 = arith.constant 0 : index
    %swap3A_303 = vector.load %arg5[%swap3A_301, %swap3A_302] : memref<256x2048xi32, #tpu.memory_space<vmem>>, vector<256x2048xi32>
    tpu.vector_store %arg5[%swap3A_301, %swap3A_302], %select_n3A_300 {strides = array<i32>} : memref<256x2048xi32, #tpu.memory_space<vmem>>, vector<256x2048xi32>,
    %get3A_304 = arith.constant 0 : index
    %get3A_305 = arith.constant 0 : index
    %get3A_306 = vector.load %arg5[%get3A_304, %get3A_305] : memref<256x2048xi32, #tpu.memory_space<vmem>>, vector<256x2048xi32>
    %reduce_max3A_307 = arith.constant dense<-2147483648> : vector<256xi32>
    %reduce_max3A_308 = vector.multi_reduction <maxsi>, %get3A_306, %reduce_max3A_307 [1] : vector<256x2048xi32> to vector<256xi32>
    %broadcast_in_dim3A_309 = vector.shape_cast %reduce_max3A_308 : vector<256xi32> to vector<256x1xi32>
    %eq3A_310 = vector.broadcast %broadcast_in_dim3A_309 : vector<256x1xi32> to vector<256x2048xi32>
    %eq3A_311 = arith.cmpi eq, %get3A_306, %eq3A_310 : vector<256x2048xi32>
    %jit3A_312 = arith.constant 2048 : i32
    %broadcast_in_dim3A_313 = vector.broadcast %jit3A_312 : i32 to vector<256x2048xi32>
    %select_n3A_314 = arith.select %eq3A_311, %iota3A_36, %broadcast_in_dim3A_313 : vector<256x2048xi1>, vector<256x2048xi32>
    %reduce_min3A_315 = arith.constant dense<2147483647> : vector<256xi32>
    %reduce_min3A_316 = vector.multi_reduction <minsi>, %select_n3A_314, %reduce_min3A_315 [1] : vector<256x2048xi32> to vector<256xi32>
    %reshape3A_317 = vector.shape_cast %reduce_min3A_316 : vector<256xi32> to vector<256x1xi32>
    %broadcast_in_dim3A_318 = vector.shape_cast %reduce_min3A_316 : vector<256xi32> to vector<256x1xi32>
    %eq3A_319 = vector.broadcast %broadcast_in_dim3A_318 : vector<256x1xi32> to vector<256x2048xi32>
    %eq3A_320 = arith.cmpi eq, %iota3A_36, %eq3A_319 : vector<256x2048xi32>
    %jit3A_321 = arith.constant -2147483648 : i32
    %broadcast_in_dim3A_322 = vector.broadcast %jit3A_321 : i32 to vector<256x2048xi32>
    %select_n3A_323 = arith.select %eq3A_320, %broadcast_in_dim3A_322, %get3A_306 : vector<256x2048xi1>, vector<256x2048xi32>
    %swap3A_324 = arith.constant 0 : index
    %swap3A_325 = arith.constant 0 : index
    %swap3A_326 = vector.load %arg5[%swap3A_324, %swap3A_325] : memref<256x2048xi32, #tpu.memory_space<vmem>>, vector<256x2048xi32>
    tpu.vector_store %arg5[%swap3A_324, %swap3A_325], %select_n3A_323 {strides = array<i32>} : memref<256x2048xi32, #tpu.memory_space<vmem>>, vector<256x2048xi32>,
    %get3A_327 = arith.constant 0 : index
    %get3A_328 = arith.constant 0 : index
    %get3A_329 = vector.load %arg5[%get3A_327, %get3A_328] : memref<256x2048xi32, #tpu.memory_space<vmem>>, vector<256x2048xi32>
    %reduce_max3A_330 = arith.constant dense<-2147483648> : vector<256xi32>
    %reduce_max3A_331 = vector.multi_reduction <maxsi>, %get3A_329, %reduce_max3A_330 [1] : vector<256x2048xi32> to vector<256xi32>
    %broadcast_in_dim3A_332 = vector.shape_cast %reduce_max3A_331 : vector<256xi32> to vector<256x1xi32>
    %eq3A_333 = vector.broadcast %broadcast_in_dim3A_332 : vector<256x1xi32> to vector<256x2048xi32>
    %eq3A_334 = arith.cmpi eq, %get3A_329, %eq3A_333 : vector<256x2048xi32>
    %jit3A_335 = arith.constant 2048 : i32
    %broadcast_in_dim3A_336 = vector.broadcast %jit3A_335 : i32 to vector<256x2048xi32>
    %select_n3A_337 = arith.select %eq3A_334, %iota3A_36, %broadcast_in_dim3A_336 : vector<256x2048xi1>, vector<256x2048xi32>
    %reduce_min3A_338 = arith.constant dense<2147483647> : vector<256xi32>
    %reduce_min3A_339 = vector.multi_reduction <minsi>, %select_n3A_337, %reduce_min3A_338 [1] : vector<256x2048xi32> to vector<256xi32>
    %reshape3A_340 = vector.shape_cast %reduce_min3A_339 : vector<256xi32> to vector<256x1xi32>
    %broadcast_in_dim3A_341 = vector.shape_cast %reduce_min3A_339 : vector<256xi32> to vector<256x1xi32>
    %eq3A_342 = vector.broadcast %broadcast_in_dim3A_341 : vector<256x1xi32> to vector<256x2048xi32>
    %eq3A_343 = arith.cmpi eq, %iota3A_36, %eq3A_342 : vector<256x2048xi32>
    %jit3A_344 = arith.constant -2147483648 : i32
    %broadcast_in_dim3A_345 = vector.broadcast %jit3A_344 : i32 to vector<256x2048xi32>
    %select_n3A_346 = arith.select %eq3A_343, %broadcast_in_dim3A_345, %get3A_329 : vector<256x2048xi1>, vector<256x2048xi32>
    %swap3A_347 = arith.constant 0 : index
    %swap3A_348 = arith.constant 0 : index
    %swap3A_349 = vector.load %arg5[%swap3A_347, %swap3A_348] : memref<256x2048xi32, #tpu.memory_space<vmem>>, vector<256x2048xi32>
    tpu.vector_store %arg5[%swap3A_347, %swap3A_348], %select_n3A_346 {strides = array<i32>} : memref<256x2048xi32, #tpu.memory_space<vmem>>, vector<256x2048xi32>,
    %get3A_350 = arith.constant 0 : index
    %get3A_351 = arith.constant 0 : index
    %get3A_352 = vector.load %arg5[%get3A_350, %get3A_351] : memref<256x2048xi32, #tpu.memory_space<vmem>>, vector<256x2048xi32>
    %reduce_max3A_353 = arith.constant dense<-2147483648> : vector<256xi32>
    %reduce_max3A_354 = vector.multi_reduction <maxsi>, %get3A_352, %reduce_max3A_353 [1] : vector<256x2048xi32> to vector<256xi32>
    %broadcast_in_dim3A_355 = vector.shape_cast %reduce_max3A_354 : vector<256xi32> to vector<256x1xi32>
    %eq3A_356 = vector.broadcast %broadcast_in_dim3A_355 : vector<256x1xi32> to vector<256x2048xi32>
    %eq3A_357 = arith.cmpi eq, %get3A_352, %eq3A_356 : vector<256x2048xi32>
    %jit3A_358 = arith.constant 2048 : i32
    %broadcast_in_dim3A_359 = vector.broadcast %jit3A_358 : i32 to vector<256x2048xi32>
    %select_n3A_360 = arith.select %eq3A_357, %iota3A_36, %broadcast_in_dim3A_359 : vector<256x2048xi1>, vector<256x2048xi32>
    %reduce_min3A_361 = arith.constant dense<2147483647> : vector<256xi32>
    %reduce_min3A_362 = vector.multi_reduction <minsi>, %select_n3A_360, %reduce_min3A_361 [1] : vector<256x2048xi32> to vector<256xi32>
    %reshape3A_363 = vector.shape_cast %reduce_min3A_362 : vector<256xi32> to vector<256x1xi32>
    %broadcast_in_dim3A_364 = vector.shape_cast %reduce_min3A_362 : vector<256xi32> to vector<256x1xi32>
    %eq3A_365 = vector.broadcast %broadcast_in_dim3A_364 : vector<256x1xi32> to vector<256x2048xi32>
    %eq3A_366 = arith.cmpi eq, %iota3A_36, %eq3A_365 : vector<256x2048xi32>
    %jit3A_367 = arith.constant -2147483648 : i32
    %broadcast_in_dim3A_368 = vector.broadcast %jit3A_367 : i32 to vector<256x2048xi32>
    %select_n3A_369 = arith.select %eq3A_366, %broadcast_in_dim3A_368, %get3A_352 : vector<256x2048xi1>, vector<256x2048xi32>
    %swap3A_370 = arith.constant 0 : index
    %swap3A_371 = arith.constant 0 : index
    %swap3A_372 = vector.load %arg5[%swap3A_370, %swap3A_371] : memref<256x2048xi32, #tpu.memory_space<vmem>>, vector<256x2048xi32>
    tpu.vector_store %arg5[%swap3A_370, %swap3A_371], %select_n3A_369 {strides = array<i32>} : memref<256x2048xi32, #tpu.memory_space<vmem>>, vector<256x2048xi32>,
    %get3A_373 = arith.constant 0 : index
    %get3A_374 = arith.constant 0 : index
    %get3A_375 = vector.load %arg5[%get3A_373, %get3A_374] : memref<256x2048xi32, #tpu.memory_space<vmem>>, vector<256x2048xi32>
    %reduce_max3A_376 = arith.constant dense<-2147483648> : vector<256xi32>
    %reduce_max3A_377 = vector.multi_reduction <maxsi>, %get3A_375, %reduce_max3A_376 [1] : vector<256x2048xi32> to vector<256xi32>
    %broadcast_in_dim3A_378 = vector.shape_cast %reduce_max3A_377 : vector<256xi32> to vector<256x1xi32>
    %eq3A_379 = vector.broadcast %broadcast_in_dim3A_378 : vector<256x1xi32> to vector<256x2048xi32>
    %eq3A_380 = arith.cmpi eq, %get3A_375, %eq3A_379 : vector<256x2048xi32>
    %jit3A_381 = arith.constant 2048 : i32
    %broadcast_in_dim3A_382 = vector.broadcast %jit3A_381 : i32 to vector<256x2048xi32>
    %select_n3A_383 = arith.select %eq3A_380, %iota3A_36, %broadcast_in_dim3A_382 : vector<256x2048xi1>, vector<256x2048xi32>
    %reduce_min3A_384 = arith.constant dense<2147483647> : vector<256xi32>
    %reduce_min3A_385 = vector.multi_reduction <minsi>, %select_n3A_383, %reduce_min3A_384 [1] : vector<256x2048xi32> to vector<256xi32>
    %reshape3A_386 = vector.shape_cast %reduce_min3A_385 : vector<256xi32> to vector<256x1xi32>
    %broadcast_in_dim3A_387 = vector.shape_cast %reduce_min3A_385 : vector<256xi32> to vector<256x1xi32>
    %eq3A_388 = vector.broadcast %broadcast_in_dim3A_387 : vector<256x1xi32> to vector<256x2048xi32>
    %eq3A_389 = arith.cmpi eq, %iota3A_36, %eq3A_388 : vector<256x2048xi32>
    %jit3A_390 = arith.constant -2147483648 : i32
    %broadcast_in_dim3A_391 = vector.broadcast %jit3A_390 : i32 to vector<256x2048xi32>
    %select_n3A_392 = arith.select %eq3A_389, %broadcast_in_dim3A_391, %get3A_375 : vector<256x2048xi1>, vector<256x2048xi32>
    %swap3A_393 = arith.constant 0 : index
    %swap3A_394 = arith.constant 0 : index
    %swap3A_395 = vector.load %arg5[%swap3A_393, %swap3A_394] : memref<256x2048xi32, #tpu.memory_space<vmem>>, vector<256x2048xi32>
    tpu.vector_store %arg5[%swap3A_393, %swap3A_394], %select_n3A_392 {strides = array<i32>} : memref<256x2048xi32, #tpu.memory_space<vmem>>, vector<256x2048xi32>,
    %get3A_396 = arith.constant 0 : index
    %get3A_397 = arith.constant 0 : index
    %get3A_398 = vector.load %arg5[%get3A_396, %get3A_397] : memref<256x2048xi32, #tpu.memory_space<vmem>>, vector<256x2048xi32>
    %reduce_max3A_399 = arith.constant dense<-2147483648> : vector<256xi32>
    %reduce_max3A_400 = vector.multi_reduction <maxsi>, %get3A_398, %reduce_max3A_399 [1] : vector<256x2048xi32> to vector<256xi32>
    %broadcast_in_dim3A_401 = vector.shape_cast %reduce_max3A_400 : vector<256xi32> to vector<256x1xi32>
    %eq3A_402 = vector.broadcast %broadcast_in_dim3A_401 : vector<256x1xi32> to vector<256x2048xi32>
    %eq3A_403 = arith.cmpi eq, %get3A_398, %eq3A_402 : vector<256x2048xi32>
    %jit3A_404 = arith.constant 2048 : i32
    %broadcast_in_dim3A_405 = vector.broadcast %jit3A_404 : i32 to vector<256x2048xi32>
    %select_n3A_406 = arith.select %eq3A_403, %iota3A_36, %broadcast_in_dim3A_405 : vector<256x2048xi1>, vector<256x2048xi32>
    %reduce_min3A_407 = arith.constant dense<2147483647> : vector<256xi32>
    %reduce_min3A_408 = vector.multi_reduction <minsi>, %select_n3A_406, %reduce_min3A_407 [1] : vector<256x2048xi32> to vector<256xi32>
    %reshape3A_409 = vector.shape_cast %reduce_min3A_408 : vector<256xi32> to vector<256x1xi32>
    %broadcast_in_dim3A_410 = vector.shape_cast %reduce_min3A_408 : vector<256xi32> to vector<256x1xi32>
    %eq3A_411 = vector.broadcast %broadcast_in_dim3A_410 : vector<256x1xi32> to vector<256x2048xi32>
    %eq3A_412 = arith.cmpi eq, %iota3A_36, %eq3A_411 : vector<256x2048xi32>
    %jit3A_413 = arith.constant -2147483648 : i32
    %broadcast_in_dim3A_414 = vector.broadcast %jit3A_413 : i32 to vector<256x2048xi32>
    %select_n3A_415 = arith.select %eq3A_412, %broadcast_in_dim3A_414, %get3A_398 : vector<256x2048xi1>, vector<256x2048xi32>
    %swap3A_416 = arith.constant 0 : index
    %swap3A_417 = arith.constant 0 : index
    %swap3A_418 = vector.load %arg5[%swap3A_416, %swap3A_417] : memref<256x2048xi32, #tpu.memory_space<vmem>>, vector<256x2048xi32>
    tpu.vector_store %arg5[%swap3A_416, %swap3A_417], %select_n3A_415 {strides = array<i32>} : memref<256x2048xi32, #tpu.memory_space<vmem>>, vector<256x2048xi32>,
    %concatenate3A = tpu.concatenate %add3A_53, %reshape3A, %reshape3A_87, %reshape3A_110, %reshape3A_133, %reshape3A_156, %reshape3A_179, %reshape3A_202, %reshape3A_225, %reshape3A_248, %reshape3A_271, %reshape3A_294, %reshape3A_317, %reshape3A_340, %reshape3A_363, %reshape3A_386, %reshape3A_409 in 1 : vector<256x16xi32>, vector<256x1xi32>, vector<256x1xi32>, vector<256x1xi32>, vector<256x1xi32>, vector<256x1xi32>, vector<256x1xi32>, vector<256x1xi32>, vector<256x1xi32>, vector<256x1xi32>, vector<256x1xi32>, vector<256x1xi32>, vector<256x1xi32>, vector<256x1xi32>, vector<256x1xi32>, vector<256x1xi32>, vector<256x1xi32> -> vector<256x32xi32>
    %swap3A_419 = arith.constant 0 : index
    %swap3A_420 = arith.constant 0 : index
    %swap3A_421 = vector.load %arg4[%swap3A_419, %swap3A_420] : memref<256x32xi32, #tpu.memory_space<vmem>>, vector<256x32xi32>
    tpu.vector_store %arg4[%swap3A_419, %swap3A_420], %concatenate3A {strides = array<i32>} : memref<256x32xi32, #tpu.memory_space<vmem>>, vector<256x32xi32>,
    return
  }
  func.func @transform_0(%arg0: i32) -> (i32, i32) {
    %add3A = arith.constant 1 : i32
    %add3A_0 = arith.addi %arg0, %add3A : i32
    %c0_i32 = arith.constant 0 : i32
    %c0_i32_1 = arith.constant 0 : i32
    return %add3A_0, %c0_i32 : i32, i32
  }
  func.func @transform_1(%arg0: i32) -> (i32, i32) {
    %c0_i32 = arith.constant 0 : i32
    %c0_i32_0 = arith.constant 0 : i32
    %c0_i32_1 = arith.constant 0 : i32
    return %c0_i32, %c0_i32_0 : i32, i32
  }
  func.func @transform_2(%arg0: i32) -> (i32, i32) {
    %c0_i32 = arith.constant 0 : i32
    %c0_i32_0 = arith.constant 0 : i32
    %c0_i32_1 = arith.constant 0 : i32
    return %c0_i32, %c0_i32_0 : i32, i32
  }
  func.func @transform_3(%arg0: i32) -> (i32, i32) {
    %c0_i32 = arith.constant 0 : i32
    %c0_i32_0 = arith.constant 0 : i32
    return %arg0, %c0_i32 : i32, i32
  }
}

module attributes {stable_mosaic.version = 14 : i64} {
  func.func @_attn_body(%arg0: i32, %arg1: memref<128x1536xf32, #tpu.memory_space<vmem>>, %arg2: memref<128x256xf32, #tpu.memory_space<vmem>>, %arg3: memref<4096x256xf32, #tpu.memory_space<vmem>>, %arg4: memref<32x16xf32, #tpu.memory_space<vmem>>, %arg5: memref<32x16xf32, #tpu.memory_space<vmem>>, %arg6: memref<192x512xf32, #tpu.memory_space<vmem>>, %arg7: memref<512x768xf32, #tpu.memory_space<vmem>>, %arg8: memref<128x768xf32, #tpu.memory_space<vmem>>) attributes {dimension_semantics = [#tpu.dimension_semantics<arbitrary>], iteration_bounds = array<i64: 16>, scalar_prefetch = 0 : i64, scratch_operands = 0 : i64, tpu.core_type = #tpu.core_type<tc>, window_params = [{transform_indices = @transform_0, window_bounds = array<i64: 128, 1536>}, {transform_indices = @transform_1, window_bounds = array<i64: 128, 256>}, {transform_indices = @transform_2, window_bounds = array<i64: 4096, 256>}, {pipeline_mode = #tpu.pipeline_mode<synchronous>, transform_indices = @transform_3, window_bounds = array<i64: 32, 16>}, {pipeline_mode = #tpu.pipeline_mode<synchronous>, transform_indices = @transform_4, window_bounds = array<i64: 32, 16>}, {pipeline_mode = #tpu.pipeline_mode<synchronous>, transform_indices = @transform_5, window_bounds = array<i64: 192, 512>}, {pipeline_mode = #tpu.pipeline_mode<synchronous>, transform_indices = @transform_6, window_bounds = array<i64: 512, 768>}, {transform_indices = @transform_7, window_bounds = array<i64: 128, 768>}]} {
    %get3A = arith.constant 0 : index
    %get3A_0 = arith.constant 0 : index
    %get3A_1 = vector.load %arg3[%get3A, %get3A_0] : memref<4096x256xf32, #tpu.memory_space<vmem>>, vector<4096x256xf32>
    %slice3A = vector.extract_strided_slice %get3A_1 {offsets = [0, 0], sizes = [4096, 192], strides = [1, 1]} : vector<4096x256xf32> to vector<4096x192xf32>
    %reshape3A = vector.shape_cast %slice3A : vector<4096x192xf32> to vector<128x32x192xf32>
    %slice3A_2 = vector.extract_strided_slice %get3A_1 {offsets = [0, 192], sizes = [4096, 32], strides = [1, 1]} : vector<4096x256xf32> to vector<4096x32xf32>
    %reshape3A_3 = vector.shape_cast %slice3A_2 : vector<4096x32xf32> to vector<128x32x32xf32>
    %slice3A_4 = vector.extract_strided_slice %reshape3A_3 {offsets = [0, 0, 0], sizes = [128, 32, 16], strides = [1, 1, 1]} : vector<128x32x32xf32> to vector<128x32x16xf32>
    %slice3A_5 = vector.extract_strided_slice %reshape3A_3 {offsets = [0, 0, 16], sizes = [128, 32, 16], strides = [1, 1, 1]} : vector<128x32x32xf32> to vector<128x32x16xf32>
    %get3A_6 = arith.constant 0 : index
    %get3A_7 = arith.constant 0 : index
    %get3A_8 = vector.load %arg4[%get3A_6, %get3A_7] : memref<32x16xf32, #tpu.memory_space<vmem>>, vector<32x16xf32>
    %broadcast_in_dim3A = vector.shape_cast %get3A_8 : vector<32x16xf32> to vector<1x32x16xf32>
    %get3A_9 = arith.constant 0 : index
    %get3A_10 = arith.constant 0 : index
    %get3A_11 = vector.load %arg5[%get3A_9, %get3A_10] : memref<32x16xf32, #tpu.memory_space<vmem>>, vector<32x16xf32>
    %broadcast_in_dim3A_12 = vector.shape_cast %get3A_11 : vector<32x16xf32> to vector<1x32x16xf32>
    %mul3A = vector.broadcast %broadcast_in_dim3A : vector<1x32x16xf32> to vector<128x32x16xf32>
    %mul3A_13 = arith.mulf %slice3A_4, %mul3A : vector<128x32x16xf32>
    %mul3A_14 = vector.broadcast %broadcast_in_dim3A_12 : vector<1x32x16xf32> to vector<128x32x16xf32>
    %mul3A_15 = arith.mulf %slice3A_5, %mul3A_14 : vector<128x32x16xf32>
    %sub3A = arith.subf %mul3A_13, %mul3A_15 : vector<128x32x16xf32>
    %mul3A_16 = vector.broadcast %broadcast_in_dim3A_12 : vector<1x32x16xf32> to vector<128x32x16xf32>
    %mul3A_17 = arith.mulf %slice3A_4, %mul3A_16 : vector<128x32x16xf32>
    %mul3A_18 = vector.broadcast %broadcast_in_dim3A : vector<1x32x16xf32> to vector<128x32x16xf32>
    %mul3A_19 = arith.mulf %slice3A_5, %mul3A_18 : vector<128x32x16xf32>
    %add3A = arith.addf %mul3A_17, %mul3A_19 : vector<128x32x16xf32>
    %concatenate3A = tpu.concatenate %sub3A, %add3A in 2 : vector<128x32x16xf32>, vector<128x32x16xf32> -> vector<128x32x32xf32>
    %get3A_20 = arith.constant 0 : index
    %get3A_21 = arith.constant 0 : index
    %get3A_22 = vector.load %arg1[%get3A_20, %get3A_21] : memref<128x1536xf32, #tpu.memory_space<vmem>>, vector<128x1536xf32>
    %reshape3A_23 = vector.shape_cast %get3A_22 : vector<128x1536xf32> to vector<128x8x192xf32>
    %get3A_24 = arith.constant 0 : index
    %get3A_25 = arith.constant 0 : index
    %get3A_26 = vector.load %arg2[%get3A_24, %get3A_25] : memref<128x256xf32, #tpu.memory_space<vmem>>, vector<128x256xf32>
    %reshape3A_27 = vector.shape_cast %get3A_26 : vector<128x256xf32> to vector<128x8x32xf32>
    %dot_general3A = arith.constant dense<0.000000e+00> : vector<128x8x32xf32>
    %dot_general3A_28 = tpu.matmul %reshape3A_23, %reshape3A, %dot_general3A {dimension_numbers = #tpu.dot_dimension_numbers<[2], [2], [1], [1], [0, 0, 0, 1, 1, 1], [0], [0]>, transpose_lhs_hint = false} : vector<128x8x192xf32>, vector<128x32x192xf32>, vector<128x8x32xf32> -> vector<128x8x32xf32>
    %dot_general3A_29 = arith.constant dense<0.000000e+00> : vector<128x8x32xf32>
    %dot_general3A_30 = tpu.matmul %reshape3A_27, %concatenate3A, %dot_general3A_29 {dimension_numbers = #tpu.dot_dimension_numbers<[2], [2], [1], [1], [0, 0, 0, 1, 1, 1], [0], [0]>, transpose_lhs_hint = false} : vector<128x8x32xf32>, vector<128x32x32xf32>, vector<128x8x32xf32> -> vector<128x8x32xf32>
    %add3A_31 = arith.addf %dot_general3A_28, %dot_general3A_30 : vector<128x8x32xf32>
    %mul3A_32 = arith.constant 0.102062076 : f32
    %mul3A_33 = vector.broadcast %mul3A_32 : f32 to vector<128x8x32xf32>
    %mul3A_34 = arith.mulf %add3A_31, %mul3A_33 : vector<128x8x32xf32>
    %reduce_max3A = arith.constant dense<0xFF800000> : vector<128x8xf32>
    %reduce_max3A_35 = vector.multi_reduction <maximumf>, %mul3A_34, %reduce_max3A [2] : vector<128x8x32xf32> to vector<128x8xf32>
    %broadcast_in_dim3A_36 = vector.shape_cast %reduce_max3A_35 : vector<128x8xf32> to vector<128x8x1xf32>
    %sub3A_37 = vector.broadcast %broadcast_in_dim3A_36 : vector<128x8x1xf32> to vector<128x8x32xf32>
    %sub3A_38 = arith.subf %mul3A_34, %sub3A_37 : vector<128x8x32xf32>
    %exp3A = math.exp %sub3A_38 : vector<128x8x32xf32>
    %reduce_sum3A = arith.constant dense<0.000000e+00> : vector<128x8xf32>
    %reduce_sum3A_39 = vector.multi_reduction <add>, %exp3A, %reduce_sum3A [2] : vector<128x8x32xf32> to vector<128x8xf32>
    %broadcast_in_dim3A_40 = vector.shape_cast %reduce_sum3A_39 : vector<128x8xf32> to vector<128x8x1xf32>
    %div3A = vector.broadcast %broadcast_in_dim3A_40 : vector<128x8x1xf32> to vector<128x8x32xf32>
    %div3A_41 = arith.divf %exp3A, %div3A : vector<128x8x32xf32>
    %dot_general3A_42 = arith.constant dense<0.000000e+00> : vector<128x8x192xf32>
    %dot_general3A_43 = tpu.matmul %div3A_41, %reshape3A, %dot_general3A_42 {dimension_numbers = #tpu.dot_dimension_numbers<[2], [1], [1], [2], [0, 0, 0, 1, 1, 2], [0], [0]>, transpose_lhs_hint = false} : vector<128x8x32xf32>, vector<128x32x192xf32>, vector<128x8x192xf32> -> vector<128x8x192xf32>
    %broadcast_in_dim3A_44 = arith.constant 0.000000e+00 : f32
    %broadcast_in_dim3A_45 = vector.broadcast %broadcast_in_dim3A_44 : f32 to vector<128x768xf32>
    %slice3A_46 = vector.extract_strided_slice %dot_general3A_43 {offsets = [0, 0, 0], sizes = [128, 1, 192], strides = [1, 1, 1]} : vector<128x8x192xf32> to vector<128x1x192xf32>
    %squeeze3A = vector.shape_cast %slice3A_46 : vector<128x1x192xf32> to vector<128x192xf32>
    %get3A_47 = arith.constant 0 : index
    %get3A_48 = arith.constant 0 : index
    %get3A_49 = vector.load %arg6[%get3A_47, %get3A_48] : memref<192x512xf32, #tpu.memory_space<vmem>>, vector<192x64xf32>
    %dot_general3A_50 = arith.constant dense<0.000000e+00> : vector<128x64xf32>
    %dot_general3A_51 = tpu.matmul %squeeze3A, %get3A_49, %dot_general3A_50 {dimension_numbers = #tpu.dot_dimension_numbers<[1], [0], [0], [1], [0, 0, 1, 1], [], []>, transpose_lhs_hint = false} : vector<128x192xf32>, vector<192x64xf32>, vector<128x64xf32> -> vector<128x64xf32>
    %get3A_52 = arith.constant 0 : index
    %get3A_53 = arith.constant 0 : index
    %get3A_54 = vector.load %arg7[%get3A_52, %get3A_53] : memref<512x768xf32, #tpu.memory_space<vmem>>, vector<64x768xf32>
    %dot_general3A_55 = arith.constant dense<0.000000e+00> : vector<128x768xf32>
    %dot_general3A_56 = tpu.matmul %dot_general3A_51, %get3A_54, %dot_general3A_55 {dimension_numbers = #tpu.dot_dimension_numbers<[1], [0], [0], [1], [0, 0, 1, 1], [], []>, transpose_lhs_hint = false} : vector<128x64xf32>, vector<64x768xf32>, vector<128x768xf32> -> vector<128x768xf32>
    %add3A_57 = arith.addf %broadcast_in_dim3A_45, %dot_general3A_56 : vector<128x768xf32>
    %slice3A_58 = vector.extract_strided_slice %dot_general3A_43 {offsets = [0, 1, 0], sizes = [128, 1, 192], strides = [1, 1, 1]} : vector<128x8x192xf32> to vector<128x1x192xf32>
    %squeeze3A_59 = vector.shape_cast %slice3A_58 : vector<128x1x192xf32> to vector<128x192xf32>
    %get3A_60 = arith.constant 0 : index
    %get3A_61 = arith.constant 64 : index
    %get3A_62 = vector.load %arg6[%get3A_60, %get3A_61] : memref<192x512xf32, #tpu.memory_space<vmem>>, vector<192x64xf32>
    %dot_general3A_63 = arith.constant dense<0.000000e+00> : vector<128x64xf32>
    %dot_general3A_64 = tpu.matmul %squeeze3A_59, %get3A_62, %dot_general3A_63 {dimension_numbers = #tpu.dot_dimension_numbers<[1], [0], [0], [1], [0, 0, 1, 1], [], []>, transpose_lhs_hint = false} : vector<128x192xf32>, vector<192x64xf32>, vector<128x64xf32> -> vector<128x64xf32>
    %get3A_65 = arith.constant 64 : index
    %get3A_66 = arith.constant 0 : index
    %get3A_67 = vector.load %arg7[%get3A_65, %get3A_66] : memref<512x768xf32, #tpu.memory_space<vmem>>, vector<64x768xf32>
    %dot_general3A_68 = arith.constant dense<0.000000e+00> : vector<128x768xf32>
    %dot_general3A_69 = tpu.matmul %dot_general3A_64, %get3A_67, %dot_general3A_68 {dimension_numbers = #tpu.dot_dimension_numbers<[1], [0], [0], [1], [0, 0, 1, 1], [], []>, transpose_lhs_hint = false} : vector<128x64xf32>, vector<64x768xf32>, vector<128x768xf32> -> vector<128x768xf32>
    %add3A_70 = arith.addf %add3A_57, %dot_general3A_69 : vector<128x768xf32>
    %slice3A_71 = vector.extract_strided_slice %dot_general3A_43 {offsets = [0, 2, 0], sizes = [128, 1, 192], strides = [1, 1, 1]} : vector<128x8x192xf32> to vector<128x1x192xf32>
    %squeeze3A_72 = vector.shape_cast %slice3A_71 : vector<128x1x192xf32> to vector<128x192xf32>
    %get3A_73 = arith.constant 0 : index
    %get3A_74 = arith.constant 128 : index
    %get3A_75 = vector.load %arg6[%get3A_73, %get3A_74] : memref<192x512xf32, #tpu.memory_space<vmem>>, vector<192x64xf32>
    %dot_general3A_76 = arith.constant dense<0.000000e+00> : vector<128x64xf32>
    %dot_general3A_77 = tpu.matmul %squeeze3A_72, %get3A_75, %dot_general3A_76 {dimension_numbers = #tpu.dot_dimension_numbers<[1], [0], [0], [1], [0, 0, 1, 1], [], []>, transpose_lhs_hint = false} : vector<128x192xf32>, vector<192x64xf32>, vector<128x64xf32> -> vector<128x64xf32>
    %get3A_78 = arith.constant 128 : index
    %get3A_79 = arith.constant 0 : index
    %get3A_80 = vector.load %arg7[%get3A_78, %get3A_79] : memref<512x768xf32, #tpu.memory_space<vmem>>, vector<64x768xf32>
    %dot_general3A_81 = arith.constant dense<0.000000e+00> : vector<128x768xf32>
    %dot_general3A_82 = tpu.matmul %dot_general3A_77, %get3A_80, %dot_general3A_81 {dimension_numbers = #tpu.dot_dimension_numbers<[1], [0], [0], [1], [0, 0, 1, 1], [], []>, transpose_lhs_hint = false} : vector<128x64xf32>, vector<64x768xf32>, vector<128x768xf32> -> vector<128x768xf32>
    %add3A_83 = arith.addf %add3A_70, %dot_general3A_82 : vector<128x768xf32>
    %slice3A_84 = vector.extract_strided_slice %dot_general3A_43 {offsets = [0, 3, 0], sizes = [128, 1, 192], strides = [1, 1, 1]} : vector<128x8x192xf32> to vector<128x1x192xf32>
    %squeeze3A_85 = vector.shape_cast %slice3A_84 : vector<128x1x192xf32> to vector<128x192xf32>
    %get3A_86 = arith.constant 0 : index
    %get3A_87 = arith.constant 192 : index
    %get3A_88 = vector.load %arg6[%get3A_86, %get3A_87] : memref<192x512xf32, #tpu.memory_space<vmem>>, vector<192x64xf32>
    %dot_general3A_89 = arith.constant dense<0.000000e+00> : vector<128x64xf32>
    %dot_general3A_90 = tpu.matmul %squeeze3A_85, %get3A_88, %dot_general3A_89 {dimension_numbers = #tpu.dot_dimension_numbers<[1], [0], [0], [1], [0, 0, 1, 1], [], []>, transpose_lhs_hint = false} : vector<128x192xf32>, vector<192x64xf32>, vector<128x64xf32> -> vector<128x64xf32>
    %get3A_91 = arith.constant 192 : index
    %get3A_92 = arith.constant 0 : index
    %get3A_93 = vector.load %arg7[%get3A_91, %get3A_92] : memref<512x768xf32, #tpu.memory_space<vmem>>, vector<64x768xf32>
    %dot_general3A_94 = arith.constant dense<0.000000e+00> : vector<128x768xf32>
    %dot_general3A_95 = tpu.matmul %dot_general3A_90, %get3A_93, %dot_general3A_94 {dimension_numbers = #tpu.dot_dimension_numbers<[1], [0], [0], [1], [0, 0, 1, 1], [], []>, transpose_lhs_hint = false} : vector<128x64xf32>, vector<64x768xf32>, vector<128x768xf32> -> vector<128x768xf32>
    %add3A_96 = arith.addf %add3A_83, %dot_general3A_95 : vector<128x768xf32>
    %slice3A_97 = vector.extract_strided_slice %dot_general3A_43 {offsets = [0, 4, 0], sizes = [128, 1, 192], strides = [1, 1, 1]} : vector<128x8x192xf32> to vector<128x1x192xf32>
    %squeeze3A_98 = vector.shape_cast %slice3A_97 : vector<128x1x192xf32> to vector<128x192xf32>
    %get3A_99 = arith.constant 0 : index
    %get3A_100 = arith.constant 256 : index
    %get3A_101 = vector.load %arg6[%get3A_99, %get3A_100] : memref<192x512xf32, #tpu.memory_space<vmem>>, vector<192x64xf32>
    %dot_general3A_102 = arith.constant dense<0.000000e+00> : vector<128x64xf32>
    %dot_general3A_103 = tpu.matmul %squeeze3A_98, %get3A_101, %dot_general3A_102 {dimension_numbers = #tpu.dot_dimension_numbers<[1], [0], [0], [1], [0, 0, 1, 1], [], []>, transpose_lhs_hint = false} : vector<128x192xf32>, vector<192x64xf32>, vector<128x64xf32> -> vector<128x64xf32>
    %get3A_104 = arith.constant 256 : index
    %get3A_105 = arith.constant 0 : index
    %get3A_106 = vector.load %arg7[%get3A_104, %get3A_105] : memref<512x768xf32, #tpu.memory_space<vmem>>, vector<64x768xf32>
    %dot_general3A_107 = arith.constant dense<0.000000e+00> : vector<128x768xf32>
    %dot_general3A_108 = tpu.matmul %dot_general3A_103, %get3A_106, %dot_general3A_107 {dimension_numbers = #tpu.dot_dimension_numbers<[1], [0], [0], [1], [0, 0, 1, 1], [], []>, transpose_lhs_hint = false} : vector<128x64xf32>, vector<64x768xf32>, vector<128x768xf32> -> vector<128x768xf32>
    %add3A_109 = arith.addf %add3A_96, %dot_general3A_108 : vector<128x768xf32>
    %slice3A_110 = vector.extract_strided_slice %dot_general3A_43 {offsets = [0, 5, 0], sizes = [128, 1, 192], strides = [1, 1, 1]} : vector<128x8x192xf32> to vector<128x1x192xf32>
    %squeeze3A_111 = vector.shape_cast %slice3A_110 : vector<128x1x192xf32> to vector<128x192xf32>
    %get3A_112 = arith.constant 0 : index
    %get3A_113 = arith.constant 320 : index
    %get3A_114 = vector.load %arg6[%get3A_112, %get3A_113] : memref<192x512xf32, #tpu.memory_space<vmem>>, vector<192x64xf32>
    %dot_general3A_115 = arith.constant dense<0.000000e+00> : vector<128x64xf32>
    %dot_general3A_116 = tpu.matmul %squeeze3A_111, %get3A_114, %dot_general3A_115 {dimension_numbers = #tpu.dot_dimension_numbers<[1], [0], [0], [1], [0, 0, 1, 1], [], []>, transpose_lhs_hint = false} : vector<128x192xf32>, vector<192x64xf32>, vector<128x64xf32> -> vector<128x64xf32>
    %get3A_117 = arith.constant 320 : index
    %get3A_118 = arith.constant 0 : index
    %get3A_119 = vector.load %arg7[%get3A_117, %get3A_118] : memref<512x768xf32, #tpu.memory_space<vmem>>, vector<64x768xf32>
    %dot_general3A_120 = arith.constant dense<0.000000e+00> : vector<128x768xf32>
    %dot_general3A_121 = tpu.matmul %dot_general3A_116, %get3A_119, %dot_general3A_120 {dimension_numbers = #tpu.dot_dimension_numbers<[1], [0], [0], [1], [0, 0, 1, 1], [], []>, transpose_lhs_hint = false} : vector<128x64xf32>, vector<64x768xf32>, vector<128x768xf32> -> vector<128x768xf32>
    %add3A_122 = arith.addf %add3A_109, %dot_general3A_121 : vector<128x768xf32>
    %slice3A_123 = vector.extract_strided_slice %dot_general3A_43 {offsets = [0, 6, 0], sizes = [128, 1, 192], strides = [1, 1, 1]} : vector<128x8x192xf32> to vector<128x1x192xf32>
    %squeeze3A_124 = vector.shape_cast %slice3A_123 : vector<128x1x192xf32> to vector<128x192xf32>
    %get3A_125 = arith.constant 0 : index
    %get3A_126 = arith.constant 384 : index
    %get3A_127 = vector.load %arg6[%get3A_125, %get3A_126] : memref<192x512xf32, #tpu.memory_space<vmem>>, vector<192x64xf32>
    %dot_general3A_128 = arith.constant dense<0.000000e+00> : vector<128x64xf32>
    %dot_general3A_129 = tpu.matmul %squeeze3A_124, %get3A_127, %dot_general3A_128 {dimension_numbers = #tpu.dot_dimension_numbers<[1], [0], [0], [1], [0, 0, 1, 1], [], []>, transpose_lhs_hint = false} : vector<128x192xf32>, vector<192x64xf32>, vector<128x64xf32> -> vector<128x64xf32>
    %get3A_130 = arith.constant 384 : index
    %get3A_131 = arith.constant 0 : index
    %get3A_132 = vector.load %arg7[%get3A_130, %get3A_131] : memref<512x768xf32, #tpu.memory_space<vmem>>, vector<64x768xf32>
    %dot_general3A_133 = arith.constant dense<0.000000e+00> : vector<128x768xf32>
    %dot_general3A_134 = tpu.matmul %dot_general3A_129, %get3A_132, %dot_general3A_133 {dimension_numbers = #tpu.dot_dimension_numbers<[1], [0], [0], [1], [0, 0, 1, 1], [], []>, transpose_lhs_hint = false} : vector<128x64xf32>, vector<64x768xf32>, vector<128x768xf32> -> vector<128x768xf32>
    %add3A_135 = arith.addf %add3A_122, %dot_general3A_134 : vector<128x768xf32>
    %slice3A_136 = vector.extract_strided_slice %dot_general3A_43 {offsets = [0, 7, 0], sizes = [128, 1, 192], strides = [1, 1, 1]} : vector<128x8x192xf32> to vector<128x1x192xf32>
    %squeeze3A_137 = vector.shape_cast %slice3A_136 : vector<128x1x192xf32> to vector<128x192xf32>
    %get3A_138 = arith.constant 0 : index
    %get3A_139 = arith.constant 448 : index
    %get3A_140 = vector.load %arg6[%get3A_138, %get3A_139] : memref<192x512xf32, #tpu.memory_space<vmem>>, vector<192x64xf32>
    %dot_general3A_141 = arith.constant dense<0.000000e+00> : vector<128x64xf32>
    %dot_general3A_142 = tpu.matmul %squeeze3A_137, %get3A_140, %dot_general3A_141 {dimension_numbers = #tpu.dot_dimension_numbers<[1], [0], [0], [1], [0, 0, 1, 1], [], []>, transpose_lhs_hint = false} : vector<128x192xf32>, vector<192x64xf32>, vector<128x64xf32> -> vector<128x64xf32>
    %get3A_143 = arith.constant 448 : index
    %get3A_144 = arith.constant 0 : index
    %get3A_145 = vector.load %arg7[%get3A_143, %get3A_144] : memref<512x768xf32, #tpu.memory_space<vmem>>, vector<64x768xf32>
    %dot_general3A_146 = arith.constant dense<0.000000e+00> : vector<128x768xf32>
    %dot_general3A_147 = tpu.matmul %dot_general3A_142, %get3A_145, %dot_general3A_146 {dimension_numbers = #tpu.dot_dimension_numbers<[1], [0], [0], [1], [0, 0, 1, 1], [], []>, transpose_lhs_hint = false} : vector<128x64xf32>, vector<64x768xf32>, vector<128x768xf32> -> vector<128x768xf32>
    %add3A_148 = arith.addf %add3A_135, %dot_general3A_147 : vector<128x768xf32>
    %swap3A = arith.constant 0 : index
    %swap3A_149 = arith.constant 0 : index
    %swap3A_150 = vector.load %arg8[%swap3A, %swap3A_149] : memref<128x768xf32, #tpu.memory_space<vmem>>, vector<128x768xf32>
    tpu.vector_store %arg8[%swap3A, %swap3A_149], %add3A_148 {strides = array<i32>} : memref<128x768xf32, #tpu.memory_space<vmem>>, vector<128x768xf32>,
    return
  }
  func.func @transform_0(%arg0: i32) -> (i32, i32) {
    %c0_i32 = arith.constant 0 : i32
    %c0_i32_0 = arith.constant 0 : i32
    return %arg0, %c0_i32 : i32, i32
  }
  func.func @transform_1(%arg0: i32) -> (i32, i32) {
    %c0_i32 = arith.constant 0 : i32
    %c0_i32_0 = arith.constant 0 : i32
    return %arg0, %c0_i32 : i32, i32
  }
  func.func @transform_2(%arg0: i32) -> (i32, i32) {
    %c0_i32 = arith.constant 0 : i32
    %c0_i32_0 = arith.constant 0 : i32
    return %arg0, %c0_i32 : i32, i32
  }
  func.func @transform_3(%arg0: i32) -> (i32, i32) {
    %c0_i32 = arith.constant 0 : i32
    %c0_i32_0 = arith.constant 0 : i32
    %c0_i32_1 = arith.constant 0 : i32
    return %c0_i32, %c0_i32_0 : i32, i32
  }
  func.func @transform_4(%arg0: i32) -> (i32, i32) {
    %c0_i32 = arith.constant 0 : i32
    %c0_i32_0 = arith.constant 0 : i32
    %c0_i32_1 = arith.constant 0 : i32
    return %c0_i32, %c0_i32_0 : i32, i32
  }
  func.func @transform_5(%arg0: i32) -> (i32, i32) {
    %c0_i32 = arith.constant 0 : i32
    %c0_i32_0 = arith.constant 0 : i32
    %c0_i32_1 = arith.constant 0 : i32
    return %c0_i32, %c0_i32_0 : i32, i32
  }
  func.func @transform_6(%arg0: i32) -> (i32, i32) {
    %c0_i32 = arith.constant 0 : i32
    %c0_i32_0 = arith.constant 0 : i32
    %c0_i32_1 = arith.constant 0 : i32
    return %c0_i32, %c0_i32_0 : i32, i32
  }
  func.func @transform_7(%arg0: i32) -> (i32, i32) {
    %c0_i32 = arith.constant 0 : i32
    %c0_i32_0 = arith.constant 0 : i32
    return %arg0, %c0_i32 : i32, i32
  }
}

</mosaic_0001>

<sc_bundles>
// kernel: kernel.7.cloned.1.call-start
scs
__scs_entry_jumppad:
0x0: {  	(pc) =	sbr.rel $0x88, $3  }
0x1: {  	(tag) =	ssettag $0x0;
	lr =	simm.s32 $0x1  }
0x2: {  	[smem:$0x3F94] =	sst lr;
	_ =	strace $0xD0000000  }
0x3: {  	_ = 	snop  }
0x4: {  	_ = 	snop  }
0x5: {  	_ = 	snop  }
0x6: {  	_ = 	snop  }
0x7: {  	_ = 	snop  }
__scs_overlays_trampoline_lowered:
0x8: {  	[smem:$0x3FA3] =	sst s0  }
0x9: {  	[smem:$0x3FA4] =	sst s1  }
0xa: {  	[smem:$0x3FA5] =	sst s2  }
0xb: {  	[smem:$0x3FA6] =	sst s3  }
0xc: {  	[smem:$0x3FA7] =	sst s4  }
0xd: {  	[smem:$0x3FA8] =	sst s5  }
0xe: {  	[smem:$0x3FA9] =	sst s6  }
0xf: {  	[smem:$0x3FAA] =	sst s7  }
0x10: {  	[smem:$0x3FAB] =	sst s8  }
0x11: {  	[smem:$0x3FAC] =	sst s9;
	s0 =	simm.s32 @!p0 $0x0  }
0x12: {  	s1 =	sld [smem:$0x3F92];
	s0 =	simm.s32 @p0 $0x1  }
0x13: {  	[smem:$0x3FAD] =	sst s0;
	s0 =	simm.s32 @!p1 $0x0  }
0x14: {  	s2 =	sld [smem:$0x3F91];
	s0 =	simm.s32 @p1 $0x1  }
0x15: {  	[smem:$0x3FAE] =	sst s0;
	s0 =	simm.s32 @!p2 $0x0  }
0x16: {  	s3 =	sld [smem:$0x3FDB];
	s0 =	simm.s32 @p2 $0x1  }
0x17: {  	s4 =	simm.s32 $0x1BF5;
	[smem:$0x3FB0] =	sst s0  }
0x18: {  	s0 =	sld [smem:$0x3F93];
	_ =	swait.ge [sflag:s4], $0x0  }
0x19: {  	s7 =	sld [smem:$0x3F94]  }
0x1a: {  	s8 =	sadd.s32 $0xFFFFE003, lr  }
0x1b: {  	s9 =	sadd.s32 $0xFFFFFEF7, lr;
	s5 =	simm.s32 $0xFFFFFFFF;
	p2 =	slt.u32 s8, $0xFFFFF086  }
0x1c: {  	p1 =	slt.u32 s9, $0xF7A;
	s5 =	simm.s32 @!p2 $0x0  }
0x1d: {  	s5 =	simm.s32 @p1 $0x1;
	p0 =	seq.s32 s7, s2  }
0x1e: {  	s7 =	smul.u32 @!p0 $0xF7A, s2;
	p2 =	seq.s32 @!p0 s5, $0x0  }
0x1f: {  	s9 =	smul.u32 $0xF7A, s1;
	s8 =	simm.s32 @!p0 $0x1BF5;
	p2 =	por !p2, p0  }
0x20: {  	[sflag:s8] =	ssyncset.s32 @!p0 $0xFFFFF086;
	s6 =	sadd.s32 @!p0 s3, s7;
	s7 =	simm.s32 @!p0 $0x108  }
0x21: {  	s3 =	sadd.s32 s3, s9;
	s6 =	sadd.s32 @!p0 $0x88, s6;
	s7 =	simm.s32 @p2 $0x1082  }
0x22: {  	[simem:s7], [sflag:s8] =	dma.local @!p0 [hbm:s6], $0xF7A  }
0x23: {  	s9 =	sor.u32 $0xD0000000, s2;
	s6 =	simm.s32 $0x108;
	_ =	swait.ge @!p0 [sflag:s8], $0x0  }
0x24: {  	s3 =	sadd.s32 $0x88, s3;
	s6 =	simm.s32 @!p1 $0x1082;
	[sflag:s4] =	ssyncset.s32 $0xFFFFF086  }
0x25: {  	[simem:s6], [sflag:s4] =	dma.local [hbm:s3], $0xF7A  }
0x26: {  	[smem:$0x3F94] =	sst s1;
	(tag) =	ssettag s2;
	_ =	strace s9  }
0x27: {  	s1 =	sld [smem:$0x3FA4]  }
0x28: {  	s2 =	sld [smem:$0x3FA5]  }
0x29: {  	s4 =	sld [smem:$0x3FA7]  }
0x2a: {  	p0 =	seq.s32 s5, $0x0;
	s5 =	sld [smem:$0x3FA8]  }
0x2b: {  	s6 =	sld [smem:$0x3FA9]  }
0x2c: {  	s7 =	sld [smem:$0x3FAA]  }
0x2d: {  	s3 =	simm.s32 $0x108;
	s8 =	sld [smem:$0x3FAB]  }
0x2e: {  	s3 =	simm.s32 @!p0 $0x1082;
	s9 =	sld [smem:$0x3FAC]  }
0x2f: {  	lr =	sadd.s32 s0, s3;
	s0 =	sld [smem:$0x3FA3]  }
0x30: {  	s3 =	sld [smem:$0x3FA6]  }
0x31: {  	[smem:$0x3FAF] =	sst s10  }
0x32: {  	s10 =	sld [smem:$0x3FAD];
	_ =	sdelay $0x3  }
0x33: {  	p0 =	seq.s32 s10, $0x1;
	s10 =	sld [smem:$0x3FAF];
	_ =	sdelay $0x3  }
0x34: {  	[smem:$0x3FAF] =	sst s10  }
0x35: {  	s10 =	sld [smem:$0x3FAE];
	_ =	sdelay $0x3  }
0x36: {  	p1 =	seq.s32 s10, $0x1;
	s10 =	sld [smem:$0x3FAF];
	_ =	sdelay $0x3  }
0x37: {  	[smem:$0x3FAF] =	sst s10  }
0x38: {  	s10 =	sld [smem:$0x3FB0]  }
0x39: {  	_ = 	snop;
	(pc) =	sbr.ind lr, $3  }
0x3a: {  	_ = 	snop  }
0x3b: {  	_ = 	snop  }
0x3c: {  	p2 =	seq.s32 s10, $0x1;
	s10 =	sld [smem:$0x3FAF]  }
0x3d: {  	_ =	shalt  }
0x3e: {  	_ =	shalt  }
0x3f: {  	_ =	shalt  }
0x40: {  	_ =	shalt  }
0x41: {  	_ =	shalt  }
0x42: {  	_ =	shalt  }
0x43: {  	_ =	shalt  }
0x44: {  	_ =	shalt  }
0x45: {  	_ =	shalt  }
0x46: {  	_ =	shalt  }
0x47: {  	_ =	shalt  }
0x48: {  	_ =	shalt  }
0x49: {  	_ =	shalt  }
0x4a: {  	_ =	shalt  }
0x4b: {  	_ =	shalt  }
0x4c: {  	_ =	shalt  }
0x4d: {  	_ =	shalt  }
0x4e: {  	_ =	shalt  }
0x4f: {  	_ =	shalt  }
0x50: {  	_ =	shalt  }
0x51: {  	_ =	shalt  }
0x52: {  	_ =	shalt  }
0x53: {  	_ =	shalt  }
0x54: {  	_ =	shalt  }
0x55: {  	_ =	shalt  }
0x56: {  	_ =	shalt  }
0x57: {  	_ =	shalt  }
0x58: {  	_ =	shalt  }
0x59: {  	_ =	shalt  }
0x5a: {  	_ =	shalt  }
0x5b: {  	_ =	shalt  }
0x5c: {  	_ =	shalt  }
0x5d: {  	_ =	shalt  }
0x5e: {  	_ =	shalt  }
0x5f: {  	_ =	shalt  }
0x60: {  	_ =	shalt  }
0x61: {  	_ =	shalt  }
0x62: {  	_ =	shalt  }
0x63: {  	_ =	shalt  }
0x64: {  	_ =	shalt  }
0x65: {  	_ =	shalt  }
0x66: {  	_ =	shalt  }
0x67: {  	_ =	shalt  }
0x68: {  	_ =	shalt  }
0x69: {  	_ =	shalt  }
0x6a: {  	_ =	shalt  }
0x6b: {  	_ =	shalt  }
0x6c: {  	_ =	shalt  }
0x6d: {  	_ =	shalt  }
0x6e: {  	_ =	shalt  }
0x6f: {  	_ =	shalt  }
0x70: {  	_ =	shalt  }
0x71: {  	_ =	shalt  }
0x72: {  	_ =	shalt  }
0x73: {  	_ =	shalt  }
0x74: {  	_ =	shalt  }
0x75: {  	_ =	shalt  }
0x76: {  	_ =	shalt  }
0x77: {  	_ =	shalt  }
0x78: {  	_ =	shalt  }
0x79: {  	_ =	shalt  }
0x7a: {  	_ =	shalt  }
0x7b: {  	_ =	shalt  }
0x7c: {  	_ =	shalt  }
0x7d: {  	_ =	shalt  }
0x7e: {  	_ =	shalt  }
0x7f: {  	_ =	shalt  }
0x80: {  	_ =	shalt  }
0x81: {  	_ =	shalt  }
0x82: {  	_ =	shalt  }
0x83: {  	_ =	shalt  }
0x84: {  	_ =	shalt  }
0x85: {  	_ =	shalt  }
0x86: {  	_ =	shalt  }
0x87: {  	_ =	shalt  }
.Lfunc_end0:
.L_simem_size_0:
called_computation_lowered:
.L_overlay_start_0:
0x88: {  	s2 =	sld [smem:$0x3FD9]  }
0x89: {  	s3 =	sld [smem:$0x3FFE];
	_ =	sdelay $0x1  }
0x8a: {  	s1 =	srdreg.scid  }
0x8b: {  	s0 =	sand.u32 $0x1, s1  }
0x8c: {  	s17 =	sshll.u32 s0, $0xA;
	s2 =	sadd.s32 s3, s2  }
0x8d: {  	s2 =	sadd.s32 s2, s17  }
0x8e: {  	[smem:$0x3FBB] =	sst s2  }
0x8f: {  	_ = 	snop  }
0x90: {  	s2 =	sld [smem:$0x3FD0];
	(tm) =	ssettm $0x1  }
0x91: {  	s18 =	sld [smem:$0x3FFB];
	_ =	sdelay $0x3  }
0x92: {  	_ =	strace s18  }
0x93: {  	s3 =	sld [smem:$0x3FFC];
	_ =	sdelay $0x3  }
0x94: {  	_ =	strace s3  }
0x95: {  	s3 =	sld [smem:$0x3FFD];
	_ =	sdelay $0x3  }
0x96: {  	_ =	strace s3  }
0x97: {  	_ =	strace $0x8FFFFFFF  }
0x98: {  	s19 =	sld [smem:$0x3FDB];
	_ =	sdelay $0x1  }
0x99: {  	s4 =	simm.s32 $_scs_section_size  }
0x9a: {  	s5 =	simm.s32 $_size__tile_overlayer_lowered;
	s6 =	simm.s32 $_tile_overlayer_lowered  }
0x9b: {  	s22 =	simm.s32 $0x1BFF;
	s21 =	sshll.u32 s6, $0x1;
	s3 =	sadd.s32 s4, s19  }
0x9c: {  	s7 =	simm.s32 $0x0;
	s20 =	sshll.u32 s5, $0x1;
	s5 =	sadd.s32 s21, s3  }
0x9d: {  	[timem:s7], [sflag:s22] =	dma.local [hbm:s5], s20  }
0x9e: {  	_ =	swait.ge [sflag:s22], s20  }
0x9f: {  	s4 =	ssub.s32 $0x0, s20;
	[sflag:s22] =	ssyncset.done $0x0  }
0xa0: {  	[sflag:s22] =	ssyncadd.s32 s4;
	_ =	sdelay $0x1  }
0xa1: {  	s23 =	simm.s32 $0x1B8B  }
0xa2: {  	_ =	swait.ge [sflag:s23], $0x1  }
0xa3: {  	[sflag:s23] =	ssyncset.done $0x0  }
0xa4: {  	s25 =	simm.s32 $0x1B8E;
	s24 =	sld [smem:$0x3FFE];
	[sflag:s23] =	ssyncadd.s32 $0xFFFFFFFF  }
0xa5: {  	s26 =	simm.s32 $execute0_lowered;
	[smem:$0x3FD2] =	sst s25  }
0xa6: {  	s5 =	sshll.u32 s26, $0x1;
	_ =	strace $0x80000046;
	[dreg:$0x1] =	wrdreg $0xFFFFFFFF  }
0xa7: {  	s28 =	simm.s32 $_size_execute0_lowered;
	s3 =	sadd.s32 s3, s5;
	[dreg:$0x0] =	wrdreg $0x0  }
0xa8: {  	s5 =	sshll.u32 s28, $0x1;
	[dreg:$0x2] =	wrdreg s3  }
0xa9: {  	[dreg:$0x3] =	wrdreg s5  }
0xaa: {  	[dreg:$0x4] =	wrdreg $0xC0  }
0xab: {  	_ =	task [dreg:s7], $0x5FFFF  }
0xac: {  	[dreg:$0x1] =	wrdreg $0xFFFFFFFF  }
0xad: {  	[dreg:$0x0] =	wrdreg $0x60  }
0xae: {  	[dreg:$0x2] =	wrdreg s2  }
0xaf: {  	[dreg:$0x3] =	wrdreg s24  }
0xb0: {  	[dreg:$0x4] =	wrdreg $0x9  }
0xb1: {  	_ =	task.clear_ibuf [dreg:s7], $0x5FFFF;
	_ =	strace $0x90000046  }
0xb2: {  	s29 =	simm.s32 $0x9;
	_ =	strace $0x80000048  }
0xb3: {  	_ =	swait.ge [sflag:s29], $0x1  }
0xb4: {  	[sflag:s29] =	ssyncadd.s32 $0xFFFFFFFF  }
0xb5: {  	_ =	strace $0x90000048  }
0xb6: {  	_ =	sfence  }
0xb7: {  	s30 =	sld [smem:$0x0];
	_ =	sdelay $0x2  }
0xb8: {  	s31 =	sshll.u32 s1, $0xD;
	s1 =	sshrl.u32 s1, $0x2  }
0xb9: {  	s3 =	sand.u32 $0x4000, s31;
	s1 =	sadd.s32 s1, s30  }
0xba: {  	s0 =	sor.u32 s3, s0;
	s1 =	sshll.u32 s1, $0x11  }
0xbb: {  	s0 =	sor.u32 s1, s0  }
0xbc: {  	s0 =	sadd.s32 $0x8F2B, s0  }
0xbd: {  	[sflag:s0] =	ssyncadd.remote.s32 $0x1  }
0xbe: {  	_ =	sfence.sel $0xFFFF  }
0xbf: {  	[dreg:$0x0] =	wrdreg $0xFFFFFFFF;
	(pc) =	sbr.abs _section_cstart, $3  }
0xc0: {  	[dreg:$0x1] =	wrdreg $0xFFFFFFFF  }
0xc1: {  	_ =	task.clear_ibuf [dreg:s7], $0x2FFFF;
	_ =	strace $0x9FFFFFFF  }
0xc2: {  	(tm) =	ssettm $0x7FFFFFFF  }
0xc3: {  	_ =	shalt  }
tec
execute0_lowered:
.L_overlay_start_1:
0x0: {  	(tag) =	ssettag $0x1  }
0x1: {  	s1 =	rddreg [dreg:$0x0]  }
0x2: {  	s4 =	rddreg [dreg:$0x1]  }
0x3: {  	s0 =	rddreg [dreg:$0x2];
	s5 =	srdreg.scid  }
0x4: {  	s3 =	simm.s32 $0x0;
	s2 =	stileid.u32;
	s10 =	simm.s32 $0x1080  }
0x5: {  	s11 =	simm.s32 $0x1880;
	s12 =	simm.s32 $0x2080;
	s13 =	simm.s32 $0x2880  }
0x6: {  	s14 =	simm.s32 $0x3080;
	s15 =	simm.s32 $0x3880;
	s16 =	simm.s32 $0x4080  }
0x7: {  	s17 =	simm.s32 $0x4880;
	s18 =	simm.s32 $0x5080;
	s19 =	simm.s32 $0x5880  }
0x8: {  	s20 =	simm.s32 $0x6080;
	s21 =	simm.s32 $0x6880;
	s22 =	simm.s32 $0x7080  }
0x9: {  	s23 =	simm.s32 $0x7880;
	s24 =	simm.s32 $0x1;
	s25 =	simm.s32 $0x0  }
0xa: {  	s5 =	sand.u32 $0x1, s5;
	[smem:$0x7FF] =	sst s3;
	s6 =	sshll.u32 s2, $0xC  }
0xb: {  	s8 =	sshll.u32 s2, $0x11;
	s7 =	sshll.u32 s5, $0xB;
	_ =	strace $0x80000047  }
0xc: {  	s31 =	ssub.s32 $0x2, s5;
	s8 =	sadd.s32 s8, s4;
	s5 =	sshll.u32 s5, $0x10  }
0xd: {  	s6 =	sor.u32 s7, s6;
	s9 =	sshrl.u32 s31, $0x1;
	s5 =	sadd.s32 s5, s8  }
0xe: {  	v2 =	vlaneseq.u32;
	s8 =	simm.s32 $0x80;
	s6 =	sshrl.u32 s6, $0x3;
	s7 =	ssub.s32 s31, s9  }
0xf: {  	vm0 =	vmmov $0xffff;
	v1 =	vshrl.u32 v2, $0x3;
	s5 =	sadd.s32 $0x64C00, s5;
	s9 =	simm.s32 $0x880;
	s6 =	sadd.s32 s6, s4  }
0x10: {  	v0 =	vand.u32 $0x7, v2;
	v2 =	vor.u32 $0x8, v2;
	v1 =	vmul.u32 $0x8, v1;
	s4 =	smax.u32 s7, $0x1;
	s7 =	simm.s32 $0x2;
	s6 =	sadd.s32 $0x62C00, s6  }
.LBB2_1:
0x11: {  	s26 =	smov.u32 s5;
	s28 =	simm.s32 $0x0  }
.LBB2_2:
0x12: {  	s29 =	sadd.s32 s28, s6  }
0x13: {  	[tilespmem:s3], [sflag:$0x2] =	stream.linear.gather [hbm4b:s29+s3], $0x80, $0x38;
	[tilespmem:$0x8080] =	vst v63  }
0x14: {  	_ =	swait.ge [sflag:s7], $0x80  }
0x15: {  	[sflag:s7] =	ssyncset.done $0x0  }
0x16: {  	[sflag:s7] =	ssyncadd.s32 $0xFFFFFF80  }
0x17: {  	v3 =	vld [tilespmem:$0x0];
	_ =	sdelay $0x4  }
0x18: {  	v4 =	vshll.u32 v3, $0x1  }
0x19: {  	v3 =	vand.u32 $0x7, v3;
	v4 =	vand.u32 $0xFFFFFFF0, v4  }
0x1a: {  	v3 =	vor.u32 v3, v4  }
0x1b: {  	v4 =	vperm.xlane v3, v0;
	_ =	sdelay $0x1  }
0x1c: {  	v3 =	vperm.xlane v3, v2;
	v4 =	vadd.s32 v1, v4;
	_ =	sdelay $0x1  }
0x1d: {  	v3 =	vadd.s32 v1, v3;
	_ =	sdelay $0x2  }
0x1e: {  	[tilespmem:s8], [sflag:$0x1] =	stream.indirect_vreg.gather [hbm4b:s1+s3], $0x80, v4, vm0, $0xb8;
	[tilespmem:$0x8080] =	vst v63  }
0x1f: {  	_ = 	snop  }
0x20: {  	[tilespmem:s9], [sflag:$0x1] =	stream.indirect_vreg.gather [hbm4b:s1+s3], $0x80, v3, vm0, $0xb8;
	[tilespmem:$0x8080] =	vst v63  }
0x21: {  	v3 =	vld [tilespmem:$0x10];
	_ =	sdelay $0x4  }
0x22: {  	v57 =	vshll.u32 v3, $0x1  }
0x23: {  	v3 =	vand.u32 $0x7, v3;
	v4 =	vand.u32 $0xFFFFFFF0, v57  }
0x24: {  	v3 =	vor.u32 v3, v4  }
0x25: {  	v4 =	vperm.xlane v3, v0;
	_ =	sdelay $0x1  }
0x26: {  	v3 =	vperm.xlane v3, v2;
	v4 =	vadd.s32 v1, v4;
	_ =	sdelay $0x1  }
0x27: {  	v3 =	vadd.s32 v1, v3;
	_ =	sdelay $0x2  }
0x28: {  	[tilespmem:s10], [sflag:$0x1] =	stream.indirect_vreg.gather [hbm4b:s1+s3], $0x80, v4, vm0, $0xb8;
	[tilespmem:$0x8080] =	vst v63  }
0x29: {  	_ = 	snop  }
0x2a: {  	[tilespmem:s11], [sflag:$0x1] =	stream.indirect_vreg.gather [hbm4b:s1+s3], $0x80, v3, vm0, $0xb8;
	[tilespmem:$0x8080] =	vst v63  }
0x2b: {  	v3 =	vld [tilespmem:$0x20];
	_ =	sdelay $0x4  }
0x2c: {  	v58 =	vshll.u32 v3, $0x1  }
0x2d: {  	v3 =	vand.u32 $0x7, v3;
	v4 =	vand.u32 $0xFFFFFFF0, v58  }
0x2e: {  	v3 =	vor.u32 v3, v4  }
0x2f: {  	v4 =	vperm.xlane v3, v0;
	_ =	sdelay $0x1  }
0x30: {  	v3 =	vperm.xlane v3, v2;
	v4 =	vadd.s32 v1, v4;
	_ =	sdelay $0x1  }
0x31: {  	v3 =	vadd.s32 v1, v3;
	_ =	sdelay $0x2  }
0x32: {  	[tilespmem:s12], [sflag:$0x1] =	stream.indirect_vreg.gather [hbm4b:s1+s3], $0x80, v4, vm0, $0xb8;
	[tilespmem:$0x8080] =	vst v63  }
0x33: {  	_ = 	snop  }
0x34: {  	[tilespmem:s13], [sflag:$0x1] =	stream.indirect_vreg.gather [hbm4b:s1+s3], $0x80, v3, vm0, $0xb8;
	[tilespmem:$0x8080] =	vst v63  }
0x35: {  	v3 =	vld [tilespmem:$0x30];
	_ =	sdelay $0x4  }
0x36: {  	v59 =	vshll.u32 v3, $0x1  }
0x37: {  	v3 =	vand.u32 $0x7, v3;
	v4 =	vand.u32 $0xFFFFFFF0, v59  }
0x38: {  	v3 =	vor.u32 v3, v4  }
0x39: {  	v4 =	vperm.xlane v3, v0;
	_ =	sdelay $0x1  }
0x3a: {  	v3 =	vperm.xlane v3, v2;
	v4 =	vadd.s32 v1, v4;
	_ =	sdelay $0x1  }
0x3b: {  	v3 =	vadd.s32 v1, v3;
	_ =	sdelay $0x2  }
0x3c: {  	[tilespmem:s14], [sflag:$0x1] =	stream.indirect_vreg.gather [hbm4b:s1+s3], $0x80, v4, vm0, $0xb8;
	[tilespmem:$0x8080] =	vst v63  }
0x3d: {  	_ = 	snop  }
0x3e: {  	[tilespmem:s15], [sflag:$0x1] =	stream.indirect_vreg.gather [hbm4b:s1+s3], $0x80, v3, vm0, $0xb8;
	[tilespmem:$0x8080] =	vst v63  }
0x3f: {  	v3 =	vld [tilespmem:$0x40];
	_ =	sdelay $0x4  }
0x40: {  	v60 =	vshll.u32 v3, $0x1  }
0x41: {  	v3 =	vand.u32 $0x7, v3;
	v4 =	vand.u32 $0xFFFFFFF0, v60  }
0x42: {  	v3 =	vor.u32 v3, v4  }
0x43: {  	v4 =	vperm.xlane v3, v0;
	_ =	sdelay $0x1  }
0x44: {  	v3 =	vperm.xlane v3, v2;
	v4 =	vadd.s32 v1, v4;
	_ =	sdelay $0x1  }
0x45: {  	v3 =	vadd.s32 v1, v3;
	_ =	sdelay $0x2  }
0x46: {  	[tilespmem:s16], [sflag:$0x1] =	stream.indirect_vreg.gather [hbm4b:s1+s3], $0x80, v4, vm0, $0xb8;
	[tilespmem:$0x8080] =	vst v63  }
0x47: {  	_ = 	snop  }
0x48: {  	[tilespmem:s17], [sflag:$0x1] =	stream.indirect_vreg.gather [hbm4b:s1+s3], $0x80, v3, vm0, $0xb8;
	[tilespmem:$0x8080] =	vst v63  }
0x49: {  	v3 =	vld [tilespmem:$0x50];
	_ =	sdelay $0x4  }
0x4a: {  	v61 =	vshll.u32 v3, $0x1  }
0x4b: {  	v3 =	vand.u32 $0x7, v3;
	v4 =	vand.u32 $0xFFFFFFF0, v61  }
0x4c: {  	v3 =	vor.u32 v3, v4  }
0x4d: {  	v4 =	vperm.xlane v3, v0;
	_ =	sdelay $0x1  }
0x4e: {  	v3 =	vperm.xlane v3, v2;
	v4 =	vadd.s32 v1, v4;
	_ =	sdelay $0x1  }
0x4f: {  	v3 =	vadd.s32 v1, v3;
	_ =	sdelay $0x2  }
0x50: {  	[tilespmem:s18], [sflag:$0x1] =	stream.indirect_vreg.gather [hbm4b:s1+s3], $0x80, v4, vm0, $0xb8;
	[tilespmem:$0x8080] =	vst v63  }
0x51: {  	_ = 	snop  }
0x52: {  	[tilespmem:s19], [sflag:$0x1] =	stream.indirect_vreg.gather [hbm4b:s1+s3], $0x80, v3, vm0, $0xb8;
	[tilespmem:$0x8080] =	vst v63  }
0x53: {  	v3 =	vld [tilespmem:$0x60];
	_ =	sdelay $0x4  }
0x54: {  	v62 =	vshll.u32 v3, $0x1  }
0x55: {  	v3 =	vand.u32 $0x7, v3;
	v4 =	vand.u32 $0xFFFFFFF0, v62  }
0x56: {  	v3 =	vor.u32 v3, v4  }
0x57: {  	v4 =	vperm.xlane v3, v0;
	_ =	sdelay $0x1  }
0x58: {  	v3 =	vperm.xlane v3, v2;
	v4 =	vadd.s32 v1, v4;
	_ =	sdelay $0x1  }
0x59: {  	v3 =	vadd.s32 v1, v3;
	_ =	sdelay $0x2  }
0x5a: {  	[tilespmem:s20], [sflag:$0x1] =	stream.indirect_vreg.gather [hbm4b:s1+s3], $0x80, v4, vm0, $0xb8;
	[tilespmem:$0x8080] =	vst v63  }
0x5b: {  	_ = 	snop  }
0x5c: {  	[tilespmem:s21], [sflag:$0x1] =	stream.indirect_vreg.gather [hbm4b:s1+s3], $0x80, v3, vm0, $0xb8;
	[tilespmem:$0x8080] =	vst v63  }
0x5d: {  	v3 =	vld [tilespmem:$0x70];
	_ =	sdelay $0x4  }
0x5e: {  	v63 =	vshll.u32 v3, $0x1  }
0x5f: {  	v3 =	vand.u32 $0x7, v3;
	v4 =	vand.u32 $0xFFFFFFF0, v63  }
0x60: {  	v3 =	vor.u32 v3, v4  }
0x61: {  	v4 =	vperm.xlane v3, v0;
	_ =	sdelay $0x1  }
0x62: {  	v3 =	vperm.xlane v3, v2;
	v4 =	vadd.s32 v1, v4;
	_ =	sdelay $0x1  }
0x63: {  	v3 =	vadd.s32 v1, v3;
	_ =	sdelay $0x2  }
0x64: {  	[tilespmem:s22], [sflag:$0x1] =	stream.indirect_vreg.gather [hbm4b:s1+s3], $0x80, v4, vm0, $0xb8;
	[tilespmem:$0x8080] =	vst v63  }
0x65: {  	_ = 	snop  }
0x66: {  	[tilespmem:s23], [sflag:$0x1] =	stream.indirect_vreg.gather [hbm4b:s1+s3], $0x80, v3, vm0, $0xb8;
	[tilespmem:$0x8080] =	vst v63  }
0x67: {  	_ =	swait.ge [sflag:s24], $0x8000  }
0x68: {  	p0 =	sne.s32 s28, $0xF0;
	[sflag:s24] =	ssyncset.done $0x0  }
.Ltmp0:
0x69: {  	[sflag:s24] =	ssyncadd.s32 $0xFFFF8000;
	(pc) =	sbr.rel @p0 .LBB2_2-.Ltmp0, $4  }
0x6a: {  	[hbm4b:s26+s3] =	stream.linear.scatter [tilespmem:s8], [sflag:$0x2], $0x8000, $0x38;
	[tilespmem:$0x8080] =	vst v63  }
0x6b: {  	_ =	swait.ge [sflag:s7], $0x8000  }
0x6c: {  	[sflag:s7] =	ssyncset.done $0x0  }
0x6d: {  	s28 =	sadd.s32 $0x10, s28;
	s26 =	sadd.s32 $0x1000, s26;
	[sflag:s7] =	ssyncadd.s32 $0xFFFF8000  }
0x6e: {  	s25 =	sadd.s32 $0x1, s25  }
0x6f: {  	p0 =	sne.s32 s25, s4  }
.Ltmp1:
0x70: {  	_ = 	snop;
	(pc) =	sbr.rel @p0 .LBB2_1-.Ltmp1, $1  }
0x71: {  	_ =	sdelay $0x3  }
0x72: {  	_ =	sfence.sel $0x180000  }
0x73: {  	[bflag:$0x0] =	sbarrier.arrive $0xFFFF  }
0x74: {  	p0 =	sne.s32 s2, $0x0;
	_ =	strace $0x90000047  }
0x75: {  	s0 =	sadd.s32 @!p0 $0x100000, s0;
	[bflag:$0x2] =	sbarrier.arrive $0xFFFF  }
0x76: {  	[sflag:s0] =	ssyncadd.tile.s32 @!p0 $0x1;
	_ =	shalt  }
.Lfunc_end2:
_tile_overlayer_lowered:
.L_overlay_start_2:
0x77: {  	(tag) =	ssettag $0x2  }
0x78: {  	s0 =	rddreg [dreg:$0x0];
	s2 =	stileid.u32  }
0x79: {  	s1 =	rddreg [dreg:$0x1];
	p0 =	sne.s32 s2, $0x0  }
0x7a: {  	s3 =	rddreg [dreg:$0x2];
	[bflag:$0x3] =	sbarrier.arrive $0xFFFF;
	s2 =	simm.s32 @!p0 $0x1C02  }
0x7b: {  	[timem:s3], [sflag:s2] =	dma.local @!p0 [hbm:s0], s1  }
0x7c: {  	s0 =	simm.s32 @!p0 $0x2  }
0x7d: {  	_ =	swait.ge @!p0 [sflag:s0], s1  }
0x7e: {  	s1 =	ssub.s32 @!p0 $0x0, s1;
	[sflag:s0] =	ssyncset.done @!p0 $0x0  }
0x7f: {  	[sflag:s0] =	ssyncadd.s32 @!p0 s1  }
0x80: {  	[bflag:$0x3] =	sbarrier.arrive $0xFFFF  }
0x81: {  	_ =	shalt  }

</sc_bundles>
